<compile_context>
chip_gen: v7x
topology: tpu7x:2x2x1
jax: 0.10.2.dev20260603
libtpu: 0.0.44.dev20260713+nightly
codegen_flags: <defaults>
</compile_context>

<pallas_src>
import functools

import jax
import jax.numpy as jnp
from jax import lax
from jax.experimental import pallas as pl
from jax.experimental.pallas import tpu as pltpu
from jax.experimental.pallas import tpu_sc as plsc

NC = 2
NS = 16
NW = NC * NS
W = 256
LAGG = 4


@functools.lru_cache(maxsize=None)
def _build(V, D, B):
    assert B % (NW * 16) == 0 and D % 16 == 0 and V >= W
    b_per_w = B // NW
    n_grp = b_per_w // 16
    mesh = plsc.VectorSubcoreMesh(core_axis_name="c", subcore_axis_name="s")

    @functools.partial(
        pl.kernel,
        out_type=jax.ShapeDtypeStruct((B * D,), jnp.float32),
        mesh=mesh,
        scratch_types=[
            pltpu.VMEM((n_grp, 16), jnp.int32),
            pltpu.VMEM((W * D,), jnp.float32),
            [pltpu.VMEM((16 * D,), jnp.float32) for _ in range(4)],
            [pltpu.SemaphoreType.DMA for _ in range(4)],
        ],
    )
    def gather_kernel(table_hbm, idx_hbm, out_hbm, idx_v, win, strips, sems):
        wid = lax.axis_index("s") * NC + lax.axis_index("c")
        pltpu.sync_copy(idx_hbm.at[wid], idx_v)
        base = wid * b_per_w
        wmin = idx_v[0, pl.ds(0, 16)][0]
        wmax = idx_v[n_grp - 1, pl.ds(0, 16)][15]
        wstart = jnp.maximum(jnp.minimum(wmin, V - W), 0)

        def m8(x):
            return pl.multiple_of(x, 8)

        def drain16(sem):
            pltpu.make_async_copy(
                win.at[pl.ds(0, 16 * D)], out_hbm.at[pl.ds(0, 16 * D)],
                sem).wait()

        @pl.when(wmax - wstart < W)
        def _fast():
            pltpu.sync_copy(
                table_hbm.at[pl.ds(m8(wstart * D), W * D)], win)

            def super_body(s, rp):
                rp_new = []
                for q in range(4):
                    grp = 4 * s + q
                    pvec = (idx_v[grp, pl.ds(0, 16)] - wstart) * D
                    p0 = pvec[0]
                    uniform = p0 == pvec[15]
                    abase = (base + grp * 16) * D

                    @pl.when(s >= 1)
                    def _(q=q):
                        drain16(sems[q])

                    for l in range(16):
                        pltpu.async_copy(
                            win.at[pl.ds(m8(pvec[l]), D)],
                            out_hbm.at[pl.ds(m8(abase + l * D), D)],
                            sems[q])

                    rp_new.append(jnp.where(uniform, p0, rp[q]))
                return tuple(rp_new)

            lax.fori_loop(0, n_grp // 4, super_body,
                          (jnp.int32(-1),) * 4)
            for q in range(4):
                drain16(sems[q])

        @pl.when(wmax - wstart >= W)
        def _general():
            def fb_group(grp, carry):
                pvec = idx_v[grp, pl.ds(0, 16)] * D
                for l in range(16):
                    pltpu.async_copy(
                        table_hbm.at[pl.ds(m8(pvec[l]), D)],
                        strips[0].at[pl.ds(l * D, D)], sems[0])
                for l in range(16):
                    pltpu.make_async_copy(
                        table_hbm.at[pl.ds(0, D)],
                        strips[0].at[pl.ds(0, D)], sems[0]).wait()
                pltpu.sync_copy(
                    strips[0],
                    out_hbm.at[pl.ds(m8((base + grp * 16) * D), 16 * D)])
                return carry

            lax.fori_loop(0, n_grp, fb_group, 0)

    return gather_kernel


def kernel(system_features, batch_index):
    V, D = system_features.shape
    (B,) = batch_index.shape
    idx = batch_index.astype(jnp.int32).reshape(NW, B // (NW * 16), 16)
    out = _build(V, D, B)(system_features.reshape(-1), idx)
    return out.reshape(B, D)

# --- scband reference (transcript-rebuilt; emitter-appended) ---
"""Pipeline reference for scband-system-to-atoms-77790447665659 (READ-ONLY COPY).

The authoritative reference and input builder live on the scoring server;
editing this copy changes nothing except your own understanding.
"""

import jax, jax.numpy as jnp
import numpy as np

N_SYS = 1024
N_ATOMS = 65536
D = 256

def setup_inputs(seed: int = 0) -> dict:
    key = jax.random.key(seed)
    k1, k2 = jax.random.split(key)
    system_features = jax.random.normal(k1, (N_SYS, D), dtype=jnp.float32)
    batch_index = jnp.sort(jax.random.randint(k2, (N_ATOMS,), 0, N_SYS, dtype=jnp.int64))
    return {"system_features": system_features, "batch_index": batch_index}

def reference(system_features, batch_index):
    # Faithful translation of SystemToAtoms.__call__:
    #   x = inputs[self.key]; output = x[batch_index]
    # The module returns {**inputs, output_key: output}; we return the new
    # atom-wise array (the only computed tensor).
    inputs = {"batch_index": batch_index, "system_features": system_features}
    x = inputs["system_features"]
    output = x[inputs["batch_index"]]
    return output

if __name__ == "__main__":
    import jax
    _d = setup_inputs()
    print(jax.jit(kernel)(*tuple(_d.values())))

</pallas_src>

<mosaic_0001>
#map = affine_map<(d0, d1) -> (0)>
#map1 = affine_map<(d0, d1) -> (0, 0, 0)>
module attributes {stable_mosaic.version = 14 : i64} {
  func.func @gather_kernel(%arg0: i32, %arg1: i32, %arg2: memref<262144xf32, #tpu.memory_space<hbm>>, %arg3: memref<32x128x16xi32, #tpu.memory_space<hbm>>, %arg4: memref<16777216xf32, #tpu.memory_space<hbm>>, %arg5: memref<128x16xi32, #tpu.memory_space<vmem>>, %arg6: memref<65536xf32, #tpu.memory_space<vmem>>, %arg7: memref<4096xf32, #tpu.memory_space<vmem>>, %arg8: memref<4096xf32, #tpu.memory_space<vmem>>, %arg9: memref<4096xf32, #tpu.memory_space<vmem>>, %arg10: memref<4096xf32, #tpu.memory_space<vmem>>, %arg11: memref<!tpu.dma_semaphore, #tpu.memory_space<semaphore_mem>>, %arg12: memref<!tpu.dma_semaphore, #tpu.memory_space<semaphore_mem>>, %arg13: memref<!tpu.dma_semaphore, #tpu.memory_space<semaphore_mem>>, %arg14: memref<!tpu.dma_semaphore, #tpu.memory_space<semaphore_mem>>) attributes {dimension_semantics = [#tpu.dimension_semantics<core_parallel>, #tpu.dimension_semantics<subcore_parallel>], iteration_bounds = array<i64: 2, 16>, scalar_prefetch = 0 : i64, scratch_operands = 10 : i64, tpu.core_type = #tpu.core_type<sc_vector_subcore>, window_params = [{transform_indices = #map}, {transform_indices = #map1}, {transform_indices = #map}]} {
    %mul3A = arith.constant 2 : i32
    %mul3A_0 = arith.muli %arg1, %mul3A : i32
    %add3A = arith.addi %mul3A_0, %arg0 : i32
    "tpu.region"() ({
      %run_scoped3A = tpu.sem_alloc : memref<!tpu.dma_semaphore, #tpu.memory_space<semaphore_mem>>
      %dma_start3A = arith.constant 0 : i32
      %dma_start3A_23 = arith.constant 0 : i32
      %dma_start3A_24 = tpu.memref_slice %arg3[%add3A, %dma_start3A, %dma_start3A_23] : memref<32x128x16xi32, #tpu.memory_space<hbm>> -> memref<1x128x16xi32, #tpu.memory_space<hbm>>
      %dma_start3A_25 = tpu.memref_squeeze %dma_start3A_24 : memref<1x128x16xi32, #tpu.memory_space<hbm>> -> memref<128x16xi32, #tpu.memory_space<hbm>>
      %dma_start3A_26 = arith.constant 0 : i32
      %dma_start3A_27 = arith.constant 0 : i32
      %dma_start3A_28 = tpu.memref_slice %arg3[%add3A, %dma_start3A_26, %dma_start3A_27] : memref<32x128x16xi32, #tpu.memory_space<hbm>> -> memref<1x128x16xi32, #tpu.memory_space<hbm>>
      %dma_start3A_29 = tpu.memref_squeeze %dma_start3A_28 : memref<1x128x16xi32, #tpu.memory_space<hbm>> -> memref<128x16xi32, #tpu.memory_space<hbm>>
      tpu.enqueue_dma source(%dma_start3A_29 : memref<128x16xi32, #tpu.memory_space<hbm>>) target(%arg5 : memref<128x16xi32, #tpu.memory_space<vmem>>) target_semaphore(%run_scoped3A : memref<!tpu.dma_semaphore, #tpu.memory_space<semaphore_mem>>)
      %dma_wait3A = arith.constant 0 : i32
      %dma_wait3A_30 = arith.constant 0 : i32
      %dma_wait3A_31 = tpu.memref_slice %arg3[%add3A, %dma_wait3A, %dma_wait3A_30] : memref<32x128x16xi32, #tpu.memory_space<hbm>> -> memref<1x128x16xi32, #tpu.memory_space<hbm>>
      %dma_wait3A_32 = tpu.memref_squeeze %dma_wait3A_31 : memref<1x128x16xi32, #tpu.memory_space<hbm>> -> memref<128x16xi32, #tpu.memory_space<hbm>>
      %dma_wait3A_33 = arith.constant 0 : i32
      %dma_wait3A_34 = arith.constant 0 : i32
      %dma_wait3A_35 = tpu.memref_slice %arg3[%add3A, %dma_wait3A_33, %dma_wait3A_34] : memref<32x128x16xi32, #tpu.memory_space<hbm>> -> memref<1x128x16xi32, #tpu.memory_space<hbm>>
      %dma_wait3A_36 = tpu.memref_squeeze %dma_wait3A_35 : memref<1x128x16xi32, #tpu.memory_space<hbm>> -> memref<128x16xi32, #tpu.memory_space<hbm>>
      tpu.wait_dma2 semaphore(%run_scoped3A : memref<!tpu.dma_semaphore, #tpu.memory_space<semaphore_mem>>) src(%dma_wait3A_36 : memref<128x16xi32, #tpu.memory_space<hbm>>) dst(%arg5 : memref<128x16xi32, #tpu.memory_space<vmem>>)
      tpu.yield
    }) : () -> ()
    %mul3A_1 = arith.constant 2048 : i32
    %mul3A_2 = arith.muli %add3A, %mul3A_1 : i32
    %get3A = arith.constant 0 : i32
    %get3A_3 = arith.index_cast %get3A : i32 to index
    %get3A_4 = arith.constant 0 : index
    %get3A_5 = tpu.vector_load %arg5[%get3A_3, %get3A_4] {strides = array<i32>} : memref<128x16xi32, #tpu.memory_space<vmem>>, vector<1x16xi32>,
    %get3A_6 = vector.shape_cast %get3A_5 : vector<1x16xi32> to vector<16xi32>
    %slice3A = vector.extract_strided_slice %get3A_6 {offsets = [0], sizes = [1], strides = [1]} : vector<16xi32> to vector<1xi32>
    %squeeze3A = vector.extract %slice3A[0] : i32 from vector<1xi32>
    %get3A_7 = arith.constant 127 : i32
    %get3A_8 = arith.index_cast %get3A_7 : i32 to index
    %get3A_9 = arith.constant 0 : index
    %get3A_10 = tpu.vector_load %arg5[%get3A_8, %get3A_9] {strides = array<i32>} : memref<128x16xi32, #tpu.memory_space<vmem>>, vector<1x16xi32>,
    %get3A_11 = vector.shape_cast %get3A_10 : vector<1x16xi32> to vector<16xi32>
    %slice3A_12 = vector.extract_strided_slice %get3A_11 {offsets = [15], sizes = [1], strides = [1]} : vector<16xi32> to vector<1xi32>
    %squeeze3A_13 = vector.extract %slice3A_12[0] : i32 from vector<1xi32>
    %min3A = arith.constant 768 : i32
    %min3A_14 = arith.minsi %squeeze3A, %min3A : i32
    %max3A = arith.constant 0 : i32
    %max3A_15 = arith.maxsi %min3A_14, %max3A : i32
    %sub3A = arith.subi %squeeze3A_13, %max3A_15 : i32
    %lt3A = arith.constant 256 : i32
    %lt3A_16 = arith.cmpi slt, %sub3A, %lt3A : i32
    %convert_element_type3A = arith.extui %lt3A_16 : i1 to i32
    %cond3A = arith.constant 0 : i32
    %cond3A_17 = arith.cmpi ne, %convert_element_type3A, %cond3A : i32
    scf.if %cond3A_17 {
      %mul3A_23 = arith.constant 256 : i32
      %mul3A_24 = arith.muli %max3A_15, %mul3A_23 : i32
      %multiple_of3A = tpu.assume_multiple %mul3A_24, 8 : i32
      "tpu.region"() ({
        %run_scoped3A = tpu.sem_alloc : memref<!tpu.dma_semaphore, #tpu.memory_space<semaphore_mem>>
        %dma_start3A = tpu.memref_slice %arg2[%multiple_of3A] : memref<262144xf32, #tpu.memory_space<hbm>> -> memref<65536xf32, #tpu.memory_space<hbm>>
        %dma_start3A_65 = tpu.memref_slice %arg2[%multiple_of3A] : memref<262144xf32, #tpu.memory_space<hbm>> -> memref<65536xf32, #tpu.memory_space<hbm>>
        tpu.enqueue_dma source(%dma_start3A_65 : memref<65536xf32, #tpu.memory_space<hbm>>) target(%arg6 : memref<65536xf32, #tpu.memory_space<vmem>>) target_semaphore(%run_scoped3A : memref<!tpu.dma_semaphore, #tpu.memory_space<semaphore_mem>>)
        %dma_wait3A_66 = tpu.memref_slice %arg2[%multiple_of3A] : memref<262144xf32, #tpu.memory_space<hbm>> -> memref<65536xf32, #tpu.memory_space<hbm>>
        %dma_wait3A_67 = tpu.memref_slice %arg2[%multiple_of3A] : memref<262144xf32, #tpu.memory_space<hbm>> -> memref<65536xf32, #tpu.memory_space<hbm>>
        tpu.wait_dma2 semaphore(%run_scoped3A : memref<!tpu.dma_semaphore, #tpu.memory_space<semaphore_mem>>) src(%dma_wait3A_67 : memref<65536xf32, #tpu.memory_space<hbm>>) dst(%arg6 : memref<65536xf32, #tpu.memory_space<vmem>>)
        tpu.yield
      }) : () -> ()
      %scan3A = arith.constant -1 : i32
      %scan3A_25 = arith.constant -1 : i32
      %scan3A_26 = arith.constant -1 : i32
      %scan3A_27 = arith.constant -1 : i32
      %scan3A_28 = arith.constant 0 : i32
      %scan3A_29 = arith.constant 32 : i32
      %scan3A_30 = arith.addi %scan3A_28, %scan3A_29 : i32
      %scan3A_31 = arith.constant 1 : i32
      %scan3A_32:4 = scf.for %scan3A_65 = %scan3A_28 to %scan3A_30 step %scan3A_31 iter_args(%scan3A_66 = %scan3A, %scan3A_67 = %scan3A_25, %scan3A_68 = %scan3A_26, %scan3A_69 = %scan3A_27) -> (i32, i32, i32, i32)  : i32 {
        %mul3A_70 = arith.constant 4 : i32
        %mul3A_71 = arith.muli %mul3A_70, %scan3A_65 : i32
        %add3A_72 = arith.constant 0 : i32
        %add3A_73 = arith.addi %mul3A_71, %add3A_72 : i32
        %get3A_74 = arith.index_cast %add3A_73 : i32 to index
        %get3A_75 = arith.constant 0 : index
        %get3A_76 = tpu.vector_load %arg5[%get3A_74, %get3A_75] {strides = array<i32>} : memref<128x16xi32, #tpu.memory_space<vmem>>, vector<1x16xi32>,
        %get3A_77 = vector.shape_cast %get3A_76 : vector<1x16xi32> to vector<16xi32>
        %sub3A_78 = vector.broadcast %max3A_15 : i32 to vector<16xi32>
        %sub3A_79 = arith.subi %get3A_77, %sub3A_78 : vector<16xi32>
        %mul3A_80 = arith.constant 256 : i32
        %mul3A_81 = vector.broadcast %mul3A_80 : i32 to vector<16xi32>
        %mul3A_82 = arith.muli %sub3A_79, %mul3A_81 : vector<16xi32>
        %slice3A_83 = vector.extract_strided_slice %mul3A_82 {offsets = [0], sizes = [1], strides = [1]} : vector<16xi32> to vector<1xi32>
        %squeeze3A_84 = vector.extract %slice3A_83[0] : i32 from vector<1xi32>
        %slice3A_85 = vector.extract_strided_slice %mul3A_82 {offsets = [15], sizes = [1], strides = [1]} : vector<16xi32> to vector<1xi32>
        %squeeze3A_86 = vector.extract %slice3A_85[0] : i32 from vector<1xi32>
        %eq3A = arith.cmpi eq, %squeeze3A_84, %squeeze3A_86 : i32
        %mul3A_87 = arith.constant 16 : i32
        %mul3A_88 = arith.muli %add3A_73, %mul3A_87 : i32
        %add3A_89 = arith.addi %mul3A_2, %mul3A_88 : i32
        %mul3A_90 = arith.constant 256 : i32
        %mul3A_91 = arith.muli %add3A_89, %mul3A_90 : i32
        %ge3A_92 = arith.constant 1 : i32
        %ge3A_93 = arith.cmpi sge, %scan3A_65, %ge3A_92 : i32
        %convert_element_type3A_94 = arith.extui %ge3A_93 : i1 to i32
        %cond3A_95 = arith.constant 0 : i32
        %cond3A_96 = arith.cmpi ne, %convert_element_type3A_94, %cond3A_95 : i32
        scf.if %cond3A_96 {
          %dma_wait3A_823 = arith.constant 0 : i32
          %dma_wait3A_824 = tpu.memref_slice %arg6[%dma_wait3A_823] : memref<65536xf32, #tpu.memory_space<vmem>> -> memref<4096xf32, #tpu.memory_space<vmem>>
          %dma_wait3A_825 = arith.constant 0 : i32
          %dma_wait3A_826 = tpu.memref_slice %arg4[%dma_wait3A_825] : memref<16777216xf32, #tpu.memory_space<hbm>> -> memref<4096xf32, #tpu.memory_space<hbm>>
          %dma_wait3A_827 = arith.constant 0 : i32
          %dma_wait3A_828 = tpu.memref_slice %arg4[%dma_wait3A_827] : memref<16777216xf32, #tpu.memory_space<hbm>> -> memref<4096xf32, #tpu.memory_space<hbm>>
          %dma_wait3A_829 = arith.constant 0 : i32
          %dma_wait3A_830 = tpu.memref_slice %arg6[%dma_wait3A_829] : memref<65536xf32, #tpu.memory_space<vmem>> -> memref<4096xf32, #tpu.memory_space<vmem>>
          tpu.wait_dma2 semaphore(%arg11 : memref<!tpu.dma_semaphore, #tpu.memory_space<semaphore_mem>>) src(%dma_wait3A_830 : memref<4096xf32, #tpu.memory_space<vmem>>) dst(%dma_wait3A_828 : memref<4096xf32, #tpu.memory_space<hbm>>)
        } else {
        }
        %slice3A_97 = vector.extract_strided_slice %mul3A_82 {offsets = [0], sizes = [1], strides = [1]} : vector<16xi32> to vector<1xi32>
        %squeeze3A_98 = vector.extract %slice3A_97[0] : i32 from vector<1xi32>
        %multiple_of3A_99 = tpu.assume_multiple %squeeze3A_98, 8 : i32
        %add3A_100 = arith.constant 0 : i32
        %add3A_101 = arith.addi %mul3A_91, %add3A_100 : i32
        %multiple_of3A_102 = tpu.assume_multiple %add3A_101, 8 : i32
        %dma_start3A = tpu.memref_slice %arg6[%multiple_of3A_99] : memref<65536xf32, #tpu.memory_space<vmem>> -> memref<256xf32, #tpu.memory_space<vmem>>
        %dma_start3A_103 = tpu.memref_slice %arg4[%multiple_of3A_102] : memref<16777216xf32, #tpu.memory_space<hbm>> -> memref<256xf32, #tpu.memory_space<hbm>>
        %dma_start3A_104 = tpu.memref_slice %arg4[%multiple_of3A_102] : memref<16777216xf32, #tpu.memory_space<hbm>> -> memref<256xf32, #tpu.memory_space<hbm>>
        %dma_start3A_105 = tpu.memref_slice %arg6[%multiple_of3A_99] : memref<65536xf32, #tpu.memory_space<vmem>> -> memref<256xf32, #tpu.memory_space<vmem>>
        tpu.enqueue_dma source(%dma_start3A_105 : memref<256xf32, #tpu.memory_space<vmem>>) target(%dma_start3A_104 : memref<256xf32, #tpu.memory_space<hbm>>) target_semaphore(%arg11 : memref<!tpu.dma_semaphore, #tpu.memory_space<semaphore_mem>>)
        %slice3A_106 = vector.extract_strided_slice %mul3A_82 {offsets = [1], sizes = [1], strides = [1]} : vector<16xi32> to vector<1xi32>
        %squeeze3A_107 = vector.extract %slice3A_106[0] : i32 from vector<1xi32>
        %multiple_of3A_108 = tpu.assume_multiple %squeeze3A_107, 8 : i32
        %add3A_109 = arith.constant 256 : i32
        %add3A_110 = arith.addi %mul3A_91, %add3A_109 : i32
        %multiple_of3A_111 = tpu.assume_multiple %add3A_110, 8 : i32
        %dma_start3A_112 = tpu.memref_slice %arg6[%multiple_of3A_108] : memref<65536xf32, #tpu.memory_space<vmem>> -> memref<256xf32, #tpu.memory_space<vmem>>
        %dma_start3A_113 = tpu.memref_slice %arg4[%multiple_of3A_111] : memref<16777216xf32, #tpu.memory_space<hbm>> -> memref<256xf32, #tpu.memory_space<hbm>>
        %dma_start3A_114 = tpu.memref_slice %arg4[%multiple_of3A_111] : memref<16777216xf32, #tpu.memory_space<hbm>> -> memref<256xf32, #tpu.memory_space<hbm>>
        %dma_start3A_115 = tpu.memref_slice %arg6[%multiple_of3A_108] : memref<65536xf32, #tpu.memory_space<vmem>> -> memref<256xf32, #tpu.memory_space<vmem>>
        tpu.enqueue_dma source(%dma_start3A_115 : memref<256xf32, #tpu.memory_space<vmem>>) target(%dma_start3A_114 : memref<256xf32, #tpu.memory_space<hbm>>) target_semaphore(%arg11 : memref<!tpu.dma_semaphore, #tpu.memory_space<semaphore_mem>>)
        %slice3A_116 = vector.extract_strided_slice %mul3A_82 {offsets = [2], sizes = [1], strides = [1]} : vector<16xi32> to vector<1xi32>
        %squeeze3A_117 = vector.extract %slice3A_116[0] : i32 from vector<1xi32>
        %multiple_of3A_118 = tpu.assume_multiple %squeeze3A_117, 8 : i32
        %add3A_119 = arith.constant 512 : i32
        %add3A_120 = arith.addi %mul3A_91, %add3A_119 : i32
        %multiple_of3A_121 = tpu.assume_multiple %add3A_120, 8 : i32
        %dma_start3A_122 = tpu.memref_slice %arg6[%multiple_of3A_118] : memref<65536xf32, #tpu.memory_space<vmem>> -> memref<256xf32, #tpu.memory_space<vmem>>
        %dma_start3A_123 = tpu.memref_slice %arg4[%multiple_of3A_121] : memref<16777216xf32, #tpu.memory_space<hbm>> -> memref<256xf32, #tpu.memory_space<hbm>>
        %dma_start3A_124 = tpu.memref_slice %arg4[%multiple_of3A_121] : memref<16777216xf32, #tpu.memory_space<hbm>> -> memref<256xf32, #tpu.memory_space<hbm>>
        %dma_start3A_125 = tpu.memref_slice %arg6[%multiple_of3A_118] : memref<65536xf32, #tpu.memory_space<vmem>> -> memref<256xf32, #tpu.memory_space<vmem>>
        tpu.enqueue_dma source(%dma_start3A_125 : memref<256xf32, #tpu.memory_space<vmem>>) target(%dma_start3A_124 : memref<256xf32, #tpu.memory_space<hbm>>) target_semaphore(%arg11 : memref<!tpu.dma_semaphore, #tpu.memory_space<semaphore_mem>>)
        %slice3A_126 = vector.extract_strided_slice %mul3A_82 {offsets = [3], sizes = [1], strides = [1]} : vector<16xi32> to vector<1xi32>
        %squeeze3A_127 = vector.extract %slice3A_126[0] : i32 from vector<1xi32>
        %multiple_of3A_128 = tpu.assume_multiple %squeeze3A_127, 8 : i32
        %add3A_129 = arith.constant 768 : i32
        %add3A_130 = arith.addi %mul3A_91, %add3A_129 : i32
        %multiple_of3A_131 = tpu.assume_multiple %add3A_130, 8 : i32
        %dma_start3A_132 = tpu.memref_slice %arg6[%multiple_of3A_128] : memref<65536xf32, #tpu.memory_space<vmem>> -> memref<256xf32, #tpu.memory_space<vmem>>
        %dma_start3A_133 = tpu.memref_slice %arg4[%multiple_of3A_131] : memref<16777216xf32, #tpu.memory_space<hbm>> -> memref<256xf32, #tpu.memory_space<hbm>>
        %dma_start3A_134 = tpu.memref_slice %arg4[%multiple_of3A_131] : memref<16777216xf32, #tpu.memory_space<hbm>> -> memref<256xf32, #tpu.memory_space<hbm>>
        %dma_start3A_135 = tpu.memref_slice %arg6[%multiple_of3A_128] : memref<65536xf32, #tpu.memory_space<vmem>> -> memref<256xf32, #tpu.memory_space<vmem>>
        tpu.enqueue_dma source(%dma_start3A_135 : memref<256xf32, #tpu.memory_space<vmem>>) target(%dma_start3A_134 : memref<256xf32, #tpu.memory_space<hbm>>) target_semaphore(%arg11 : memref<!tpu.dma_semaphore, #tpu.memory_space<semaphore_mem>>)
        %slice3A_136 = vector.extract_strided_slice %mul3A_82 {offsets = [4], sizes = [1], strides = [1]} : vector<16xi32> to vector<1xi32>
        %squeeze3A_137 = vector.extract %slice3A_136[0] : i32 from vector<1xi32>
        %multiple_of3A_138 = tpu.assume_multiple %squeeze3A_137, 8 : i32
        %add3A_139 = arith.constant 1024 : i32
        %add3A_140 = arith.addi %mul3A_91, %add3A_139 : i32
        %multiple_of3A_141 = tpu.assume_multiple %add3A_140, 8 : i32
        %dma_start3A_142 = tpu.memref_slice %arg6[%multiple_of3A_138] : memref<65536xf32, #tpu.memory_space<vmem>> -> memref<256xf32, #tpu.memory_space<vmem>>
        %dma_start3A_143 = tpu.memref_slice %arg4[%multiple_of3A_141] : memref<16777216xf32, #tpu.memory_space<hbm>> -> memref<256xf32, #tpu.memory_space<hbm>>
        %dma_start3A_144 = tpu.memref_slice %arg4[%multiple_of3A_141] : memref<16777216xf32, #tpu.memory_space<hbm>> -> memref<256xf32, #tpu.memory_space<hbm>>
        %dma_start3A_145 = tpu.memref_slice %arg6[%multiple_of3A_138] : memref<65536xf32, #tpu.memory_space<vmem>> -> memref<256xf32, #tpu.memory_space<vmem>>
        tpu.enqueue_dma source(%dma_start3A_145 : memref<256xf32, #tpu.memory_space<vmem>>) target(%dma_start3A_144 : memref<256xf32, #tpu.memory_space<hbm>>) target_semaphore(%arg11 : memref<!tpu.dma_semaphore, #tpu.memory_space<semaphore_mem>>)
        %slice3A_146 = vector.extract_strided_slice %mul3A_82 {offsets = [5], sizes = [1], strides = [1]} : vector<16xi32> to vector<1xi32>
        %squeeze3A_147 = vector.extract %slice3A_146[0] : i32 from vector<1xi32>
        %multiple_of3A_148 = tpu.assume_multiple %squeeze3A_147, 8 : i32
        %add3A_149 = arith.constant 1280 : i32
        %add3A_150 = arith.addi %mul3A_91, %add3A_149 : i32
        %multiple_of3A_151 = tpu.assume_multiple %add3A_150, 8 : i32
        %dma_start3A_152 = tpu.memref_slice %arg6[%multiple_of3A_148] : memref<65536xf32, #tpu.memory_space<vmem>> -> memref<256xf32, #tpu.memory_space<vmem>>
        %dma_start3A_153 = tpu.memref_slice %arg4[%multiple_of3A_151] : memref<16777216xf32, #tpu.memory_space<hbm>> -> memref<256xf32, #tpu.memory_space<hbm>>
        %dma_start3A_154 = tpu.memref_slice %arg4[%multiple_of3A_151] : memref<16777216xf32, #tpu.memory_space<hbm>> -> memref<256xf32, #tpu.memory_space<hbm>>
        %dma_start3A_155 = tpu.memref_slice %arg6[%multiple_of3A_148] : memref<65536xf32, #tpu.memory_space<vmem>> -> memref<256xf32, #tpu.memory_space<vmem>>
        tpu.enqueue_dma source(%dma_start3A_155 : memref<256xf32, #tpu.memory_space<vmem>>) target(%dma_start3A_154 : memref<256xf32, #tpu.memory_space<hbm>>) target_semaphore(%arg11 : memref<!tpu.dma_semaphore, #tpu.memory_space<semaphore_mem>>)
        %slice3A_156 = vector.extract_strided_slice %mul3A_82 {offsets = [6], sizes = [1], strides = [1]} : vector<16xi32> to vector<1xi32>
        %squeeze3A_157 = vector.extract %slice3A_156[0] : i32 from vector<1xi32>
        %multiple_of3A_158 = tpu.assume_multiple %squeeze3A_157, 8 : i32
        %add3A_159 = arith.constant 1536 : i32
        %add3A_160 = arith.addi %mul3A_91, %add3A_159 : i32
        %multiple_of3A_161 = tpu.assume_multiple %add3A_160, 8 : i32
        %dma_start3A_162 = tpu.memref_slice %arg6[%multiple_of3A_158] : memref<65536xf32, #tpu.memory_space<vmem>> -> memref<256xf32, #tpu.memory_space<vmem>>
        %dma_start3A_163 = tpu.memref_slice %arg4[%multiple_of3A_161] : memref<16777216xf32, #tpu.memory_space<hbm>> -> memref<256xf32, #tpu.memory_space<hbm>>
        %dma_start3A_164 = tpu.memref_slice %arg4[%multiple_of3A_161] : memref<16777216xf32, #tpu.memory_space<hbm>> -> memref<256xf32, #tpu.memory_space<hbm>>
        %dma_start3A_165 = tpu.memref_slice %arg6[%multiple_of3A_158] : memref<65536xf32, #tpu.memory_space<vmem>> -> memref<256xf32, #tpu.memory_space<vmem>>
        tpu.enqueue_dma source(%dma_start3A_165 : memref<256xf32, #tpu.memory_space<vmem>>) target(%dma_start3A_164 : memref<256xf32, #tpu.memory_space<hbm>>) target_semaphore(%arg11 : memref<!tpu.dma_semaphore, #tpu.memory_space<semaphore_mem>>)
        %slice3A_166 = vector.extract_strided_slice %mul3A_82 {offsets = [7], sizes = [1], strides = [1]} : vector<16xi32> to vector<1xi32>
        %squeeze3A_167 = vector.extract %slice3A_166[0] : i32 from vector<1xi32>
        %multiple_of3A_168 = tpu.assume_multiple %squeeze3A_167, 8 : i32
        %add3A_169 = arith.constant 1792 : i32
        %add3A_170 = arith.addi %mul3A_91, %add3A_169 : i32
        %multiple_of3A_171 = tpu.assume_multiple %add3A_170, 8 : i32
        %dma_start3A_172 = tpu.memref_slice %arg6[%multiple_of3A_168] : memref<65536xf32, #tpu.memory_space<vmem>> -> memref<256xf32, #tpu.memory_space<vmem>>
        %dma_start3A_173 = tpu.memref_slice %arg4[%multiple_of3A_171] : memref<16777216xf32, #tpu.memory_space<hbm>> -> memref<256xf32, #tpu.memory_space<hbm>>
        %dma_start3A_174 = tpu.memref_slice %arg4[%multiple_of3A_171] : memref<16777216xf32, #tpu.memory_space<hbm>> -> memref<256xf32, #tpu.memory_space<hbm>>
        %dma_start3A_175 = tpu.memref_slice %arg6[%multiple_of3A_168] : memref<65536xf32, #tpu.memory_space<vmem>> -> memref<256xf32, #tpu.memory_space<vmem>>
        tpu.enqueue_dma source(%dma_start3A_175 : memref<256xf32, #tpu.memory_space<vmem>>) target(%dma_start3A_174 : memref<256xf32, #tpu.memory_space<hbm>>) target_semaphore(%arg11 : memref<!tpu.dma_semaphore, #tpu.memory_space<semaphore_mem>>)
        %slice3A_176 = vector.extract_strided_slice %mul3A_82 {offsets = [8], sizes = [1], strides = [1]} : vector<16xi32> to vector<1xi32>
        %squeeze3A_177 = vector.extract %slice3A_176[0] : i32 from vector<1xi32>
        %multiple_of3A_178 = tpu.assume_multiple %squeeze3A_177, 8 : i32
        %add3A_179 = arith.constant 2048 : i32
        %add3A_180 = arith.addi %mul3A_91, %add3A_179 : i32
        %multiple_of3A_181 = tpu.assume_multiple %add3A_180, 8 : i32
        %dma_start3A_182 = tpu.memref_slice %arg6[%multiple_of3A_178] : memref<65536xf32, #tpu.memory_space<vmem>> -> memref<256xf32, #tpu.memory_space<vmem>>
        %dma_start3A_183 = tpu.memref_slice %arg4[%multiple_of3A_181] : memref<16777216xf32, #tpu.memory_space<hbm>> -> memref<256xf32, #tpu.memory_space<hbm>>
        %dma_start3A_184 = tpu.memref_slice %arg4[%multiple_of3A_181] : memref<16777216xf32, #tpu.memory_space<hbm>> -> memref<256xf32, #tpu.memory_space<hbm>>
        %dma_start3A_185 = tpu.memref_slice %arg6[%multiple_of3A_178] : memref<65536xf32, #tpu.memory_space<vmem>> -> memref<256xf32, #tpu.memory_space<vmem>>
        tpu.enqueue_dma source(%dma_start3A_185 : memref<256xf32, #tpu.memory_space<vmem>>) target(%dma_start3A_184 : memref<256xf32, #tpu.memory_space<hbm>>) target_semaphore(%arg11 : memref<!tpu.dma_semaphore, #tpu.memory_space<semaphore_mem>>)
        %slice3A_186 = vector.extract_strided_slice %mul3A_82 {offsets = [9], sizes = [1], strides = [1]} : vector<16xi32> to vector<1xi32>
        %squeeze3A_187 = vector.extract %slice3A_186[0] : i32 from vector<1xi32>
        %multiple_of3A_188 = tpu.assume_multiple %squeeze3A_187, 8 : i32
        %add3A_189 = arith.constant 2304 : i32
        %add3A_190 = arith.addi %mul3A_91, %add3A_189 : i32
        %multiple_of3A_191 = tpu.assume_multiple %add3A_190, 8 : i32
        %dma_start3A_192 = tpu.memref_slice %arg6[%multiple_of3A_188] : memref<65536xf32, #tpu.memory_space<vmem>> -> memref<256xf32, #tpu.memory_space<vmem>>
        %dma_start3A_193 = tpu.memref_slice %arg4[%multiple_of3A_191] : memref<16777216xf32, #tpu.memory_space<hbm>> -> memref<256xf32, #tpu.memory_space<hbm>>
        %dma_start3A_194 = tpu.memref_slice %arg4[%multiple_of3A_191] : memref<16777216xf32, #tpu.memory_space<hbm>> -> memref<256xf32, #tpu.memory_space<hbm>>
        %dma_start3A_195 = tpu.memref_slice %arg6[%multiple_of3A_188] : memref<65536xf32, #tpu.memory_space<vmem>> -> memref<256xf32, #tpu.memory_space<vmem>>
        tpu.enqueue_dma source(%dma_start3A_195 : memref<256xf32, #tpu.memory_space<vmem>>) target(%dma_start3A_194 : memref<256xf32, #tpu.memory_space<hbm>>) target_semaphore(%arg11 : memref<!tpu.dma_semaphore, #tpu.memory_space<semaphore_mem>>)
        %slice3A_196 = vector.extract_strided_slice %mul3A_82 {offsets = [10], sizes = [1], strides = [1]} : vector<16xi32> to vector<1xi32>
        %squeeze3A_197 = vector.extract %slice3A_196[0] : i32 from vector<1xi32>
        %multiple_of3A_198 = tpu.assume_multiple %squeeze3A_197, 8 : i32
        %add3A_199 = arith.constant 2560 : i32
        %add3A_200 = arith.addi %mul3A_91, %add3A_199 : i32
        %multiple_of3A_201 = tpu.assume_multiple %add3A_200, 8 : i32
        %dma_start3A_202 = tpu.memref_slice %arg6[%multiple_of3A_198] : memref<65536xf32, #tpu.memory_space<vmem>> -> memref<256xf32, #tpu.memory_space<vmem>>
        %dma_start3A_203 = tpu.memref_slice %arg4[%multiple_of3A_201] : memref<16777216xf32, #tpu.memory_space<hbm>> -> memref<256xf32, #tpu.memory_space<hbm>>
        %dma_start3A_204 = tpu.memref_slice %arg4[%multiple_of3A_201] : memref<16777216xf32, #tpu.memory_space<hbm>> -> memref<256xf32, #tpu.memory_space<hbm>>
        %dma_start3A_205 = tpu.memref_slice %arg6[%multiple_of3A_198] : memref<65536xf32, #tpu.memory_space<vmem>> -> memref<256xf32, #tpu.memory_space<vmem>>
        tpu.enqueue_dma source(%dma_start3A_205 : memref<256xf32, #tpu.memory_space<vmem>>) target(%dma_start3A_204 : memref<256xf32, #tpu.memory_space<hbm>>) target_semaphore(%arg11 : memref<!tpu.dma_semaphore, #tpu.memory_space<semaphore_mem>>)
        %slice3A_206 = vector.extract_strided_slice %mul3A_82 {offsets = [11], sizes = [1], strides = [1]} : vector<16xi32> to vector<1xi32>
        %squeeze3A_207 = vector.extract %slice3A_206[0] : i32 from vector<1xi32>
        %multiple_of3A_208 = tpu.assume_multiple %squeeze3A_207, 8 : i32
        %add3A_209 = arith.constant 2816 : i32
        %add3A_210 = arith.addi %mul3A_91, %add3A_209 : i32
        %multiple_of3A_211 = tpu.assume_multiple %add3A_210, 8 : i32
        %dma_start3A_212 = tpu.memref_slice %arg6[%multiple_of3A_208] : memref<65536xf32, #tpu.memory_space<vmem>> -> memref<256xf32, #tpu.memory_space<vmem>>
        %dma_start3A_213 = tpu.memref_slice %arg4[%multiple_of3A_211] : memref<16777216xf32, #tpu.memory_space<hbm>> -> memref<256xf32, #tpu.memory_space<hbm>>
        %dma_start3A_214 = tpu.memref_slice %arg4[%multiple_of3A_211] : memref<16777216xf32, #tpu.memory_space<hbm>> -> memref<256xf32, #tpu.memory_space<hbm>>
        %dma_start3A_215 = tpu.memref_slice %arg6[%multiple_of3A_208] : memref<65536xf32, #tpu.memory_space<vmem>> -> memref<256xf32, #tpu.memory_space<vmem>>
        tpu.enqueue_dma source(%dma_start3A_215 : memref<256xf32, #tpu.memory_space<vmem>>) target(%dma_start3A_214 : memref<256xf32, #tpu.memory_space<hbm>>) target_semaphore(%arg11 : memref<!tpu.dma_semaphore, #tpu.memory_space<semaphore_mem>>)
        %slice3A_216 = vector.extract_strided_slice %mul3A_82 {offsets = [12], sizes = [1], strides = [1]} : vector<16xi32> to vector<1xi32>
        %squeeze3A_217 = vector.extract %slice3A_216[0] : i32 from vector<1xi32>
        %multiple_of3A_218 = tpu.assume_multiple %squeeze3A_217, 8 : i32
        %add3A_219 = arith.constant 3072 : i32
        %add3A_220 = arith.addi %mul3A_91, %add3A_219 : i32
        %multiple_of3A_221 = tpu.assume_multiple %add3A_220, 8 : i32
        %dma_start3A_222 = tpu.memref_slice %arg6[%multiple_of3A_218] : memref<65536xf32, #tpu.memory_space<vmem>> -> memref<256xf32, #tpu.memory_space<vmem>>
        %dma_start3A_223 = tpu.memref_slice %arg4[%multiple_of3A_221] : memref<16777216xf32, #tpu.memory_space<hbm>> -> memref<256xf32, #tpu.memory_space<hbm>>
        %dma_start3A_224 = tpu.memref_slice %arg4[%multiple_of3A_221] : memref<16777216xf32, #tpu.memory_space<hbm>> -> memref<256xf32, #tpu.memory_space<hbm>>
        %dma_start3A_225 = tpu.memref_slice %arg6[%multiple_of3A_218] : memref<65536xf32, #tpu.memory_space<vmem>> -> memref<256xf32, #tpu.memory_space<vmem>>
        tpu.enqueue_dma source(%dma_start3A_225 : memref<256xf32, #tpu.memory_space<vmem>>) target(%dma_start3A_224 : memref<256xf32, #tpu.memory_space<hbm>>) target_semaphore(%arg11 : memref<!tpu.dma_semaphore, #tpu.memory_space<semaphore_mem>>)
        %slice3A_226 = vector.extract_strided_slice %mul3A_82 {offsets = [13], sizes = [1], strides = [1]} : vector<16xi32> to vector<1xi32>
        %squeeze3A_227 = vector.extract %slice3A_226[0] : i32 from vector<1xi32>
        %multiple_of3A_228 = tpu.assume_multiple %squeeze3A_227, 8 : i32
        %add3A_229 = arith.constant 3328 : i32
        %add3A_230 = arith.addi %mul3A_91, %add3A_229 : i32
        %multiple_of3A_231 = tpu.assume_multiple %add3A_230, 8 : i32
        %dma_start3A_232 = tpu.memref_slice %arg6[%multiple_of3A_228] : memref<65536xf32, #tpu.memory_space<vmem>> -> memref<256xf32, #tpu.memory_space<vmem>>
        %dma_start3A_233 = tpu.memref_slice %arg4[%multiple_of3A_231] : memref<16777216xf32, #tpu.memory_space<hbm>> -> memref<256xf32, #tpu.memory_space<hbm>>
        %dma_start3A_234 = tpu.memref_slice %arg4[%multiple_of3A_231] : memref<16777216xf32, #tpu.memory_space<hbm>> -> memref<256xf32, #tpu.memory_space<hbm>>
        %dma_start3A_235 = tpu.memref_slice %arg6[%multiple_of3A_228] : memref<65536xf32, #tpu.memory_space<vmem>> -> memref<256xf32, #tpu.memory_space<vmem>>
        tpu.enqueue_dma source(%dma_start3A_235 : memref<256xf32, #tpu.memory_space<vmem>>) target(%dma_start3A_234 : memref<256xf32, #tpu.memory_space<hbm>>) target_semaphore(%arg11 : memref<!tpu.dma_semaphore, #tpu.memory_space<semaphore_mem>>)
        %slice3A_236 = vector.extract_strided_slice %mul3A_82 {offsets = [14], sizes = [1], strides = [1]} : vector<16xi32> to vector<1xi32>
        %squeeze3A_237 = vector.extract %slice3A_236[0] : i32 from vector<1xi32>
        %multiple_of3A_238 = tpu.assume_multiple %squeeze3A_237, 8 : i32
        %add3A_239 = arith.constant 3584 : i32
        %add3A_240 = arith.addi %mul3A_91, %add3A_239 : i32
        %multiple_of3A_241 = tpu.assume_multiple %add3A_240, 8 : i32
        %dma_start3A_242 = tpu.memref_slice %arg6[%multiple_of3A_238] : memref<65536xf32, #tpu.memory_space<vmem>> -> memref<256xf32, #tpu.memory_space<vmem>>
        %dma_start3A_243 = tpu.memref_slice %arg4[%multiple_of3A_241] : memref<16777216xf32, #tpu.memory_space<hbm>> -> memref<256xf32, #tpu.memory_space<hbm>>
        %dma_start3A_244 = tpu.memref_slice %arg4[%multiple_of3A_241] : memref<16777216xf32, #tpu.memory_space<hbm>> -> memref<256xf32, #tpu.memory_space<hbm>>
        %dma_start3A_245 = tpu.memref_slice %arg6[%multiple_of3A_238] : memref<65536xf32, #tpu.memory_space<vmem>> -> memref<256xf32, #tpu.memory_space<vmem>>
        tpu.enqueue_dma source(%dma_start3A_245 : memref<256xf32, #tpu.memory_space<vmem>>) target(%dma_start3A_244 : memref<256xf32, #tpu.memory_space<hbm>>) target_semaphore(%arg11 : memref<!tpu.dma_semaphore, #tpu.memory_space<semaphore_mem>>)
        %slice3A_246 = vector.extract_strided_slice %mul3A_82 {offsets = [15], sizes = [1], strides = [1]} : vector<16xi32> to vector<1xi32>
        %squeeze3A_247 = vector.extract %slice3A_246[0] : i32 from vector<1xi32>
        %multiple_of3A_248 = tpu.assume_multiple %squeeze3A_247, 8 : i32
        %add3A_249 = arith.constant 3840 : i32
        %add3A_250 = arith.addi %mul3A_91, %add3A_249 : i32
        %multiple_of3A_251 = tpu.assume_multiple %add3A_250, 8 : i32
        %dma_start3A_252 = tpu.memref_slice %arg6[%multiple_of3A_248] : memref<65536xf32, #tpu.memory_space<vmem>> -> memref<256xf32, #tpu.memory_space<vmem>>
        %dma_start3A_253 = tpu.memref_slice %arg4[%multiple_of3A_251] : memref<16777216xf32, #tpu.memory_space<hbm>> -> memref<256xf32, #tpu.memory_space<hbm>>
        %dma_start3A_254 = tpu.memref_slice %arg4[%multiple_of3A_251] : memref<16777216xf32, #tpu.memory_space<hbm>> -> memref<256xf32, #tpu.memory_space<hbm>>
        %dma_start3A_255 = tpu.memref_slice %arg6[%multiple_of3A_248] : memref<65536xf32, #tpu.memory_space<vmem>> -> memref<256xf32, #tpu.memory_space<vmem>>
        tpu.enqueue_dma source(%dma_start3A_255 : memref<256xf32, #tpu.memory_space<vmem>>) target(%dma_start3A_254 : memref<256xf32, #tpu.memory_space<hbm>>) target_semaphore(%arg11 : memref<!tpu.dma_semaphore, #tpu.memory_space<semaphore_mem>>)
        %select_n3A = arith.select %eq3A, %squeeze3A_84, %scan3A_66 : i32
        %mul3A_256 = arith.constant 4 : i32
        %mul3A_257 = arith.muli %mul3A_256, %scan3A_65 : i32
        %add3A_258 = arith.constant 1 : i32
        %add3A_259 = arith.addi %mul3A_257, %add3A_258 : i32
        %get3A_260 = arith.index_cast %add3A_259 : i32 to index
        %get3A_261 = arith.constant 0 : index
        %get3A_262 = tpu.vector_load %arg5[%get3A_260, %get3A_261] {strides = array<i32>} : memref<128x16xi32, #tpu.memory_space<vmem>>, vector<1x16xi32>,
        %get3A_263 = vector.shape_cast %get3A_262 : vector<1x16xi32> to vector<16xi32>
        %sub3A_264 = vector.broadcast %max3A_15 : i32 to vector<16xi32>
        %sub3A_265 = arith.subi %get3A_263, %sub3A_264 : vector<16xi32>
        %mul3A_266 = arith.constant 256 : i32
        %mul3A_267 = vector.broadcast %mul3A_266 : i32 to vector<16xi32>
        %mul3A_268 = arith.muli %sub3A_265, %mul3A_267 : vector<16xi32>
        %slice3A_269 = vector.extract_strided_slice %mul3A_268 {offsets = [0], sizes = [1], strides = [1]} : vector<16xi32> to vector<1xi32>
        %squeeze3A_270 = vector.extract %slice3A_269[0] : i32 from vector<1xi32>
        %slice3A_271 = vector.extract_strided_slice %mul3A_268 {offsets = [15], sizes = [1], strides = [1]} : vector<16xi32> to vector<1xi32>
        %squeeze3A_272 = vector.extract %slice3A_271[0] : i32 from vector<1xi32>
        %eq3A_273 = arith.cmpi eq, %squeeze3A_270, %squeeze3A_272 : i32
        %mul3A_274 = arith.constant 16 : i32
        %mul3A_275 = arith.muli %add3A_259, %mul3A_274 : i32
        %add3A_276 = arith.addi %mul3A_2, %mul3A_275 : i32
        %mul3A_277 = arith.constant 256 : i32
        %mul3A_278 = arith.muli %add3A_276, %mul3A_277 : i32
        %ge3A_279 = arith.constant 1 : i32
        %ge3A_280 = arith.cmpi sge, %scan3A_65, %ge3A_279 : i32
        %convert_element_type3A_281 = arith.extui %ge3A_280 : i1 to i32
        %cond3A_282 = arith.constant 0 : i32
        %cond3A_283 = arith.cmpi ne, %convert_element_type3A_281, %cond3A_282 : i32
        scf.if %cond3A_283 {
          %dma_wait3A_823 = arith.constant 0 : i32
          %dma_wait3A_824 = tpu.memref_slice %arg6[%dma_wait3A_823] : memref<65536xf32, #tpu.memory_space<vmem>> -> memref<4096xf32, #tpu.memory_space<vmem>>
          %dma_wait3A_825 = arith.constant 0 : i32
          %dma_wait3A_826 = tpu.memref_slice %arg4[%dma_wait3A_825] : memref<16777216xf32, #tpu.memory_space<hbm>> -> memref<4096xf32, #tpu.memory_space<hbm>>
          %dma_wait3A_827 = arith.constant 0 : i32
          %dma_wait3A_828 = tpu.memref_slice %arg4[%dma_wait3A_827] : memref<16777216xf32, #tpu.memory_space<hbm>> -> memref<4096xf32, #tpu.memory_space<hbm>>
          %dma_wait3A_829 = arith.constant 0 : i32
          %dma_wait3A_830 = tpu.memref_slice %arg6[%dma_wait3A_829] : memref<65536xf32, #tpu.memory_space<vmem>> -> memref<4096xf32, #tpu.memory_space<vmem>>
          tpu.wait_dma2 semaphore(%arg12 : memref<!tpu.dma_semaphore, #tpu.memory_space<semaphore_mem>>) src(%dma_wait3A_830 : memref<4096xf32, #tpu.memory_space<vmem>>) dst(%dma_wait3A_828 : memref<4096xf32, #tpu.memory_space<hbm>>)
        } else {
        }
        %slice3A_284 = vector.extract_strided_slice %mul3A_268 {offsets = [0], sizes = [1], strides = [1]} : vector<16xi32> to vector<1xi32>
        %squeeze3A_285 = vector.extract %slice3A_284[0] : i32 from vector<1xi32>
        %multiple_of3A_286 = tpu.assume_multiple %squeeze3A_285, 8 : i32
        %add3A_287 = arith.constant 0 : i32
        %add3A_288 = arith.addi %mul3A_278, %add3A_287 : i32
        %multiple_of3A_289 = tpu.assume_multiple %add3A_288, 8 : i32
        %dma_start3A_290 = tpu.memref_slice %arg6[%multiple_of3A_286] : memref<65536xf32, #tpu.memory_space<vmem>> -> memref<256xf32, #tpu.memory_space<vmem>>
        %dma_start3A_291 = tpu.memref_slice %arg4[%multiple_of3A_289] : memref<16777216xf32, #tpu.memory_space<hbm>> -> memref<256xf32, #tpu.memory_space<hbm>>
        %dma_start3A_292 = tpu.memref_slice %arg4[%multiple_of3A_289] : memref<16777216xf32, #tpu.memory_space<hbm>> -> memref<256xf32, #tpu.memory_space<hbm>>
        %dma_start3A_293 = tpu.memref_slice %arg6[%multiple_of3A_286] : memref<65536xf32, #tpu.memory_space<vmem>> -> memref<256xf32, #tpu.memory_space<vmem>>
        tpu.enqueue_dma source(%dma_start3A_293 : memref<256xf32, #tpu.memory_space<vmem>>) target(%dma_start3A_292 : memref<256xf32, #tpu.memory_space<hbm>>) target_semaphore(%arg12 : memref<!tpu.dma_semaphore, #tpu.memory_space<semaphore_mem>>)
        %slice3A_294 = vector.extract_strided_slice %mul3A_268 {offsets = [1], sizes = [1], strides = [1]} : vector<16xi32> to vector<1xi32>
        %squeeze3A_295 = vector.extract %slice3A_294[0] : i32 from vector<1xi32>
        %multiple_of3A_296 = tpu.assume_multiple %squeeze3A_295, 8 : i32
        %add3A_297 = arith.constant 256 : i32
        %add3A_298 = arith.addi %mul3A_278, %add3A_297 : i32
        %multiple_of3A_299 = tpu.assume_multiple %add3A_298, 8 : i32
        %dma_start3A_300 = tpu.memref_slice %arg6[%multiple_of3A_296] : memref<65536xf32, #tpu.memory_space<vmem>> -> memref<256xf32, #tpu.memory_space<vmem>>
        %dma_start3A_301 = tpu.memref_slice %arg4[%multiple_of3A_299] : memref<16777216xf32, #tpu.memory_space<hbm>> -> memref<256xf32, #tpu.memory_space<hbm>>
        %dma_start3A_302 = tpu.memref_slice %arg4[%multiple_of3A_299] : memref<16777216xf32, #tpu.memory_space<hbm>> -> memref<256xf32, #tpu.memory_space<hbm>>
        %dma_start3A_303 = tpu.memref_slice %arg6[%multiple_of3A_296] : memref<65536xf32, #tpu.memory_space<vmem>> -> memref<256xf32, #tpu.memory_space<vmem>>
        tpu.enqueue_dma source(%dma_start3A_303 : memref<256xf32, #tpu.memory_space<vmem>>) target(%dma_start3A_302 : memref<256xf32, #tpu.memory_space<hbm>>) target_semaphore(%arg12 : memref<!tpu.dma_semaphore, #tpu.memory_space<semaphore_mem>>)
        %slice3A_304 = vector.extract_strided_slice %mul3A_268 {offsets = [2], sizes = [1], strides = [1]} : vector<16xi32> to vector<1xi32>
        %squeeze3A_305 = vector.extract %slice3A_304[0] : i32 from vector<1xi32>
        %multiple_of3A_306 = tpu.assume_multiple %squeeze3A_305, 8 : i32
        %add3A_307 = arith.constant 512 : i32
        %add3A_308 = arith.addi %mul3A_278, %add3A_307 : i32
        %multiple_of3A_309 = tpu.assume_multiple %add3A_308, 8 : i32
        %dma_start3A_310 = tpu.memref_slice %arg6[%multiple_of3A_306] : memref<65536xf32, #tpu.memory_space<vmem>> -> memref<256xf32, #tpu.memory_space<vmem>>
        %dma_start3A_311 = tpu.memref_slice %arg4[%multiple_of3A_309] : memref<16777216xf32, #tpu.memory_space<hbm>> -> memref<256xf32, #tpu.memory_space<hbm>>
        %dma_start3A_312 = tpu.memref_slice %arg4[%multiple_of3A_309] : memref<16777216xf32, #tpu.memory_space<hbm>> -> memref<256xf32, #tpu.memory_space<hbm>>
        %dma_start3A_313 = tpu.memref_slice %arg6[%multiple_of3A_306] : memref<65536xf32, #tpu.memory_space<vmem>> -> memref<256xf32, #tpu.memory_space<vmem>>
        tpu.enqueue_dma source(%dma_start3A_313 : memref<256xf32, #tpu.memory_space<vmem>>) target(%dma_start3A_312 : memref<256xf32, #tpu.memory_space<hbm>>) target_semaphore(%arg12 : memref<!tpu.dma_semaphore, #tpu.memory_space<semaphore_mem>>)
        %slice3A_314 = vector.extract_strided_slice %mul3A_268 {offsets = [3], sizes = [1], strides = [1]} : vector<16xi32> to vector<1xi32>
        %squeeze3A_315 = vector.extract %slice3A_314[0] : i32 from vector<1xi32>
        %multiple_of3A_316 = tpu.assume_multiple %squeeze3A_315, 8 : i32
        %add3A_317 = arith.constant 768 : i32
        %add3A_318 = arith.addi %mul3A_278, %add3A_317 : i32
        %multiple_of3A_319 = tpu.assume_multiple %add3A_318, 8 : i32
        %dma_start3A_320 = tpu.memref_slice %arg6[%multiple_of3A_316] : memref<65536xf32, #tpu.memory_space<vmem>> -> memref<256xf32, #tpu.memory_space<vmem>>
        %dma_start3A_321 = tpu.memref_slice %arg4[%multiple_of3A_319] : memref<16777216xf32, #tpu.memory_space<hbm>> -> memref<256xf32, #tpu.memory_space<hbm>>
        %dma_start3A_322 = tpu.memref_slice %arg4[%multiple_of3A_319] : memref<16777216xf32, #tpu.memory_space<hbm>> -> memref<256xf32, #tpu.memory_space<hbm>>
        %dma_start3A_323 = tpu.memref_slice %arg6[%multiple_of3A_316] : memref<65536xf32, #tpu.memory_space<vmem>> -> memref<256xf32, #tpu.memory_space<vmem>>
        tpu.enqueue_dma source(%dma_start3A_323 : memref<256xf32, #tpu.memory_space<vmem>>) target(%dma_start3A_322 : memref<256xf32, #tpu.memory_space<hbm>>) target_semaphore(%arg12 : memref<!tpu.dma_semaphore, #tpu.memory_space<semaphore_mem>>)
        %slice3A_324 = vector.extract_strided_slice %mul3A_268 {offsets = [4], sizes = [1], strides = [1]} : vector<16xi32> to vector<1xi32>
        %squeeze3A_325 = vector.extract %slice3A_324[0] : i32 from vector<1xi32>
        %multiple_of3A_326 = tpu.assume_multiple %squeeze3A_325, 8 : i32
        %add3A_327 = arith.constant 1024 : i32
        %add3A_328 = arith.addi %mul3A_278, %add3A_327 : i32
        %multiple_of3A_329 = tpu.assume_multiple %add3A_328, 8 : i32
        %dma_start3A_330 = tpu.memref_slice %arg6[%multiple_of3A_326] : memref<65536xf32, #tpu.memory_space<vmem>> -> memref<256xf32, #tpu.memory_space<vmem>>
        %dma_start3A_331 = tpu.memref_slice %arg4[%multiple_of3A_329] : memref<16777216xf32, #tpu.memory_space<hbm>> -> memref<256xf32, #tpu.memory_space<hbm>>
        %dma_start3A_332 = tpu.memref_slice %arg4[%multiple_of3A_329] : memref<16777216xf32, #tpu.memory_space<hbm>> -> memref<256xf32, #tpu.memory_space<hbm>>
        %dma_start3A_333 = tpu.memref_slice %arg6[%multiple_of3A_326] : memref<65536xf32, #tpu.memory_space<vmem>> -> memref<256xf32, #tpu.memory_space<vmem>>
        tpu.enqueue_dma source(%dma_start3A_333 : memref<256xf32, #tpu.memory_space<vmem>>) target(%dma_start3A_332 : memref<256xf32, #tpu.memory_space<hbm>>) target_semaphore(%arg12 : memref<!tpu.dma_semaphore, #tpu.memory_space<semaphore_mem>>)
        %slice3A_334 = vector.extract_strided_slice %mul3A_268 {offsets = [5], sizes = [1], strides = [1]} : vector<16xi32> to vector<1xi32>
        %squeeze3A_335 = vector.extract %slice3A_334[0] : i32 from vector<1xi32>
        %multiple_of3A_336 = tpu.assume_multiple %squeeze3A_335, 8 : i32
        %add3A_337 = arith.constant 1280 : i32
        %add3A_338 = arith.addi %mul3A_278, %add3A_337 : i32
        %multiple_of3A_339 = tpu.assume_multiple %add3A_338, 8 : i32
        %dma_start3A_340 = tpu.memref_slice %arg6[%multiple_of3A_336] : memref<65536xf32, #tpu.memory_space<vmem>> -> memref<256xf32, #tpu.memory_space<vmem>>
        %dma_start3A_341 = tpu.memref_slice %arg4[%multiple_of3A_339] : memref<16777216xf32, #tpu.memory_space<hbm>> -> memref<256xf32, #tpu.memory_space<hbm>>
        %dma_start3A_342 = tpu.memref_slice %arg4[%multiple_of3A_339] : memref<16777216xf32, #tpu.memory_space<hbm>> -> memref<256xf32, #tpu.memory_space<hbm>>
        %dma_start3A_343 = tpu.memref_slice %arg6[%multiple_of3A_336] : memref<65536xf32, #tpu.memory_space<vmem>> -> memref<256xf32, #tpu.memory_space<vmem>>
        tpu.enqueue_dma source(%dma_start3A_343 : memref<256xf32, #tpu.memory_space<vmem>>) target(%dma_start3A_342 : memref<256xf32, #tpu.memory_space<hbm>>) target_semaphore(%arg12 : memref<!tpu.dma_semaphore, #tpu.memory_space<semaphore_mem>>)
        %slice3A_344 = vector.extract_strided_slice %mul3A_268 {offsets = [6], sizes = [1], strides = [1]} : vector<16xi32> to vector<1xi32>
        %squeeze3A_345 = vector.extract %slice3A_344[0] : i32 from vector<1xi32>
        %multiple_of3A_346 = tpu.assume_multiple %squeeze3A_345, 8 : i32
        %add3A_347 = arith.constant 1536 : i32
        %add3A_348 = arith.addi %mul3A_278, %add3A_347 : i32
        %multiple_of3A_349 = tpu.assume_multiple %add3A_348, 8 : i32
        %dma_start3A_350 = tpu.memref_slice %arg6[%multiple_of3A_346] : memref<65536xf32, #tpu.memory_space<vmem>> -> memref<256xf32, #tpu.memory_space<vmem>>
        %dma_start3A_351 = tpu.memref_slice %arg4[%multiple_of3A_349] : memref<16777216xf32, #tpu.memory_space<hbm>> -> memref<256xf32, #tpu.memory_space<hbm>>
        %dma_start3A_352 = tpu.memref_slice %arg4[%multiple_of3A_349] : memref<16777216xf32, #tpu.memory_space<hbm>> -> memref<256xf32, #tpu.memory_space<hbm>>
        %dma_start3A_353 = tpu.memref_slice %arg6[%multiple_of3A_346] : memref<65536xf32, #tpu.memory_space<vmem>> -> memref<256xf32, #tpu.memory_space<vmem>>
        tpu.enqueue_dma source(%dma_start3A_353 : memref<256xf32, #tpu.memory_space<vmem>>) target(%dma_start3A_352 : memref<256xf32, #tpu.memory_space<hbm>>) target_semaphore(%arg12 : memref<!tpu.dma_semaphore, #tpu.memory_space<semaphore_mem>>)
        %slice3A_354 = vector.extract_strided_slice %mul3A_268 {offsets = [7], sizes = [1], strides = [1]} : vector<16xi32> to vector<1xi32>
        %squeeze3A_355 = vector.extract %slice3A_354[0] : i32 from vector<1xi32>
        %multiple_of3A_356 = tpu.assume_multiple %squeeze3A_355, 8 : i32
        %add3A_357 = arith.constant 1792 : i32
        %add3A_358 = arith.addi %mul3A_278, %add3A_357 : i32
        %multiple_of3A_359 = tpu.assume_multiple %add3A_358, 8 : i32
        %dma_start3A_360 = tpu.memref_slice %arg6[%multiple_of3A_356] : memref<65536xf32, #tpu.memory_space<vmem>> -> memref<256xf32, #tpu.memory_space<vmem>>
        %dma_start3A_361 = tpu.memref_slice %arg4[%multiple_of3A_359] : memref<16777216xf32, #tpu.memory_space<hbm>> -> memref<256xf32, #tpu.memory_space<hbm>>
        %dma_start3A_362 = tpu.memref_slice %arg4[%multiple_of3A_359] : memref<16777216xf32, #tpu.memory_space<hbm>> -> memref<256xf32, #tpu.memory_space<hbm>>
        %dma_start3A_363 = tpu.memref_slice %arg6[%multiple_of3A_356] : memref<65536xf32, #tpu.memory_space<vmem>> -> memref<256xf32, #tpu.memory_space<vmem>>
        tpu.enqueue_dma source(%dma_start3A_363 : memref<256xf32, #tpu.memory_space<vmem>>) target(%dma_start3A_362 : memref<256xf32, #tpu.memory_space<hbm>>) target_semaphore(%arg12 : memref<!tpu.dma_semaphore, #tpu.memory_space<semaphore_mem>>)
        %slice3A_364 = vector.extract_strided_slice %mul3A_268 {offsets = [8], sizes = [1], strides = [1]} : vector<16xi32> to vector<1xi32>
        %squeeze3A_365 = vector.extract %slice3A_364[0] : i32 from vector<1xi32>
        %multiple_of3A_366 = tpu.assume_multiple %squeeze3A_365, 8 : i32
        %add3A_367 = arith.constant 2048 : i32
        %add3A_368 = arith.addi %mul3A_278, %add3A_367 : i32
        %multiple_of3A_369 = tpu.assume_multiple %add3A_368, 8 : i32
        %dma_start3A_370 = tpu.memref_slice %arg6[%multiple_of3A_366] : memref<65536xf32, #tpu.memory_space<vmem>> -> memref<256xf32, #tpu.memory_space<vmem>>
        %dma_start3A_371 = tpu.memref_slice %arg4[%multiple_of3A_369] : memref<16777216xf32, #tpu.memory_space<hbm>> -> memref<256xf32, #tpu.memory_space<hbm>>
        %dma_start3A_372 = tpu.memref_slice %arg4[%multiple_of3A_369] : memref<16777216xf32, #tpu.memory_space<hbm>> -> memref<256xf32, #tpu.memory_space<hbm>>
        %dma_start3A_373 = tpu.memref_slice %arg6[%multiple_of3A_366] : memref<65536xf32, #tpu.memory_space<vmem>> -> memref<256xf32, #tpu.memory_space<vmem>>
        tpu.enqueue_dma source(%dma_start3A_373 : memref<256xf32, #tpu.memory_space<vmem>>) target(%dma_start3A_372 : memref<256xf32, #tpu.memory_space<hbm>>) target_semaphore(%arg12 : memref<!tpu.dma_semaphore, #tpu.memory_space<semaphore_mem>>)
        %slice3A_374 = vector.extract_strided_slice %mul3A_268 {offsets = [9], sizes = [1], strides = [1]} : vector<16xi32> to vector<1xi32>
        %squeeze3A_375 = vector.extract %slice3A_374[0] : i32 from vector<1xi32>
        %multiple_of3A_376 = tpu.assume_multiple %squeeze3A_375, 8 : i32
        %add3A_377 = arith.constant 2304 : i32
        %add3A_378 = arith.addi %mul3A_278, %add3A_377 : i32
        %multiple_of3A_379 = tpu.assume_multiple %add3A_378, 8 : i32
        %dma_start3A_380 = tpu.memref_slice %arg6[%multiple_of3A_376] : memref<65536xf32, #tpu.memory_space<vmem>> -> memref<256xf32, #tpu.memory_space<vmem>>
        %dma_start3A_381 = tpu.memref_slice %arg4[%multiple_of3A_379] : memref<16777216xf32, #tpu.memory_space<hbm>> -> memref<256xf32, #tpu.memory_space<hbm>>
        %dma_start3A_382 = tpu.memref_slice %arg4[%multiple_of3A_379] : memref<16777216xf32, #tpu.memory_space<hbm>> -> memref<256xf32, #tpu.memory_space<hbm>>
        %dma_start3A_383 = tpu.memref_slice %arg6[%multiple_of3A_376] : memref<65536xf32, #tpu.memory_space<vmem>> -> memref<256xf32, #tpu.memory_space<vmem>>
        tpu.enqueue_dma source(%dma_start3A_383 : memref<256xf32, #tpu.memory_space<vmem>>) target(%dma_start3A_382 : memref<256xf32, #tpu.memory_space<hbm>>) target_semaphore(%arg12 : memref<!tpu.dma_semaphore, #tpu.memory_space<semaphore_mem>>)
        %slice3A_384 = vector.extract_strided_slice %mul3A_268 {offsets = [10], sizes = [1], strides = [1]} : vector<16xi32> to vector<1xi32>
        %squeeze3A_385 = vector.extract %slice3A_384[0] : i32 from vector<1xi32>
        %multiple_of3A_386 = tpu.assume_multiple %squeeze3A_385, 8 : i32
        %add3A_387 = arith.constant 2560 : i32
        %add3A_388 = arith.addi %mul3A_278, %add3A_387 : i32
        %multiple_of3A_389 = tpu.assume_multiple %add3A_388, 8 : i32
        %dma_start3A_390 = tpu.memref_slice %arg6[%multiple_of3A_386] : memref<65536xf32, #tpu.memory_space<vmem>> -> memref<256xf32, #tpu.memory_space<vmem>>
        %dma_start3A_391 = tpu.memref_slice %arg4[%multiple_of3A_389] : memref<16777216xf32, #tpu.memory_space<hbm>> -> memref<256xf32, #tpu.memory_space<hbm>>
        %dma_start3A_392 = tpu.memref_slice %arg4[%multiple_of3A_389] : memref<16777216xf32, #tpu.memory_space<hbm>> -> memref<256xf32, #tpu.memory_space<hbm>>
        %dma_start3A_393 = tpu.memref_slice %arg6[%multiple_of3A_386] : memref<65536xf32, #tpu.memory_space<vmem>> -> memref<256xf32, #tpu.memory_space<vmem>>
        tpu.enqueue_dma source(%dma_start3A_393 : memref<256xf32, #tpu.memory_space<vmem>>) target(%dma_start3A_392 : memref<256xf32, #tpu.memory_space<hbm>>) target_semaphore(%arg12 : memref<!tpu.dma_semaphore, #tpu.memory_space<semaphore_mem>>)
        %slice3A_394 = vector.extract_strided_slice %mul3A_268 {offsets = [11], sizes = [1], strides = [1]} : vector<16xi32> to vector<1xi32>
        %squeeze3A_395 = vector.extract %slice3A_394[0] : i32 from vector<1xi32>
        %multiple_of3A_396 = tpu.assume_multiple %squeeze3A_395, 8 : i32
        %add3A_397 = arith.constant 2816 : i32
        %add3A_398 = arith.addi %mul3A_278, %add3A_397 : i32
        %multiple_of3A_399 = tpu.assume_multiple %add3A_398, 8 : i32
        %dma_start3A_400 = tpu.memref_slice %arg6[%multiple_of3A_396] : memref<65536xf32, #tpu.memory_space<vmem>> -> memref<256xf32, #tpu.memory_space<vmem>>
        %dma_start3A_401 = tpu.memref_slice %arg4[%multiple_of3A_399] : memref<16777216xf32, #tpu.memory_space<hbm>> -> memref<256xf32, #tpu.memory_space<hbm>>
        %dma_start3A_402 = tpu.memref_slice %arg4[%multiple_of3A_399] : memref<16777216xf32, #tpu.memory_space<hbm>> -> memref<256xf32, #tpu.memory_space<hbm>>
        %dma_start3A_403 = tpu.memref_slice %arg6[%multiple_of3A_396] : memref<65536xf32, #tpu.memory_space<vmem>> -> memref<256xf32, #tpu.memory_space<vmem>>
        tpu.enqueue_dma source(%dma_start3A_403 : memref<256xf32, #tpu.memory_space<vmem>>) target(%dma_start3A_402 : memref<256xf32, #tpu.memory_space<hbm>>) target_semaphore(%arg12 : memref<!tpu.dma_semaphore, #tpu.memory_space<semaphore_mem>>)
        %slice3A_404 = vector.extract_strided_slice %mul3A_268 {offsets = [12], sizes = [1], strides = [1]} : vector<16xi32> to vector<1xi32>
        %squeeze3A_405 = vector.extract %slice3A_404[0] : i32 from vector<1xi32>
        %multiple_of3A_406 = tpu.assume_multiple %squeeze3A_405, 8 : i32
        %add3A_407 = arith.constant 3072 : i32
        %add3A_408 = arith.addi %mul3A_278, %add3A_407 : i32
        %multiple_of3A_409 = tpu.assume_multiple %add3A_408, 8 : i32
        %dma_start3A_410 = tpu.memref_slice %arg6[%multiple_of3A_406] : memref<65536xf32, #tpu.memory_space<vmem>> -> memref<256xf32, #tpu.memory_space<vmem>>
        %dma_start3A_411 = tpu.memref_slice %arg4[%multiple_of3A_409] : memref<16777216xf32, #tpu.memory_space<hbm>> -> memref<256xf32, #tpu.memory_space<hbm>>
        %dma_start3A_412 = tpu.memref_slice %arg4[%multiple_of3A_409] : memref<16777216xf32, #tpu.memory_space<hbm>> -> memref<256xf32, #tpu.memory_space<hbm>>
        %dma_start3A_413 = tpu.memref_slice %arg6[%multiple_of3A_406] : memref<65536xf32, #tpu.memory_space<vmem>> -> memref<256xf32, #tpu.memory_space<vmem>>
        tpu.enqueue_dma source(%dma_start3A_413 : memref<256xf32, #tpu.memory_space<vmem>>) target(%dma_start3A_412 : memref<256xf32, #tpu.memory_space<hbm>>) target_semaphore(%arg12 : memref<!tpu.dma_semaphore, #tpu.memory_space<semaphore_mem>>)
        %slice3A_414 = vector.extract_strided_slice %mul3A_268 {offsets = [13], sizes = [1], strides = [1]} : vector<16xi32> to vector<1xi32>
        %squeeze3A_415 = vector.extract %slice3A_414[0] : i32 from vector<1xi32>
        %multiple_of3A_416 = tpu.assume_multiple %squeeze3A_415, 8 : i32
        %add3A_417 = arith.constant 3328 : i32
        %add3A_418 = arith.addi %mul3A_278, %add3A_417 : i32
        %multiple_of3A_419 = tpu.assume_multiple %add3A_418, 8 : i32
        %dma_start3A_420 = tpu.memref_slice %arg6[%multiple_of3A_416] : memref<65536xf32, #tpu.memory_space<vmem>> -> memref<256xf32, #tpu.memory_space<vmem>>
        %dma_start3A_421 = tpu.memref_slice %arg4[%multiple_of3A_419] : memref<16777216xf32, #tpu.memory_space<hbm>> -> memref<256xf32, #tpu.memory_space<hbm>>
        %dma_start3A_422 = tpu.memref_slice %arg4[%multiple_of3A_419] : memref<16777216xf32, #tpu.memory_space<hbm>> -> memref<256xf32, #tpu.memory_space<hbm>>
        %dma_start3A_423 = tpu.memref_slice %arg6[%multiple_of3A_416] : memref<65536xf32, #tpu.memory_space<vmem>> -> memref<256xf32, #tpu.memory_space<vmem>>
        tpu.enqueue_dma source(%dma_start3A_423 : memref<256xf32, #tpu.memory_space<vmem>>) target(%dma_start3A_422 : memref<256xf32, #tpu.memory_space<hbm>>) target_semaphore(%arg12 : memref<!tpu.dma_semaphore, #tpu.memory_space<semaphore_mem>>)
        %slice3A_424 = vector.extract_strided_slice %mul3A_268 {offsets = [14], sizes = [1], strides = [1]} : vector<16xi32> to vector<1xi32>
        %squeeze3A_425 = vector.extract %slice3A_424[0] : i32 from vector<1xi32>
        %multiple_of3A_426 = tpu.assume_multiple %squeeze3A_425, 8 : i32
        %add3A_427 = arith.constant 3584 : i32
        %add3A_428 = arith.addi %mul3A_278, %add3A_427 : i32
        %multiple_of3A_429 = tpu.assume_multiple %add3A_428, 8 : i32
        %dma_start3A_430 = tpu.memref_slice %arg6[%multiple_of3A_426] : memref<65536xf32, #tpu.memory_space<vmem>> -> memref<256xf32, #tpu.memory_space<vmem>>
        %dma_start3A_431 = tpu.memref_slice %arg4[%multiple_of3A_429] : memref<16777216xf32, #tpu.memory_space<hbm>> -> memref<256xf32, #tpu.memory_space<hbm>>
        %dma_start3A_432 = tpu.memref_slice %arg4[%multiple_of3A_429] : memref<16777216xf32, #tpu.memory_space<hbm>> -> memref<256xf32, #tpu.memory_space<hbm>>
        %dma_start3A_433 = tpu.memref_slice %arg6[%multiple_of3A_426] : memref<65536xf32, #tpu.memory_space<vmem>> -> memref<256xf32, #tpu.memory_space<vmem>>
        tpu.enqueue_dma source(%dma_start3A_433 : memref<256xf32, #tpu.memory_space<vmem>>) target(%dma_start3A_432 : memref<256xf32, #tpu.memory_space<hbm>>) target_semaphore(%arg12 : memref<!tpu.dma_semaphore, #tpu.memory_space<semaphore_mem>>)
        %slice3A_434 = vector.extract_strided_slice %mul3A_268 {offsets = [15], sizes = [1], strides = [1]} : vector<16xi32> to vector<1xi32>
        %squeeze3A_435 = vector.extract %slice3A_434[0] : i32 from vector<1xi32>
        %multiple_of3A_436 = tpu.assume_multiple %squeeze3A_435, 8 : i32
        %add3A_437 = arith.constant 3840 : i32
        %add3A_438 = arith.addi %mul3A_278, %add3A_437 : i32
        %multiple_of3A_439 = tpu.assume_multiple %add3A_438, 8 : i32
        %dma_start3A_440 = tpu.memref_slice %arg6[%multiple_of3A_436] : memref<65536xf32, #tpu.memory_space<vmem>> -> memref<256xf32, #tpu.memory_space<vmem>>
        %dma_start3A_441 = tpu.memref_slice %arg4[%multiple_of3A_439] : memref<16777216xf32, #tpu.memory_space<hbm>> -> memref<256xf32, #tpu.memory_space<hbm>>
        %dma_start3A_442 = tpu.memref_slice %arg4[%multiple_of3A_439] : memref<16777216xf32, #tpu.memory_space<hbm>> -> memref<256xf32, #tpu.memory_space<hbm>>
        %dma_start3A_443 = tpu.memref_slice %arg6[%multiple_of3A_436] : memref<65536xf32, #tpu.memory_space<vmem>> -> memref<256xf32, #tpu.memory_space<vmem>>
        tpu.enqueue_dma source(%dma_start3A_443 : memref<256xf32, #tpu.memory_space<vmem>>) target(%dma_start3A_442 : memref<256xf32, #tpu.memory_space<hbm>>) target_semaphore(%arg12 : memref<!tpu.dma_semaphore, #tpu.memory_space<semaphore_mem>>)
        %select_n3A_444 = arith.select %eq3A_273, %squeeze3A_270, %scan3A_67 : i32
        %mul3A_445 = arith.constant 4 : i32
        %mul3A_446 = arith.muli %mul3A_445, %scan3A_65 : i32
        %add3A_447 = arith.constant 2 : i32
        %add3A_448 = arith.addi %mul3A_446, %add3A_447 : i32
        %get3A_449 = arith.index_cast %add3A_448 : i32 to index
        %get3A_450 = arith.constant 0 : index
        %get3A_451 = tpu.vector_load %arg5[%get3A_449, %get3A_450] {strides = array<i32>} : memref<128x16xi32, #tpu.memory_space<vmem>>, vector<1x16xi32>,
        %get3A_452 = vector.shape_cast %get3A_451 : vector<1x16xi32> to vector<16xi32>
        %sub3A_453 = vector.broadcast %max3A_15 : i32 to vector<16xi32>
        %sub3A_454 = arith.subi %get3A_452, %sub3A_453 : vector<16xi32>
        %mul3A_455 = arith.constant 256 : i32
        %mul3A_456 = vector.broadcast %mul3A_455 : i32 to vector<16xi32>
        %mul3A_457 = arith.muli %sub3A_454, %mul3A_456 : vector<16xi32>
        %slice3A_458 = vector.extract_strided_slice %mul3A_457 {offsets = [0], sizes = [1], strides = [1]} : vector<16xi32> to vector<1xi32>
        %squeeze3A_459 = vector.extract %slice3A_458[0] : i32 from vector<1xi32>
        %slice3A_460 = vector.extract_strided_slice %mul3A_457 {offsets = [15], sizes = [1], strides = [1]} : vector<16xi32> to vector<1xi32>
        %squeeze3A_461 = vector.extract %slice3A_460[0] : i32 from vector<1xi32>
        %eq3A_462 = arith.cmpi eq, %squeeze3A_459, %squeeze3A_461 : i32
        %mul3A_463 = arith.constant 16 : i32
        %mul3A_464 = arith.muli %add3A_448, %mul3A_463 : i32
        %add3A_465 = arith.addi %mul3A_2, %mul3A_464 : i32
        %mul3A_466 = arith.constant 256 : i32
        %mul3A_467 = arith.muli %add3A_465, %mul3A_466 : i32
        %ge3A_468 = arith.constant 1 : i32
        %ge3A_469 = arith.cmpi sge, %scan3A_65, %ge3A_468 : i32
        %convert_element_type3A_470 = arith.extui %ge3A_469 : i1 to i32
        %cond3A_471 = arith.constant 0 : i32
        %cond3A_472 = arith.cmpi ne, %convert_element_type3A_470, %cond3A_471 : i32
        scf.if %cond3A_472 {
          %dma_wait3A_823 = arith.constant 0 : i32
          %dma_wait3A_824 = tpu.memref_slice %arg6[%dma_wait3A_823] : memref<65536xf32, #tpu.memory_space<vmem>> -> memref<4096xf32, #tpu.memory_space<vmem>>
          %dma_wait3A_825 = arith.constant 0 : i32
          %dma_wait3A_826 = tpu.memref_slice %arg4[%dma_wait3A_825] : memref<16777216xf32, #tpu.memory_space<hbm>> -> memref<4096xf32, #tpu.memory_space<hbm>>
          %dma_wait3A_827 = arith.constant 0 : i32
          %dma_wait3A_828 = tpu.memref_slice %arg4[%dma_wait3A_827] : memref<16777216xf32, #tpu.memory_space<hbm>> -> memref<4096xf32, #tpu.memory_space<hbm>>
          %dma_wait3A_829 = arith.constant 0 : i32
          %dma_wait3A_830 = tpu.memref_slice %arg6[%dma_wait3A_829] : memref<65536xf32, #tpu.memory_space<vmem>> -> memref<4096xf32, #tpu.memory_space<vmem>>
          tpu.wait_dma2 semaphore(%arg13 : memref<!tpu.dma_semaphore, #tpu.memory_space<semaphore_mem>>) src(%dma_wait3A_830 : memref<4096xf32, #tpu.memory_space<vmem>>) dst(%dma_wait3A_828 : memref<4096xf32, #tpu.memory_space<hbm>>)
        } else {
        }
        %slice3A_473 = vector.extract_strided_slice %mul3A_457 {offsets = [0], sizes = [1], strides = [1]} : vector<16xi32> to vector<1xi32>
        %squeeze3A_474 = vector.extract %slice3A_473[0] : i32 from vector<1xi32>
        %multiple_of3A_475 = tpu.assume_multiple %squeeze3A_474, 8 : i32
        %add3A_476 = arith.constant 0 : i32
        %add3A_477 = arith.addi %mul3A_467, %add3A_476 : i32
        %multiple_of3A_478 = tpu.assume_multiple %add3A_477, 8 : i32
        %dma_start3A_479 = tpu.memref_slice %arg6[%multiple_of3A_475] : memref<65536xf32, #tpu.memory_space<vmem>> -> memref<256xf32, #tpu.memory_space<vmem>>
        %dma_start3A_480 = tpu.memref_slice %arg4[%multiple_of3A_478] : memref<16777216xf32, #tpu.memory_space<hbm>> -> memref<256xf32, #tpu.memory_space<hbm>>
        %dma_start3A_481 = tpu.memref_slice %arg4[%multiple_of3A_478] : memref<16777216xf32, #tpu.memory_space<hbm>> -> memref<256xf32, #tpu.memory_space<hbm>>
        %dma_start3A_482 = tpu.memref_slice %arg6[%multiple_of3A_475] : memref<65536xf32, #tpu.memory_space<vmem>> -> memref<256xf32, #tpu.memory_space<vmem>>
        tpu.enqueue_dma source(%dma_start3A_482 : memref<256xf32, #tpu.memory_space<vmem>>) target(%dma_start3A_481 : memref<256xf32, #tpu.memory_space<hbm>>) target_semaphore(%arg13 : memref<!tpu.dma_semaphore, #tpu.memory_space<semaphore_mem>>)
        %slice3A_483 = vector.extract_strided_slice %mul3A_457 {offsets = [1], sizes = [1], strides = [1]} : vector<16xi32> to vector<1xi32>
        %squeeze3A_484 = vector.extract %slice3A_483[0] : i32 from vector<1xi32>
        %multiple_of3A_485 = tpu.assume_multiple %squeeze3A_484, 8 : i32
        %add3A_486 = arith.constant 256 : i32
        %add3A_487 = arith.addi %mul3A_467, %add3A_486 : i32
        %multiple_of3A_488 = tpu.assume_multiple %add3A_487, 8 : i32
        %dma_start3A_489 = tpu.memref_slice %arg6[%multiple_of3A_485] : memref<65536xf32, #tpu.memory_space<vmem>> -> memref<256xf32, #tpu.memory_space<vmem>>
        %dma_start3A_490 = tpu.memref_slice %arg4[%multiple_of3A_488] : memref<16777216xf32, #tpu.memory_space<hbm>> -> memref<256xf32, #tpu.memory_space<hbm>>
        %dma_start3A_491 = tpu.memref_slice %arg4[%multiple_of3A_488] : memref<16777216xf32, #tpu.memory_space<hbm>> -> memref<256xf32, #tpu.memory_space<hbm>>
        %dma_start3A_492 = tpu.memref_slice %arg6[%multiple_of3A_485] : memref<65536xf32, #tpu.memory_space<vmem>> -> memref<256xf32, #tpu.memory_space<vmem>>
        tpu.enqueue_dma source(%dma_start3A_492 : memref<256xf32, #tpu.memory_space<vmem>>) target(%dma_start3A_491 : memref<256xf32, #tpu.memory_space<hbm>>) target_semaphore(%arg13 : memref<!tpu.dma_semaphore, #tpu.memory_space<semaphore_mem>>)
        %slice3A_493 = vector.extract_strided_slice %mul3A_457 {offsets = [2], sizes = [1], strides = [1]} : vector<16xi32> to vector<1xi32>
        %squeeze3A_494 = vector.extract %slice3A_493[0] : i32 from vector<1xi32>
        %multiple_of3A_495 = tpu.assume_multiple %squeeze3A_494, 8 : i32
        %add3A_496 = arith.constant 512 : i32
        %add3A_497 = arith.addi %mul3A_467, %add3A_496 : i32
        %multiple_of3A_498 = tpu.assume_multiple %add3A_497, 8 : i32
        %dma_start3A_499 = tpu.memref_slice %arg6[%multiple_of3A_495] : memref<65536xf32, #tpu.memory_space<vmem>> -> memref<256xf32, #tpu.memory_space<vmem>>
        %dma_start3A_500 = tpu.memref_slice %arg4[%multiple_of3A_498] : memref<16777216xf32, #tpu.memory_space<hbm>> -> memref<256xf32, #tpu.memory_space<hbm>>
        %dma_start3A_501 = tpu.memref_slice %arg4[%multiple_of3A_498] : memref<16777216xf32, #tpu.memory_space<hbm>> -> memref<256xf32, #tpu.memory_space<hbm>>
        %dma_start3A_502 = tpu.memref_slice %arg6[%multiple_of3A_495] : memref<65536xf32, #tpu.memory_space<vmem>> -> memref<256xf32, #tpu.memory_space<vmem>>
        tpu.enqueue_dma source(%dma_start3A_502 : memref<256xf32, #tpu.memory_space<vmem>>) target(%dma_start3A_501 : memref<256xf32, #tpu.memory_space<hbm>>) target_semaphore(%arg13 : memref<!tpu.dma_semaphore, #tpu.memory_space<semaphore_mem>>)
        %slice3A_503 = vector.extract_strided_slice %mul3A_457 {offsets = [3], sizes = [1], strides = [1]} : vector<16xi32> to vector<1xi32>
        %squeeze3A_504 = vector.extract %slice3A_503[0] : i32 from vector<1xi32>
        %multiple_of3A_505 = tpu.assume_multiple %squeeze3A_504, 8 : i32
        %add3A_506 = arith.constant 768 : i32
        %add3A_507 = arith.addi %mul3A_467, %add3A_506 : i32
        %multiple_of3A_508 = tpu.assume_multiple %add3A_507, 8 : i32
        %dma_start3A_509 = tpu.memref_slice %arg6[%multiple_of3A_505] : memref<65536xf32, #tpu.memory_space<vmem>> -> memref<256xf32, #tpu.memory_space<vmem>>
        %dma_start3A_510 = tpu.memref_slice %arg4[%multiple_of3A_508] : memref<16777216xf32, #tpu.memory_space<hbm>> -> memref<256xf32, #tpu.memory_space<hbm>>
        %dma_start3A_511 = tpu.memref_slice %arg4[%multiple_of3A_508] : memref<16777216xf32, #tpu.memory_space<hbm>> -> memref<256xf32, #tpu.memory_space<hbm>>
        %dma_start3A_512 = tpu.memref_slice %arg6[%multiple_of3A_505] : memref<65536xf32, #tpu.memory_space<vmem>> -> memref<256xf32, #tpu.memory_space<vmem>>
        tpu.enqueue_dma source(%dma_start3A_512 : memref<256xf32, #tpu.memory_space<vmem>>) target(%dma_start3A_511 : memref<256xf32, #tpu.memory_space<hbm>>) target_semaphore(%arg13 : memref<!tpu.dma_semaphore, #tpu.memory_space<semaphore_mem>>)
        %slice3A_513 = vector.extract_strided_slice %mul3A_457 {offsets = [4], sizes = [1], strides = [1]} : vector<16xi32> to vector<1xi32>
        %squeeze3A_514 = vector.extract %slice3A_513[0] : i32 from vector<1xi32>
        %multiple_of3A_515 = tpu.assume_multiple %squeeze3A_514, 8 : i32
        %add3A_516 = arith.constant 1024 : i32
        %add3A_517 = arith.addi %mul3A_467, %add3A_516 : i32
        %multiple_of3A_518 = tpu.assume_multiple %add3A_517, 8 : i32
        %dma_start3A_519 = tpu.memref_slice %arg6[%multiple_of3A_515] : memref<65536xf32, #tpu.memory_space<vmem>> -> memref<256xf32, #tpu.memory_space<vmem>>
        %dma_start3A_520 = tpu.memref_slice %arg4[%multiple_of3A_518] : memref<16777216xf32, #tpu.memory_space<hbm>> -> memref<256xf32, #tpu.memory_space<hbm>>
        %dma_start3A_521 = tpu.memref_slice %arg4[%multiple_of3A_518] : memref<16777216xf32, #tpu.memory_space<hbm>> -> memref<256xf32, #tpu.memory_space<hbm>>
        %dma_start3A_522 = tpu.memref_slice %arg6[%multiple_of3A_515] : memref<65536xf32, #tpu.memory_space<vmem>> -> memref<256xf32, #tpu.memory_space<vmem>>
        tpu.enqueue_dma source(%dma_start3A_522 : memref<256xf32, #tpu.memory_space<vmem>>) target(%dma_start3A_521 : memref<256xf32, #tpu.memory_space<hbm>>) target_semaphore(%arg13 : memref<!tpu.dma_semaphore, #tpu.memory_space<semaphore_mem>>)
        %slice3A_523 = vector.extract_strided_slice %mul3A_457 {offsets = [5], sizes = [1], strides = [1]} : vector<16xi32> to vector<1xi32>
        %squeeze3A_524 = vector.extract %slice3A_523[0] : i32 from vector<1xi32>
        %multiple_of3A_525 = tpu.assume_multiple %squeeze3A_524, 8 : i32
        %add3A_526 = arith.constant 1280 : i32
        %add3A_527 = arith.addi %mul3A_467, %add3A_526 : i32
        %multiple_of3A_528 = tpu.assume_multiple %add3A_527, 8 : i32
        %dma_start3A_529 = tpu.memref_slice %arg6[%multiple_of3A_525] : memref<65536xf32, #tpu.memory_space<vmem>> -> memref<256xf32, #tpu.memory_space<vmem>>
        %dma_start3A_530 = tpu.memref_slice %arg4[%multiple_of3A_528] : memref<16777216xf32, #tpu.memory_space<hbm>> -> memref<256xf32, #tpu.memory_space<hbm>>
        %dma_start3A_531 = tpu.memref_slice %arg4[%multiple_of3A_528] : memref<16777216xf32, #tpu.memory_space<hbm>> -> memref<256xf32, #tpu.memory_space<hbm>>
        %dma_start3A_532 = tpu.memref_slice %arg6[%multiple_of3A_525] : memref<65536xf32, #tpu.memory_space<vmem>> -> memref<256xf32, #tpu.memory_space<vmem>>
        tpu.enqueue_dma source(%dma_start3A_532 : memref<256xf32, #tpu.memory_space<vmem>>) target(%dma_start3A_531 : memref<256xf32, #tpu.memory_space<hbm>>) target_semaphore(%arg13 : memref<!tpu.dma_semaphore, #tpu.memory_space<semaphore_mem>>)
        %slice3A_533 = vector.extract_strided_slice %mul3A_457 {offsets = [6], sizes = [1], strides = [1]} : vector<16xi32> to vector<1xi32>
        %squeeze3A_534 = vector.extract %slice3A_533[0] : i32 from vector<1xi32>
        %multiple_of3A_535 = tpu.assume_multiple %squeeze3A_534, 8 : i32
        %add3A_536 = arith.constant 1536 : i32
        %add3A_537 = arith.addi %mul3A_467, %add3A_536 : i32
        %multiple_of3A_538 = tpu.assume_multiple %add3A_537, 8 : i32
        %dma_start3A_539 = tpu.memref_slice %arg6[%multiple_of3A_535] : memref<65536xf32, #tpu.memory_space<vmem>> -> memref<256xf32, #tpu.memory_space<vmem>>
        %dma_start3A_540 = tpu.memref_slice %arg4[%multiple_of3A_538] : memref<16777216xf32, #tpu.memory_space<hbm>> -> memref<256xf32, #tpu.memory_space<hbm>>
        %dma_start3A_541 = tpu.memref_slice %arg4[%multiple_of3A_538] : memref<16777216xf32, #tpu.memory_space<hbm>> -> memref<256xf32, #tpu.memory_space<hbm>>
        %dma_start3A_542 = tpu.memref_slice %arg6[%multiple_of3A_535] : memref<65536xf32, #tpu.memory_space<vmem>> -> memref<256xf32, #tpu.memory_space<vmem>>
        tpu.enqueue_dma source(%dma_start3A_542 : memref<256xf32, #tpu.memory_space<vmem>>) target(%dma_start3A_541 : memref<256xf32, #tpu.memory_space<hbm>>) target_semaphore(%arg13 : memref<!tpu.dma_semaphore, #tpu.memory_space<semaphore_mem>>)
        %slice3A_543 = vector.extract_strided_slice %mul3A_457 {offsets = [7], sizes = [1], strides = [1]} : vector<16xi32> to vector<1xi32>
        %squeeze3A_544 = vector.extract %slice3A_543[0] : i32 from vector<1xi32>
        %multiple_of3A_545 = tpu.assume_multiple %squeeze3A_544, 8 : i32
        %add3A_546 = arith.constant 1792 : i32
        %add3A_547 = arith.addi %mul3A_467, %add3A_546 : i32
        %multiple_of3A_548 = tpu.assume_multiple %add3A_547, 8 : i32
        %dma_start3A_549 = tpu.memref_slice %arg6[%multiple_of3A_545] : memref<65536xf32, #tpu.memory_space<vmem>> -> memref<256xf32, #tpu.memory_space<vmem>>
        %dma_start3A_550 = tpu.memref_slice %arg4[%multiple_of3A_548] : memref<16777216xf32, #tpu.memory_space<hbm>> -> memref<256xf32, #tpu.memory_space<hbm>>
        %dma_start3A_551 = tpu.memref_slice %arg4[%multiple_of3A_548] : memref<16777216xf32, #tpu.memory_space<hbm>> -> memref<256xf32, #tpu.memory_space<hbm>>
        %dma_start3A_552 = tpu.memref_slice %arg6[%multiple_of3A_545] : memref<65536xf32, #tpu.memory_space<vmem>> -> memref<256xf32, #tpu.memory_space<vmem>>
        tpu.enqueue_dma source(%dma_start3A_552 : memref<256xf32, #tpu.memory_space<vmem>>) target(%dma_start3A_551 : memref<256xf32, #tpu.memory_space<hbm>>) target_semaphore(%arg13 : memref<!tpu.dma_semaphore, #tpu.memory_space<semaphore_mem>>)
        %slice3A_553 = vector.extract_strided_slice %mul3A_457 {offsets = [8], sizes = [1], strides = [1]} : vector<16xi32> to vector<1xi32>
        %squeeze3A_554 = vector.extract %slice3A_553[0] : i32 from vector<1xi32>
        %multiple_of3A_555 = tpu.assume_multiple %squeeze3A_554, 8 : i32
        %add3A_556 = arith.constant 2048 : i32
        %add3A_557 = arith.addi %mul3A_467, %add3A_556 : i32
        %multiple_of3A_558 = tpu.assume_multiple %add3A_557, 8 : i32
        %dma_start3A_559 = tpu.memref_slice %arg6[%multiple_of3A_555] : memref<65536xf32, #tpu.memory_space<vmem>> -> memref<256xf32, #tpu.memory_space<vmem>>
        %dma_start3A_560 = tpu.memref_slice %arg4[%multiple_of3A_558] : memref<16777216xf32, #tpu.memory_space<hbm>> -> memref<256xf32, #tpu.memory_space<hbm>>
        %dma_start3A_561 = tpu.memref_slice %arg4[%multiple_of3A_558] : memref<16777216xf32, #tpu.memory_space<hbm>> -> memref<256xf32, #tpu.memory_space<hbm>>
        %dma_start3A_562 = tpu.memref_slice %arg6[%multiple_of3A_555] : memref<65536xf32, #tpu.memory_space<vmem>> -> memref<256xf32, #tpu.memory_space<vmem>>
        tpu.enqueue_dma source(%dma_start3A_562 : memref<256xf32, #tpu.memory_space<vmem>>) target(%dma_start3A_561 : memref<256xf32, #tpu.memory_space<hbm>>) target_semaphore(%arg13 : memref<!tpu.dma_semaphore, #tpu.memory_space<semaphore_mem>>)
        %slice3A_563 = vector.extract_strided_slice %mul3A_457 {offsets = [9], sizes = [1], strides = [1]} : vector<16xi32> to vector<1xi32>
        %squeeze3A_564 = vector.extract %slice3A_563[0] : i32 from vector<1xi32>
        %multiple_of3A_565 = tpu.assume_multiple %squeeze3A_564, 8 : i32
        %add3A_566 = arith.constant 2304 : i32
        %add3A_567 = arith.addi %mul3A_467, %add3A_566 : i32
        %multiple_of3A_568 = tpu.assume_multiple %add3A_567, 8 : i32
        %dma_start3A_569 = tpu.memref_slice %arg6[%multiple_of3A_565] : memref<65536xf32, #tpu.memory_space<vmem>> -> memref<256xf32, #tpu.memory_space<vmem>>
        %dma_start3A_570 = tpu.memref_slice %arg4[%multiple_of3A_568] : memref<16777216xf32, #tpu.memory_space<hbm>> -> memref<256xf32, #tpu.memory_space<hbm>>
        %dma_start3A_571 = tpu.memref_slice %arg4[%multiple_of3A_568] : memref<16777216xf32, #tpu.memory_space<hbm>> -> memref<256xf32, #tpu.memory_space<hbm>>
        %dma_start3A_572 = tpu.memref_slice %arg6[%multiple_of3A_565] : memref<65536xf32, #tpu.memory_space<vmem>> -> memref<256xf32, #tpu.memory_space<vmem>>
        tpu.enqueue_dma source(%dma_start3A_572 : memref<256xf32, #tpu.memory_space<vmem>>) target(%dma_start3A_571 : memref<256xf32, #tpu.memory_space<hbm>>) target_semaphore(%arg13 : memref<!tpu.dma_semaphore, #tpu.memory_space<semaphore_mem>>)
        %slice3A_573 = vector.extract_strided_slice %mul3A_457 {offsets = [10], sizes = [1], strides = [1]} : vector<16xi32> to vector<1xi32>
        %squeeze3A_574 = vector.extract %slice3A_573[0] : i32 from vector<1xi32>
        %multiple_of3A_575 = tpu.assume_multiple %squeeze3A_574, 8 : i32
        %add3A_576 = arith.constant 2560 : i32
        %add3A_577 = arith.addi %mul3A_467, %add3A_576 : i32
        %multiple_of3A_578 = tpu.assume_multiple %add3A_577, 8 : i32
        %dma_start3A_579 = tpu.memref_slice %arg6[%multiple_of3A_575] : memref<65536xf32, #tpu.memory_space<vmem>> -> memref<256xf32, #tpu.memory_space<vmem>>
        %dma_start3A_580 = tpu.memref_slice %arg4[%multiple_of3A_578] : memref<16777216xf32, #tpu.memory_space<hbm>> -> memref<256xf32, #tpu.memory_space<hbm>>
        %dma_start3A_581 = tpu.memref_slice %arg4[%multiple_of3A_578] : memref<16777216xf32, #tpu.memory_space<hbm>> -> memref<256xf32, #tpu.memory_space<hbm>>
        %dma_start3A_582 = tpu.memref_slice %arg6[%multiple_of3A_575] : memref<65536xf32, #tpu.memory_space<vmem>> -> memref<256xf32, #tpu.memory_space<vmem>>
        tpu.enqueue_dma source(%dma_start3A_582 : memref<256xf32, #tpu.memory_space<vmem>>) target(%dma_start3A_581 : memref<256xf32, #tpu.memory_space<hbm>>) target_semaphore(%arg13 : memref<!tpu.dma_semaphore, #tpu.memory_space<semaphore_mem>>)
        %slice3A_583 = vector.extract_strided_slice %mul3A_457 {offsets = [11], sizes = [1], strides = [1]} : vector<16xi32> to vector<1xi32>
        %squeeze3A_584 = vector.extract %slice3A_583[0] : i32 from vector<1xi32>
        %multiple_of3A_585 = tpu.assume_multiple %squeeze3A_584, 8 : i32
        %add3A_586 = arith.constant 2816 : i32
        %add3A_587 = arith.addi %mul3A_467, %add3A_586 : i32
        %multiple_of3A_588 = tpu.assume_multiple %add3A_587, 8 : i32
        %dma_start3A_589 = tpu.memref_slice %arg6[%multiple_of3A_585] : memref<65536xf32, #tpu.memory_space<vmem>> -> memref<256xf32, #tpu.memory_space<vmem>>
        %dma_start3A_590 = tpu.memref_slice %arg4[%multiple_of3A_588] : memref<16777216xf32, #tpu.memory_space<hbm>> -> memref<256xf32, #tpu.memory_space<hbm>>
        %dma_start3A_591 = tpu.memref_slice %arg4[%multiple_of3A_588] : memref<16777216xf32, #tpu.memory_space<hbm>> -> memref<256xf32, #tpu.memory_space<hbm>>
        %dma_start3A_592 = tpu.memref_slice %arg6[%multiple_of3A_585] : memref<65536xf32, #tpu.memory_space<vmem>> -> memref<256xf32, #tpu.memory_space<vmem>>
        tpu.enqueue_dma source(%dma_start3A_592 : memref<256xf32, #tpu.memory_space<vmem>>) target(%dma_start3A_591 : memref<256xf32, #tpu.memory_space<hbm>>) target_semaphore(%arg13 : memref<!tpu.dma_semaphore, #tpu.memory_space<semaphore_mem>>)
        %slice3A_593 = vector.extract_strided_slice %mul3A_457 {offsets = [12], sizes = [1], strides = [1]} : vector<16xi32> to vector<1xi32>
        %squeeze3A_594 = vector.extract %slice3A_593[0] : i32 from vector<1xi32>
        %multiple_of3A_595 = tpu.assume_multiple %squeeze3A_594, 8 : i32
        %add3A_596 = arith.constant 3072 : i32
        %add3A_597 = arith.addi %mul3A_467, %add3A_596 : i32
        %multiple_of3A_598 = tpu.assume_multiple %add3A_597, 8 : i32
        %dma_start3A_599 = tpu.memref_slice %arg6[%multiple_of3A_595] : memref<65536xf32, #tpu.memory_space<vmem>> -> memref<256xf32, #tpu.memory_space<vmem>>
        %dma_start3A_600 = tpu.memref_slice %arg4[%multiple_of3A_598] : memref<16777216xf32, #tpu.memory_space<hbm>> -> memref<256xf32, #tpu.memory_space<hbm>>
        %dma_start3A_601 = tpu.memref_slice %arg4[%multiple_of3A_598] : memref<16777216xf32, #tpu.memory_space<hbm>> -> memref<256xf32, #tpu.memory_space<hbm>>
        %dma_start3A_602 = tpu.memref_slice %arg6[%multiple_of3A_595] : memref<65536xf32, #tpu.memory_space<vmem>> -> memref<256xf32, #tpu.memory_space<vmem>>
        tpu.enqueue_dma source(%dma_start3A_602 : memref<256xf32, #tpu.memory_space<vmem>>) target(%dma_start3A_601 : memref<256xf32, #tpu.memory_space<hbm>>) target_semaphore(%arg13 : memref<!tpu.dma_semaphore, #tpu.memory_space<semaphore_mem>>)
        %slice3A_603 = vector.extract_strided_slice %mul3A_457 {offsets = [13], sizes = [1], strides = [1]} : vector<16xi32> to vector<1xi32>
        %squeeze3A_604 = vector.extract %slice3A_603[0] : i32 from vector<1xi32>
        %multiple_of3A_605 = tpu.assume_multiple %squeeze3A_604, 8 : i32
        %add3A_606 = arith.constant 3328 : i32
        %add3A_607 = arith.addi %mul3A_467, %add3A_606 : i32
        %multiple_of3A_608 = tpu.assume_multiple %add3A_607, 8 : i32
        %dma_start3A_609 = tpu.memref_slice %arg6[%multiple_of3A_605] : memref<65536xf32, #tpu.memory_space<vmem>> -> memref<256xf32, #tpu.memory_space<vmem>>
        %dma_start3A_610 = tpu.memref_slice %arg4[%multiple_of3A_608] : memref<16777216xf32, #tpu.memory_space<hbm>> -> memref<256xf32, #tpu.memory_space<hbm>>
        %dma_start3A_611 = tpu.memref_slice %arg4[%multiple_of3A_608] : memref<16777216xf32, #tpu.memory_space<hbm>> -> memref<256xf32, #tpu.memory_space<hbm>>
        %dma_start3A_612 = tpu.memref_slice %arg6[%multiple_of3A_605] : memref<65536xf32, #tpu.memory_space<vmem>> -> memref<256xf32, #tpu.memory_space<vmem>>
        tpu.enqueue_dma source(%dma_start3A_612 : memref<256xf32, #tpu.memory_space<vmem>>) target(%dma_start3A_611 : memref<256xf32, #tpu.memory_space<hbm>>) target_semaphore(%arg13 : memref<!tpu.dma_semaphore, #tpu.memory_space<semaphore_mem>>)
        %slice3A_613 = vector.extract_strided_slice %mul3A_457 {offsets = [14], sizes = [1], strides = [1]} : vector<16xi32> to vector<1xi32>
        %squeeze3A_614 = vector.extract %slice3A_613[0] : i32 from vector<1xi32>
        %multiple_of3A_615 = tpu.assume_multiple %squeeze3A_614, 8 : i32
        %add3A_616 = arith.constant 3584 : i32
        %add3A_617 = arith.addi %mul3A_467, %add3A_616 : i32
        %multiple_of3A_618 = tpu.assume_multiple %add3A_617, 8 : i32
        %dma_start3A_619 = tpu.memref_slice %arg6[%multiple_of3A_615] : memref<65536xf32, #tpu.memory_space<vmem>> -> memref<256xf32, #tpu.memory_space<vmem>>
        %dma_start3A_620 = tpu.memref_slice %arg4[%multiple_of3A_618] : memref<16777216xf32, #tpu.memory_space<hbm>> -> memref<256xf32, #tpu.memory_space<hbm>>
        %dma_start3A_621 = tpu.memref_slice %arg4[%multiple_of3A_618] : memref<16777216xf32, #tpu.memory_space<hbm>> -> memref<256xf32, #tpu.memory_space<hbm>>
        %dma_start3A_622 = tpu.memref_slice %arg6[%multiple_of3A_615] : memref<65536xf32, #tpu.memory_space<vmem>> -> memref<256xf32, #tpu.memory_space<vmem>>
        tpu.enqueue_dma source(%dma_start3A_622 : memref<256xf32, #tpu.memory_space<vmem>>) target(%dma_start3A_621 : memref<256xf32, #tpu.memory_space<hbm>>) target_semaphore(%arg13 : memref<!tpu.dma_semaphore, #tpu.memory_space<semaphore_mem>>)
        %slice3A_623 = vector.extract_strided_slice %mul3A_457 {offsets = [15], sizes = [1], strides = [1]} : vector<16xi32> to vector<1xi32>
        %squeeze3A_624 = vector.extract %slice3A_623[0] : i32 from vector<1xi32>
        %multiple_of3A_625 = tpu.assume_multiple %squeeze3A_624, 8 : i32
        %add3A_626 = arith.constant 3840 : i32
        %add3A_627 = arith.addi %mul3A_467, %add3A_626 : i32
        %multiple_of3A_628 = tpu.assume_multiple %add3A_627, 8 : i32
        %dma_start3A_629 = tpu.memref_slice %arg6[%multiple_of3A_625] : memref<65536xf32, #tpu.memory_space<vmem>> -> memref<256xf32, #tpu.memory_space<vmem>>
        %dma_start3A_630 = tpu.memref_slice %arg4[%multiple_of3A_628] : memref<16777216xf32, #tpu.memory_space<hbm>> -> memref<256xf32, #tpu.memory_space<hbm>>
        %dma_start3A_631 = tpu.memref_slice %arg4[%multiple_of3A_628] : memref<16777216xf32, #tpu.memory_space<hbm>> -> memref<256xf32, #tpu.memory_space<hbm>>
        %dma_start3A_632 = tpu.memref_slice %arg6[%multiple_of3A_625] : memref<65536xf32, #tpu.memory_space<vmem>> -> memref<256xf32, #tpu.memory_space<vmem>>
        tpu.enqueue_dma source(%dma_start3A_632 : memref<256xf32, #tpu.memory_space<vmem>>) target(%dma_start3A_631 : memref<256xf32, #tpu.memory_space<hbm>>) target_semaphore(%arg13 : memref<!tpu.dma_semaphore, #tpu.memory_space<semaphore_mem>>)
        %select_n3A_633 = arith.select %eq3A_462, %squeeze3A_459, %scan3A_68 : i32
        %mul3A_634 = arith.constant 4 : i32
        %mul3A_635 = arith.muli %mul3A_634, %scan3A_65 : i32
        %add3A_636 = arith.constant 3 : i32
        %add3A_637 = arith.addi %mul3A_635, %add3A_636 : i32
        %get3A_638 = arith.index_cast %add3A_637 : i32 to index
        %get3A_639 = arith.constant 0 : index
        %get3A_640 = tpu.vector_load %arg5[%get3A_638, %get3A_639] {strides = array<i32>} : memref<128x16xi32, #tpu.memory_space<vmem>>, vector<1x16xi32>,
        %get3A_641 = vector.shape_cast %get3A_640 : vector<1x16xi32> to vector<16xi32>
        %sub3A_642 = vector.broadcast %max3A_15 : i32 to vector<16xi32>
        %sub3A_643 = arith.subi %get3A_641, %sub3A_642 : vector<16xi32>
        %mul3A_644 = arith.constant 256 : i32
        %mul3A_645 = vector.broadcast %mul3A_644 : i32 to vector<16xi32>
        %mul3A_646 = arith.muli %sub3A_643, %mul3A_645 : vector<16xi32>
        %slice3A_647 = vector.extract_strided_slice %mul3A_646 {offsets = [0], sizes = [1], strides = [1]} : vector<16xi32> to vector<1xi32>
        %squeeze3A_648 = vector.extract %slice3A_647[0] : i32 from vector<1xi32>
        %slice3A_649 = vector.extract_strided_slice %mul3A_646 {offsets = [15], sizes = [1], strides = [1]} : vector<16xi32> to vector<1xi32>
        %squeeze3A_650 = vector.extract %slice3A_649[0] : i32 from vector<1xi32>
        %eq3A_651 = arith.cmpi eq, %squeeze3A_648, %squeeze3A_650 : i32
        %mul3A_652 = arith.constant 16 : i32
        %mul3A_653 = arith.muli %add3A_637, %mul3A_652 : i32
        %add3A_654 = arith.addi %mul3A_2, %mul3A_653 : i32
        %mul3A_655 = arith.constant 256 : i32
        %mul3A_656 = arith.muli %add3A_654, %mul3A_655 : i32
        %ge3A_657 = arith.constant 1 : i32
        %ge3A_658 = arith.cmpi sge, %scan3A_65, %ge3A_657 : i32
        %convert_element_type3A_659 = arith.extui %ge3A_658 : i1 to i32
        %cond3A_660 = arith.constant 0 : i32
        %cond3A_661 = arith.cmpi ne, %convert_element_type3A_659, %cond3A_660 : i32
        scf.if %cond3A_661 {
          %dma_wait3A_823 = arith.constant 0 : i32
          %dma_wait3A_824 = tpu.memref_slice %arg6[%dma_wait3A_823] : memref<65536xf32, #tpu.memory_space<vmem>> -> memref<4096xf32, #tpu.memory_space<vmem>>
          %dma_wait3A_825 = arith.constant 0 : i32
          %dma_wait3A_826 = tpu.memref_slice %arg4[%dma_wait3A_825] : memref<16777216xf32, #tpu.memory_space<hbm>> -> memref<4096xf32, #tpu.memory_space<hbm>>
          %dma_wait3A_827 = arith.constant 0 : i32
          %dma_wait3A_828 = tpu.memref_slice %arg4[%dma_wait3A_827] : memref<16777216xf32, #tpu.memory_space<hbm>> -> memref<4096xf32, #tpu.memory_space<hbm>>
          %dma_wait3A_829 = arith.constant 0 : i32
          %dma_wait3A_830 = tpu.memref_slice %arg6[%dma_wait3A_829] : memref<65536xf32, #tpu.memory_space<vmem>> -> memref<4096xf32, #tpu.memory_space<vmem>>
          tpu.wait_dma2 semaphore(%arg14 : memref<!tpu.dma_semaphore, #tpu.memory_space<semaphore_mem>>) src(%dma_wait3A_830 : memref<4096xf32, #tpu.memory_space<vmem>>) dst(%dma_wait3A_828 : memref<4096xf32, #tpu.memory_space<hbm>>)
        } else {
        }
        %slice3A_662 = vector.extract_strided_slice %mul3A_646 {offsets = [0], sizes = [1], strides = [1]} : vector<16xi32> to vector<1xi32>
        %squeeze3A_663 = vector.extract %slice3A_662[0] : i32 from vector<1xi32>
        %multiple_of3A_664 = tpu.assume_multiple %squeeze3A_663, 8 : i32
        %add3A_665 = arith.constant 0 : i32
        %add3A_666 = arith.addi %mul3A_656, %add3A_665 : i32
        %multiple_of3A_667 = tpu.assume_multiple %add3A_666, 8 : i32
        %dma_start3A_668 = tpu.memref_slice %arg6[%multiple_of3A_664] : memref<65536xf32, #tpu.memory_space<vmem>> -> memref<256xf32, #tpu.memory_space<vmem>>
        %dma_start3A_669 = tpu.memref_slice %arg4[%multiple_of3A_667] : memref<16777216xf32, #tpu.memory_space<hbm>> -> memref<256xf32, #tpu.memory_space<hbm>>
        %dma_start3A_670 = tpu.memref_slice %arg4[%multiple_of3A_667] : memref<16777216xf32, #tpu.memory_space<hbm>> -> memref<256xf32, #tpu.memory_space<hbm>>
        %dma_start3A_671 = tpu.memref_slice %arg6[%multiple_of3A_664] : memref<65536xf32, #tpu.memory_space<vmem>> -> memref<256xf32, #tpu.memory_space<vmem>>
        tpu.enqueue_dma source(%dma_start3A_671 : memref<256xf32, #tpu.memory_space<vmem>>) target(%dma_start3A_670 : memref<256xf32, #tpu.memory_space<hbm>>) target_semaphore(%arg14 : memref<!tpu.dma_semaphore, #tpu.memory_space<semaphore_mem>>)
        %slice3A_672 = vector.extract_strided_slice %mul3A_646 {offsets = [1], sizes = [1], strides = [1]} : vector<16xi32> to vector<1xi32>
        %squeeze3A_673 = vector.extract %slice3A_672[0] : i32 from vector<1xi32>
        %multiple_of3A_674 = tpu.assume_multiple %squeeze3A_673, 8 : i32
        %add3A_675 = arith.constant 256 : i32
        %add3A_676 = arith.addi %mul3A_656, %add3A_675 : i32
        %multiple_of3A_677 = tpu.assume_multiple %add3A_676, 8 : i32
        %dma_start3A_678 = tpu.memref_slice %arg6[%multiple_of3A_674] : memref<65536xf32, #tpu.memory_space<vmem>> -> memref<256xf32, #tpu.memory_space<vmem>>
        %dma_start3A_679 = tpu.memref_slice %arg4[%multiple_of3A_677] : memref<16777216xf32, #tpu.memory_space<hbm>> -> memref<256xf32, #tpu.memory_space<hbm>>
        %dma_start3A_680 = tpu.memref_slice %arg4[%multiple_of3A_677] : memref<16777216xf32, #tpu.memory_space<hbm>> -> memref<256xf32, #tpu.memory_space<hbm>>
        %dma_start3A_681 = tpu.memref_slice %arg6[%multiple_of3A_674] : memref<65536xf32, #tpu.memory_space<vmem>> -> memref<256xf32, #tpu.memory_space<vmem>>
        tpu.enqueue_dma source(%dma_start3A_681 : memref<256xf32, #tpu.memory_space<vmem>>) target(%dma_start3A_680 : memref<256xf32, #tpu.memory_space<hbm>>) target_semaphore(%arg14 : memref<!tpu.dma_semaphore, #tpu.memory_space<semaphore_mem>>)
        %slice3A_682 = vector.extract_strided_slice %mul3A_646 {offsets = [2], sizes = [1], strides = [1]} : vector<16xi32> to vector<1xi32>
        %squeeze3A_683 = vector.extract %slice3A_682[0] : i32 from vector<1xi32>
        %multiple_of3A_684 = tpu.assume_multiple %squeeze3A_683, 8 : i32
        %add3A_685 = arith.constant 512 : i32
        %add3A_686 = arith.addi %mul3A_656, %add3A_685 : i32
        %multiple_of3A_687 = tpu.assume_multiple %add3A_686, 8 : i32
        %dma_start3A_688 = tpu.memref_slice %arg6[%multiple_of3A_684] : memref<65536xf32, #tpu.memory_space<vmem>> -> memref<256xf32, #tpu.memory_space<vmem>>
        %dma_start3A_689 = tpu.memref_slice %arg4[%multiple_of3A_687] : memref<16777216xf32, #tpu.memory_space<hbm>> -> memref<256xf32, #tpu.memory_space<hbm>>
        %dma_start3A_690 = tpu.memref_slice %arg4[%multiple_of3A_687] : memref<16777216xf32, #tpu.memory_space<hbm>> -> memref<256xf32, #tpu.memory_space<hbm>>
        %dma_start3A_691 = tpu.memref_slice %arg6[%multiple_of3A_684] : memref<65536xf32, #tpu.memory_space<vmem>> -> memref<256xf32, #tpu.memory_space<vmem>>
        tpu.enqueue_dma source(%dma_start3A_691 : memref<256xf32, #tpu.memory_space<vmem>>) target(%dma_start3A_690 : memref<256xf32, #tpu.memory_space<hbm>>) target_semaphore(%arg14 : memref<!tpu.dma_semaphore, #tpu.memory_space<semaphore_mem>>)
        %slice3A_692 = vector.extract_strided_slice %mul3A_646 {offsets = [3], sizes = [1], strides = [1]} : vector<16xi32> to vector<1xi32>
        %squeeze3A_693 = vector.extract %slice3A_692[0] : i32 from vector<1xi32>
        %multiple_of3A_694 = tpu.assume_multiple %squeeze3A_693, 8 : i32
        %add3A_695 = arith.constant 768 : i32
        %add3A_696 = arith.addi %mul3A_656, %add3A_695 : i32
        %multiple_of3A_697 = tpu.assume_multiple %add3A_696, 8 : i32
        %dma_start3A_698 = tpu.memref_slice %arg6[%multiple_of3A_694] : memref<65536xf32, #tpu.memory_space<vmem>> -> memref<256xf32, #tpu.memory_space<vmem>>
        %dma_start3A_699 = tpu.memref_slice %arg4[%multiple_of3A_697] : memref<16777216xf32, #tpu.memory_space<hbm>> -> memref<256xf32, #tpu.memory_space<hbm>>
        %dma_start3A_700 = tpu.memref_slice %arg4[%multiple_of3A_697] : memref<16777216xf32, #tpu.memory_space<hbm>> -> memref<256xf32, #tpu.memory_space<hbm>>
        %dma_start3A_701 = tpu.memref_slice %arg6[%multiple_of3A_694] : memref<65536xf32, #tpu.memory_space<vmem>> -> memref<256xf32, #tpu.memory_space<vmem>>
        tpu.enqueue_dma source(%dma_start3A_701 : memref<256xf32, #tpu.memory_space<vmem>>) target(%dma_start3A_700 : memref<256xf32, #tpu.memory_space<hbm>>) target_semaphore(%arg14 : memref<!tpu.dma_semaphore, #tpu.memory_space<semaphore_mem>>)
        %slice3A_702 = vector.extract_strided_slice %mul3A_646 {offsets = [4], sizes = [1], strides = [1]} : vector<16xi32> to vector<1xi32>
        %squeeze3A_703 = vector.extract %slice3A_702[0] : i32 from vector<1xi32>
        %multiple_of3A_704 = tpu.assume_multiple %squeeze3A_703, 8 : i32
        %add3A_705 = arith.constant 1024 : i32
        %add3A_706 = arith.addi %mul3A_656, %add3A_705 : i32
        %multiple_of3A_707 = tpu.assume_multiple %add3A_706, 8 : i32
        %dma_start3A_708 = tpu.memref_slice %arg6[%multiple_of3A_704] : memref<65536xf32, #tpu.memory_space<vmem>> -> memref<256xf32, #tpu.memory_space<vmem>>
        %dma_start3A_709 = tpu.memref_slice %arg4[%multiple_of3A_707] : memref<16777216xf32, #tpu.memory_space<hbm>> -> memref<256xf32, #tpu.memory_space<hbm>>
        %dma_start3A_710 = tpu.memref_slice %arg4[%multiple_of3A_707] : memref<16777216xf32, #tpu.memory_space<hbm>> -> memref<256xf32, #tpu.memory_space<hbm>>
        %dma_start3A_711 = tpu.memref_slice %arg6[%multiple_of3A_704] : memref<65536xf32, #tpu.memory_space<vmem>> -> memref<256xf32, #tpu.memory_space<vmem>>
        tpu.enqueue_dma source(%dma_start3A_711 : memref<256xf32, #tpu.memory_space<vmem>>) target(%dma_start3A_710 : memref<256xf32, #tpu.memory_space<hbm>>) target_semaphore(%arg14 : memref<!tpu.dma_semaphore, #tpu.memory_space<semaphore_mem>>)
        %slice3A_712 = vector.extract_strided_slice %mul3A_646 {offsets = [5], sizes = [1], strides = [1]} : vector<16xi32> to vector<1xi32>
        %squeeze3A_713 = vector.extract %slice3A_712[0] : i32 from vector<1xi32>
        %multiple_of3A_714 = tpu.assume_multiple %squeeze3A_713, 8 : i32
        %add3A_715 = arith.constant 1280 : i32
        %add3A_716 = arith.addi %mul3A_656, %add3A_715 : i32
        %multiple_of3A_717 = tpu.assume_multiple %add3A_716, 8 : i32
        %dma_start3A_718 = tpu.memref_slice %arg6[%multiple_of3A_714] : memref<65536xf32, #tpu.memory_space<vmem>> -> memref<256xf32, #tpu.memory_space<vmem>>
        %dma_start3A_719 = tpu.memref_slice %arg4[%multiple_of3A_717] : memref<16777216xf32, #tpu.memory_space<hbm>> -> memref<256xf32, #tpu.memory_space<hbm>>
        %dma_start3A_720 = tpu.memref_slice %arg4[%multiple_of3A_717] : memref<16777216xf32, #tpu.memory_space<hbm>> -> memref<256xf32, #tpu.memory_space<hbm>>
        %dma_start3A_721 = tpu.memref_slice %arg6[%multiple_of3A_714] : memref<65536xf32, #tpu.memory_space<vmem>> -> memref<256xf32, #tpu.memory_space<vmem>>
        tpu.enqueue_dma source(%dma_start3A_721 : memref<256xf32, #tpu.memory_space<vmem>>) target(%dma_start3A_720 : memref<256xf32, #tpu.memory_space<hbm>>) target_semaphore(%arg14 : memref<!tpu.dma_semaphore, #tpu.memory_space<semaphore_mem>>)
        %slice3A_722 = vector.extract_strided_slice %mul3A_646 {offsets = [6], sizes = [1], strides = [1]} : vector<16xi32> to vector<1xi32>
        %squeeze3A_723 = vector.extract %slice3A_722[0] : i32 from vector<1xi32>
        %multiple_of3A_724 = tpu.assume_multiple %squeeze3A_723, 8 : i32
        %add3A_725 = arith.constant 1536 : i32
        %add3A_726 = arith.addi %mul3A_656, %add3A_725 : i32
        %multiple_of3A_727 = tpu.assume_multiple %add3A_726, 8 : i32
        %dma_start3A_728 = tpu.memref_slice %arg6[%multiple_of3A_724] : memref<65536xf32, #tpu.memory_space<vmem>> -> memref<256xf32, #tpu.memory_space<vmem>>
        %dma_start3A_729 = tpu.memref_slice %arg4[%multiple_of3A_727] : memref<16777216xf32, #tpu.memory_space<hbm>> -> memref<256xf32, #tpu.memory_space<hbm>>
        %dma_start3A_730 = tpu.memref_slice %arg4[%multiple_of3A_727] : memref<16777216xf32, #tpu.memory_space<hbm>> -> memref<256xf32, #tpu.memory_space<hbm>>
        %dma_start3A_731 = tpu.memref_slice %arg6[%multiple_of3A_724] : memref<65536xf32, #tpu.memory_space<vmem>> -> memref<256xf32, #tpu.memory_space<vmem>>
        tpu.enqueue_dma source(%dma_start3A_731 : memref<256xf32, #tpu.memory_space<vmem>>) target(%dma_start3A_730 : memref<256xf32, #tpu.memory_space<hbm>>) target_semaphore(%arg14 : memref<!tpu.dma_semaphore, #tpu.memory_space<semaphore_mem>>)
        %slice3A_732 = vector.extract_strided_slice %mul3A_646 {offsets = [7], sizes = [1], strides = [1]} : vector<16xi32> to vector<1xi32>
        %squeeze3A_733 = vector.extract %slice3A_732[0] : i32 from vector<1xi32>
        %multiple_of3A_734 = tpu.assume_multiple %squeeze3A_733, 8 : i32
        %add3A_735 = arith.constant 1792 : i32
        %add3A_736 = arith.addi %mul3A_656, %add3A_735 : i32
        %multiple_of3A_737 = tpu.assume_multiple %add3A_736, 8 : i32
        %dma_start3A_738 = tpu.memref_slice %arg6[%multiple_of3A_734] : memref<65536xf32, #tpu.memory_space<vmem>> -> memref<256xf32, #tpu.memory_space<vmem>>
        %dma_start3A_739 = tpu.memref_slice %arg4[%multiple_of3A_737] : memref<16777216xf32, #tpu.memory_space<hbm>> -> memref<256xf32, #tpu.memory_space<hbm>>
        %dma_start3A_740 = tpu.memref_slice %arg4[%multiple_of3A_737] : memref<16777216xf32, #tpu.memory_space<hbm>> -> memref<256xf32, #tpu.memory_space<hbm>>
        %dma_start3A_741 = tpu.memref_slice %arg6[%multiple_of3A_734] : memref<65536xf32, #tpu.memory_space<vmem>> -> memref<256xf32, #tpu.memory_space<vmem>>
        tpu.enqueue_dma source(%dma_start3A_741 : memref<256xf32, #tpu.memory_space<vmem>>) target(%dma_start3A_740 : memref<256xf32, #tpu.memory_space<hbm>>) target_semaphore(%arg14 : memref<!tpu.dma_semaphore, #tpu.memory_space<semaphore_mem>>)
        %slice3A_742 = vector.extract_strided_slice %mul3A_646 {offsets = [8], sizes = [1], strides = [1]} : vector<16xi32> to vector<1xi32>
        %squeeze3A_743 = vector.extract %slice3A_742[0] : i32 from vector<1xi32>
        %multiple_of3A_744 = tpu.assume_multiple %squeeze3A_743, 8 : i32
        %add3A_745 = arith.constant 2048 : i32
        %add3A_746 = arith.addi %mul3A_656, %add3A_745 : i32
        %multiple_of3A_747 = tpu.assume_multiple %add3A_746, 8 : i32
        %dma_start3A_748 = tpu.memref_slice %arg6[%multiple_of3A_744] : memref<65536xf32, #tpu.memory_space<vmem>> -> memref<256xf32, #tpu.memory_space<vmem>>
        %dma_start3A_749 = tpu.memref_slice %arg4[%multiple_of3A_747] : memref<16777216xf32, #tpu.memory_space<hbm>> -> memref<256xf32, #tpu.memory_space<hbm>>
        %dma_start3A_750 = tpu.memref_slice %arg4[%multiple_of3A_747] : memref<16777216xf32, #tpu.memory_space<hbm>> -> memref<256xf32, #tpu.memory_space<hbm>>
        %dma_start3A_751 = tpu.memref_slice %arg6[%multiple_of3A_744] : memref<65536xf32, #tpu.memory_space<vmem>> -> memref<256xf32, #tpu.memory_space<vmem>>
        tpu.enqueue_dma source(%dma_start3A_751 : memref<256xf32, #tpu.memory_space<vmem>>) target(%dma_start3A_750 : memref<256xf32, #tpu.memory_space<hbm>>) target_semaphore(%arg14 : memref<!tpu.dma_semaphore, #tpu.memory_space<semaphore_mem>>)
        %slice3A_752 = vector.extract_strided_slice %mul3A_646 {offsets = [9], sizes = [1], strides = [1]} : vector<16xi32> to vector<1xi32>
        %squeeze3A_753 = vector.extract %slice3A_752[0] : i32 from vector<1xi32>
        %multiple_of3A_754 = tpu.assume_multiple %squeeze3A_753, 8 : i32
        %add3A_755 = arith.constant 2304 : i32
        %add3A_756 = arith.addi %mul3A_656, %add3A_755 : i32
        %multiple_of3A_757 = tpu.assume_multiple %add3A_756, 8 : i32
        %dma_start3A_758 = tpu.memref_slice %arg6[%multiple_of3A_754] : memref<65536xf32, #tpu.memory_space<vmem>> -> memref<256xf32, #tpu.memory_space<vmem>>
        %dma_start3A_759 = tpu.memref_slice %arg4[%multiple_of3A_757] : memref<16777216xf32, #tpu.memory_space<hbm>> -> memref<256xf32, #tpu.memory_space<hbm>>
        %dma_start3A_760 = tpu.memref_slice %arg4[%multiple_of3A_757] : memref<16777216xf32, #tpu.memory_space<hbm>> -> memref<256xf32, #tpu.memory_space<hbm>>
        %dma_start3A_761 = tpu.memref_slice %arg6[%multiple_of3A_754] : memref<65536xf32, #tpu.memory_space<vmem>> -> memref<256xf32, #tpu.memory_space<vmem>>
        tpu.enqueue_dma source(%dma_start3A_761 : memref<256xf32, #tpu.memory_space<vmem>>) target(%dma_start3A_760 : memref<256xf32, #tpu.memory_space<hbm>>) target_semaphore(%arg14 : memref<!tpu.dma_semaphore, #tpu.memory_space<semaphore_mem>>)
        %slice3A_762 = vector.extract_strided_slice %mul3A_646 {offsets = [10], sizes = [1], strides = [1]} : vector<16xi32> to vector<1xi32>
        %squeeze3A_763 = vector.extract %slice3A_762[0] : i32 from vector<1xi32>
        %multiple_of3A_764 = tpu.assume_multiple %squeeze3A_763, 8 : i32
        %add3A_765 = arith.constant 2560 : i32
        %add3A_766 = arith.addi %mul3A_656, %add3A_765 : i32
        %multiple_of3A_767 = tpu.assume_multiple %add3A_766, 8 : i32
        %dma_start3A_768 = tpu.memref_slice %arg6[%multiple_of3A_764] : memref<65536xf32, #tpu.memory_space<vmem>> -> memref<256xf32, #tpu.memory_space<vmem>>
        %dma_start3A_769 = tpu.memref_slice %arg4[%multiple_of3A_767] : memref<16777216xf32, #tpu.memory_space<hbm>> -> memref<256xf32, #tpu.memory_space<hbm>>
        %dma_start3A_770 = tpu.memref_slice %arg4[%multiple_of3A_767] : memref<16777216xf32, #tpu.memory_space<hbm>> -> memref<256xf32, #tpu.memory_space<hbm>>
        %dma_start3A_771 = tpu.memref_slice %arg6[%multiple_of3A_764] : memref<65536xf32, #tpu.memory_space<vmem>> -> memref<256xf32, #tpu.memory_space<vmem>>
        tpu.enqueue_dma source(%dma_start3A_771 : memref<256xf32, #tpu.memory_space<vmem>>) target(%dma_start3A_770 : memref<256xf32, #tpu.memory_space<hbm>>) target_semaphore(%arg14 : memref<!tpu.dma_semaphore, #tpu.memory_space<semaphore_mem>>)
        %slice3A_772 = vector.extract_strided_slice %mul3A_646 {offsets = [11], sizes = [1], strides = [1]} : vector<16xi32> to vector<1xi32>
        %squeeze3A_773 = vector.extract %slice3A_772[0] : i32 from vector<1xi32>
        %multiple_of3A_774 = tpu.assume_multiple %squeeze3A_773, 8 : i32
        %add3A_775 = arith.constant 2816 : i32
        %add3A_776 = arith.addi %mul3A_656, %add3A_775 : i32
        %multiple_of3A_777 = tpu.assume_multiple %add3A_776, 8 : i32
        %dma_start3A_778 = tpu.memref_slice %arg6[%multiple_of3A_774] : memref<65536xf32, #tpu.memory_space<vmem>> -> memref<256xf32, #tpu.memory_space<vmem>>
        %dma_start3A_779 = tpu.memref_slice %arg4[%multiple_of3A_777] : memref<16777216xf32, #tpu.memory_space<hbm>> -> memref<256xf32, #tpu.memory_space<hbm>>
        %dma_start3A_780 = tpu.memref_slice %arg4[%multiple_of3A_777] : memref<16777216xf32, #tpu.memory_space<hbm>> -> memref<256xf32, #tpu.memory_space<hbm>>
        %dma_start3A_781 = tpu.memref_slice %arg6[%multiple_of3A_774] : memref<65536xf32, #tpu.memory_space<vmem>> -> memref<256xf32, #tpu.memory_space<vmem>>
        tpu.enqueue_dma source(%dma_start3A_781 : memref<256xf32, #tpu.memory_space<vmem>>) target(%dma_start3A_780 : memref<256xf32, #tpu.memory_space<hbm>>) target_semaphore(%arg14 : memref<!tpu.dma_semaphore, #tpu.memory_space<semaphore_mem>>)
        %slice3A_782 = vector.extract_strided_slice %mul3A_646 {offsets = [12], sizes = [1], strides = [1]} : vector<16xi32> to vector<1xi32>
        %squeeze3A_783 = vector.extract %slice3A_782[0] : i32 from vector<1xi32>
        %multiple_of3A_784 = tpu.assume_multiple %squeeze3A_783, 8 : i32
        %add3A_785 = arith.constant 3072 : i32
        %add3A_786 = arith.addi %mul3A_656, %add3A_785 : i32
        %multiple_of3A_787 = tpu.assume_multiple %add3A_786, 8 : i32
        %dma_start3A_788 = tpu.memref_slice %arg6[%multiple_of3A_784] : memref<65536xf32, #tpu.memory_space<vmem>> -> memref<256xf32, #tpu.memory_space<vmem>>
        %dma_start3A_789 = tpu.memref_slice %arg4[%multiple_of3A_787] : memref<16777216xf32, #tpu.memory_space<hbm>> -> memref<256xf32, #tpu.memory_space<hbm>>
        %dma_start3A_790 = tpu.memref_slice %arg4[%multiple_of3A_787] : memref<16777216xf32, #tpu.memory_space<hbm>> -> memref<256xf32, #tpu.memory_space<hbm>>
        %dma_start3A_791 = tpu.memref_slice %arg6[%multiple_of3A_784] : memref<65536xf32, #tpu.memory_space<vmem>> -> memref<256xf32, #tpu.memory_space<vmem>>
        tpu.enqueue_dma source(%dma_start3A_791 : memref<256xf32, #tpu.memory_space<vmem>>) target(%dma_start3A_790 : memref<256xf32, #tpu.memory_space<hbm>>) target_semaphore(%arg14 : memref<!tpu.dma_semaphore, #tpu.memory_space<semaphore_mem>>)
        %slice3A_792 = vector.extract_strided_slice %mul3A_646 {offsets = [13], sizes = [1], strides = [1]} : vector<16xi32> to vector<1xi32>
        %squeeze3A_793 = vector.extract %slice3A_792[0] : i32 from vector<1xi32>
        %multiple_of3A_794 = tpu.assume_multiple %squeeze3A_793, 8 : i32
        %add3A_795 = arith.constant 3328 : i32
        %add3A_796 = arith.addi %mul3A_656, %add3A_795 : i32
        %multiple_of3A_797 = tpu.assume_multiple %add3A_796, 8 : i32
        %dma_start3A_798 = tpu.memref_slice %arg6[%multiple_of3A_794] : memref<65536xf32, #tpu.memory_space<vmem>> -> memref<256xf32, #tpu.memory_space<vmem>>
        %dma_start3A_799 = tpu.memref_slice %arg4[%multiple_of3A_797] : memref<16777216xf32, #tpu.memory_space<hbm>> -> memref<256xf32, #tpu.memory_space<hbm>>
        %dma_start3A_800 = tpu.memref_slice %arg4[%multiple_of3A_797] : memref<16777216xf32, #tpu.memory_space<hbm>> -> memref<256xf32, #tpu.memory_space<hbm>>
        %dma_start3A_801 = tpu.memref_slice %arg6[%multiple_of3A_794] : memref<65536xf32, #tpu.memory_space<vmem>> -> memref<256xf32, #tpu.memory_space<vmem>>
        tpu.enqueue_dma source(%dma_start3A_801 : memref<256xf32, #tpu.memory_space<vmem>>) target(%dma_start3A_800 : memref<256xf32, #tpu.memory_space<hbm>>) target_semaphore(%arg14 : memref<!tpu.dma_semaphore, #tpu.memory_space<semaphore_mem>>)
        %slice3A_802 = vector.extract_strided_slice %mul3A_646 {offsets = [14], sizes = [1], strides = [1]} : vector<16xi32> to vector<1xi32>
        %squeeze3A_803 = vector.extract %slice3A_802[0] : i32 from vector<1xi32>
        %multiple_of3A_804 = tpu.assume_multiple %squeeze3A_803, 8 : i32
        %add3A_805 = arith.constant 3584 : i32
        %add3A_806 = arith.addi %mul3A_656, %add3A_805 : i32
        %multiple_of3A_807 = tpu.assume_multiple %add3A_806, 8 : i32
        %dma_start3A_808 = tpu.memref_slice %arg6[%multiple_of3A_804] : memref<65536xf32, #tpu.memory_space<vmem>> -> memref<256xf32, #tpu.memory_space<vmem>>
        %dma_start3A_809 = tpu.memref_slice %arg4[%multiple_of3A_807] : memref<16777216xf32, #tpu.memory_space<hbm>> -> memref<256xf32, #tpu.memory_space<hbm>>
        %dma_start3A_810 = tpu.memref_slice %arg4[%multiple_of3A_807] : memref<16777216xf32, #tpu.memory_space<hbm>> -> memref<256xf32, #tpu.memory_space<hbm>>
        %dma_start3A_811 = tpu.memref_slice %arg6[%multiple_of3A_804] : memref<65536xf32, #tpu.memory_space<vmem>> -> memref<256xf32, #tpu.memory_space<vmem>>
        tpu.enqueue_dma source(%dma_start3A_811 : memref<256xf32, #tpu.memory_space<vmem>>) target(%dma_start3A_810 : memref<256xf32, #tpu.memory_space<hbm>>) target_semaphore(%arg14 : memref<!tpu.dma_semaphore, #tpu.memory_space<semaphore_mem>>)
        %slice3A_812 = vector.extract_strided_slice %mul3A_646 {offsets = [15], sizes = [1], strides = [1]} : vector<16xi32> to vector<1xi32>
        %squeeze3A_813 = vector.extract %slice3A_812[0] : i32 from vector<1xi32>
        %multiple_of3A_814 = tpu.assume_multiple %squeeze3A_813, 8 : i32
        %add3A_815 = arith.constant 3840 : i32
        %add3A_816 = arith.addi %mul3A_656, %add3A_815 : i32
        %multiple_of3A_817 = tpu.assume_multiple %add3A_816, 8 : i32
        %dma_start3A_818 = tpu.memref_slice %arg6[%multiple_of3A_814] : memref<65536xf32, #tpu.memory_space<vmem>> -> memref<256xf32, #tpu.memory_space<vmem>>
        %dma_start3A_819 = tpu.memref_slice %arg4[%multiple_of3A_817] : memref<16777216xf32, #tpu.memory_space<hbm>> -> memref<256xf32, #tpu.memory_space<hbm>>
        %dma_start3A_820 = tpu.memref_slice %arg4[%multiple_of3A_817] : memref<16777216xf32, #tpu.memory_space<hbm>> -> memref<256xf32, #tpu.memory_space<hbm>>
        %dma_start3A_821 = tpu.memref_slice %arg6[%multiple_of3A_814] : memref<65536xf32, #tpu.memory_space<vmem>> -> memref<256xf32, #tpu.memory_space<vmem>>
        tpu.enqueue_dma source(%dma_start3A_821 : memref<256xf32, #tpu.memory_space<vmem>>) target(%dma_start3A_820 : memref<256xf32, #tpu.memory_space<hbm>>) target_semaphore(%arg14 : memref<!tpu.dma_semaphore, #tpu.memory_space<semaphore_mem>>)
        %select_n3A_822 = arith.select %eq3A_651, %squeeze3A_648, %scan3A_69 : i32
        scf.yield %select_n3A, %select_n3A_444, %select_n3A_633, %select_n3A_822 : i32, i32, i32, i32
      }
      %scan3A_33 = arith.constant 32 : i32
      %dma_wait3A = arith.constant 0 : i32
      %dma_wait3A_34 = tpu.memref_slice %arg6[%dma_wait3A] : memref<65536xf32, #tpu.memory_space<vmem>> -> memref<4096xf32, #tpu.memory_space<vmem>>
      %dma_wait3A_35 = arith.constant 0 : i32
      %dma_wait3A_36 = tpu.memref_slice %arg4[%dma_wait3A_35] : memref<16777216xf32, #tpu.memory_space<hbm>> -> memref<4096xf32, #tpu.memory_space<hbm>>
      %dma_wait3A_37 = arith.constant 0 : i32
      %dma_wait3A_38 = tpu.memref_slice %arg4[%dma_wait3A_37] : memref<16777216xf32, #tpu.memory_space<hbm>> -> memref<4096xf32, #tpu.memory_space<hbm>>
      %dma_wait3A_39 = arith.constant 0 : i32
      %dma_wait3A_40 = tpu.memref_slice %arg6[%dma_wait3A_39] : memref<65536xf32, #tpu.memory_space<vmem>> -> memref<4096xf32, #tpu.memory_space<vmem>>
      tpu.wait_dma2 semaphore(%arg11 : memref<!tpu.dma_semaphore, #tpu.memory_space<semaphore_mem>>) src(%dma_wait3A_40 : memref<4096xf32, #tpu.memory_space<vmem>>) dst(%dma_wait3A_38 : memref<4096xf32, #tpu.memory_space<hbm>>)
      %dma_wait3A_41 = arith.constant 0 : i32
      %dma_wait3A_42 = tpu.memref_slice %arg6[%dma_wait3A_41] : memref<65536xf32, #tpu.memory_space<vmem>> -> memref<4096xf32, #tpu.memory_space<vmem>>
      %dma_wait3A_43 = arith.constant 0 : i32
      %dma_wait3A_44 = tpu.memref_slice %arg4[%dma_wait3A_43] : memref<16777216xf32, #tpu.memory_space<hbm>> -> memref<4096xf32, #tpu.memory_space<hbm>>
      %dma_wait3A_45 = arith.constant 0 : i32
      %dma_wait3A_46 = tpu.memref_slice %arg4[%dma_wait3A_45] : memref<16777216xf32, #tpu.memory_space<hbm>> -> memref<4096xf32, #tpu.memory_space<hbm>>
      %dma_wait3A_47 = arith.constant 0 : i32
      %dma_wait3A_48 = tpu.memref_slice %arg6[%dma_wait3A_47] : memref<65536xf32, #tpu.memory_space<vmem>> -> memref<4096xf32, #tpu.memory_space<vmem>>
      tpu.wait_dma2 semaphore(%arg12 : memref<!tpu.dma_semaphore, #tpu.memory_space<semaphore_mem>>) src(%dma_wait3A_48 : memref<4096xf32, #tpu.memory_space<vmem>>) dst(%dma_wait3A_46 : memref<4096xf32, #tpu.memory_space<hbm>>)
      %dma_wait3A_49 = arith.constant 0 : i32
      %dma_wait3A_50 = tpu.memref_slice %arg6[%dma_wait3A_49] : memref<65536xf32, #tpu.memory_space<vmem>> -> memref<4096xf32, #tpu.memory_space<vmem>>
      %dma_wait3A_51 = arith.constant 0 : i32
      %dma_wait3A_52 = tpu.memref_slice %arg4[%dma_wait3A_51] : memref<16777216xf32, #tpu.memory_space<hbm>> -> memref<4096xf32, #tpu.memory_space<hbm>>
      %dma_wait3A_53 = arith.constant 0 : i32
      %dma_wait3A_54 = tpu.memref_slice %arg4[%dma_wait3A_53] : memref<16777216xf32, #tpu.memory_space<hbm>> -> memref<4096xf32, #tpu.memory_space<hbm>>
      %dma_wait3A_55 = arith.constant 0 : i32
      %dma_wait3A_56 = tpu.memref_slice %arg6[%dma_wait3A_55] : memref<65536xf32, #tpu.memory_space<vmem>> -> memref<4096xf32, #tpu.memory_space<vmem>>
      tpu.wait_dma2 semaphore(%arg13 : memref<!tpu.dma_semaphore, #tpu.memory_space<semaphore_mem>>) src(%dma_wait3A_56 : memref<4096xf32, #tpu.memory_space<vmem>>) dst(%dma_wait3A_54 : memref<4096xf32, #tpu.memory_space<hbm>>)
      %dma_wait3A_57 = arith.constant 0 : i32
      %dma_wait3A_58 = tpu.memref_slice %arg6[%dma_wait3A_57] : memref<65536xf32, #tpu.memory_space<vmem>> -> memref<4096xf32, #tpu.memory_space<vmem>>
      %dma_wait3A_59 = arith.constant 0 : i32
      %dma_wait3A_60 = tpu.memref_slice %arg4[%dma_wait3A_59] : memref<16777216xf32, #tpu.memory_space<hbm>> -> memref<4096xf32, #tpu.memory_space<hbm>>
      %dma_wait3A_61 = arith.constant 0 : i32
      %dma_wait3A_62 = tpu.memref_slice %arg4[%dma_wait3A_61] : memref<16777216xf32, #tpu.memory_space<hbm>> -> memref<4096xf32, #tpu.memory_space<hbm>>
      %dma_wait3A_63 = arith.constant 0 : i32
      %dma_wait3A_64 = tpu.memref_slice %arg6[%dma_wait3A_63] : memref<65536xf32, #tpu.memory_space<vmem>> -> memref<4096xf32, #tpu.memory_space<vmem>>
      tpu.wait_dma2 semaphore(%arg14 : memref<!tpu.dma_semaphore, #tpu.memory_space<semaphore_mem>>) src(%dma_wait3A_64 : memref<4096xf32, #tpu.memory_space<vmem>>) dst(%dma_wait3A_62 : memref<4096xf32, #tpu.memory_space<hbm>>)
    } else {
    }
    %sub3A_18 = arith.subi %squeeze3A_13, %max3A_15 : i32
    %ge3A = arith.constant 256 : i32
    %ge3A_19 = arith.cmpi sge, %sub3A_18, %ge3A : i32
    %convert_element_type3A_20 = arith.extui %ge3A_19 : i1 to i32
    %cond3A_21 = arith.constant 0 : i32
    %cond3A_22 = arith.cmpi ne, %convert_element_type3A_20, %cond3A_21 : i32
    scf.if %cond3A_22 {
      %scan3A = arith.constant 0 : i32
      %scan3A_23 = arith.constant 0 : i32
      %scan3A_24 = arith.constant 128 : i32
      %scan3A_25 = arith.addi %scan3A_23, %scan3A_24 : i32
      %scan3A_26 = arith.constant 1 : i32
      scf.for %scan3A_28 = %scan3A_23 to %scan3A_25 step %scan3A_26  : i32 {
        %get3A_29 = arith.index_cast %scan3A_28 : i32 to index
        %get3A_30 = arith.constant 0 : index
        %get3A_31 = tpu.vector_load %arg5[%get3A_29, %get3A_30] {strides = array<i32>} : memref<128x16xi32, #tpu.memory_space<vmem>>, vector<1x16xi32>,
        %get3A_32 = vector.shape_cast %get3A_31 : vector<1x16xi32> to vector<16xi32>
        %mul3A_33 = arith.constant 256 : i32
        %mul3A_34 = vector.broadcast %mul3A_33 : i32 to vector<16xi32>
        %mul3A_35 = arith.muli %get3A_32, %mul3A_34 : vector<16xi32>
        %slice3A_36 = vector.extract_strided_slice %mul3A_35 {offsets = [0], sizes = [1], strides = [1]} : vector<16xi32> to vector<1xi32>
        %squeeze3A_37 = vector.extract %slice3A_36[0] : i32 from vector<1xi32>
        %multiple_of3A = tpu.assume_multiple %squeeze3A_37, 8 : i32
        %dma_start3A = arith.constant 0 : i32
        %dma_start3A_38 = tpu.memref_slice %arg7[%dma_start3A] : memref<4096xf32, #tpu.memory_space<vmem>> -> memref<256xf32, #tpu.memory_space<vmem>>
        %dma_start3A_39 = tpu.memref_slice %arg2[%multiple_of3A] : memref<262144xf32, #tpu.memory_space<hbm>> -> memref<256xf32, #tpu.memory_space<hbm>>
        %dma_start3A_40 = arith.constant 0 : i32
        %dma_start3A_41 = tpu.memref_slice %arg7[%dma_start3A_40] : memref<4096xf32, #tpu.memory_space<vmem>> -> memref<256xf32, #tpu.memory_space<vmem>>
        %dma_start3A_42 = tpu.memref_slice %arg2[%multiple_of3A] : memref<262144xf32, #tpu.memory_space<hbm>> -> memref<256xf32, #tpu.memory_space<hbm>>
        tpu.enqueue_dma source(%dma_start3A_42 : memref<256xf32, #tpu.memory_space<hbm>>) target(%dma_start3A_41 : memref<256xf32, #tpu.memory_space<vmem>>) target_semaphore(%arg11 : memref<!tpu.dma_semaphore, #tpu.memory_space<semaphore_mem>>)
        %slice3A_43 = vector.extract_strided_slice %mul3A_35 {offsets = [1], sizes = [1], strides = [1]} : vector<16xi32> to vector<1xi32>
        %squeeze3A_44 = vector.extract %slice3A_43[0] : i32 from vector<1xi32>
        %multiple_of3A_45 = tpu.assume_multiple %squeeze3A_44, 8 : i32
        %dma_start3A_46 = arith.constant 256 : i32
        %dma_start3A_47 = tpu.memref_slice %arg7[%dma_start3A_46] : memref<4096xf32, #tpu.memory_space<vmem>> -> memref<256xf32, #tpu.memory_space<vmem>>
        %dma_start3A_48 = tpu.memref_slice %arg2[%multiple_of3A_45] : memref<262144xf32, #tpu.memory_space<hbm>> -> memref<256xf32, #tpu.memory_space<hbm>>
        %dma_start3A_49 = arith.constant 256 : i32
        %dma_start3A_50 = tpu.memref_slice %arg7[%dma_start3A_49] : memref<4096xf32, #tpu.memory_space<vmem>> -> memref<256xf32, #tpu.memory_space<vmem>>
        %dma_start3A_51 = tpu.memref_slice %arg2[%multiple_of3A_45] : memref<262144xf32, #tpu.memory_space<hbm>> -> memref<256xf32, #tpu.memory_space<hbm>>
        tpu.enqueue_dma source(%dma_start3A_51 : memref<256xf32, #tpu.memory_space<hbm>>) target(%dma_start3A_50 : memref<256xf32, #tpu.memory_space<vmem>>) target_semaphore(%arg11 : memref<!tpu.dma_semaphore, #tpu.memory_space<semaphore_mem>>)
        %slice3A_52 = vector.extract_strided_slice %mul3A_35 {offsets = [2], sizes = [1], strides = [1]} : vector<16xi32> to vector<1xi32>
        %squeeze3A_53 = vector.extract %slice3A_52[0] : i32 from vector<1xi32>
        %multiple_of3A_54 = tpu.assume_multiple %squeeze3A_53, 8 : i32
        %dma_start3A_55 = arith.constant 512 : i32
        %dma_start3A_56 = tpu.memref_slice %arg7[%dma_start3A_55] : memref<4096xf32, #tpu.memory_space<vmem>> -> memref<256xf32, #tpu.memory_space<vmem>>
        %dma_start3A_57 = tpu.memref_slice %arg2[%multiple_of3A_54] : memref<262144xf32, #tpu.memory_space<hbm>> -> memref<256xf32, #tpu.memory_space<hbm>>
        %dma_start3A_58 = arith.constant 512 : i32
        %dma_start3A_59 = tpu.memref_slice %arg7[%dma_start3A_58] : memref<4096xf32, #tpu.memory_space<vmem>> -> memref<256xf32, #tpu.memory_space<vmem>>
        %dma_start3A_60 = tpu.memref_slice %arg2[%multiple_of3A_54] : memref<262144xf32, #tpu.memory_space<hbm>> -> memref<256xf32, #tpu.memory_space<hbm>>
        tpu.enqueue_dma source(%dma_start3A_60 : memref<256xf32, #tpu.memory_space<hbm>>) target(%dma_start3A_59 : memref<256xf32, #tpu.memory_space<vmem>>) target_semaphore(%arg11 : memref<!tpu.dma_semaphore, #tpu.memory_space<semaphore_mem>>)
        %slice3A_61 = vector.extract_strided_slice %mul3A_35 {offsets = [3], sizes = [1], strides = [1]} : vector<16xi32> to vector<1xi32>
        %squeeze3A_62 = vector.extract %slice3A_61[0] : i32 from vector<1xi32>
        %multiple_of3A_63 = tpu.assume_multiple %squeeze3A_62, 8 : i32
        %dma_start3A_64 = arith.constant 768 : i32
        %dma_start3A_65 = tpu.memref_slice %arg7[%dma_start3A_64] : memref<4096xf32, #tpu.memory_space<vmem>> -> memref<256xf32, #tpu.memory_space<vmem>>
        %dma_start3A_66 = tpu.memref_slice %arg2[%multiple_of3A_63] : memref<262144xf32, #tpu.memory_space<hbm>> -> memref<256xf32, #tpu.memory_space<hbm>>
        %dma_start3A_67 = arith.constant 768 : i32
        %dma_start3A_68 = tpu.memref_slice %arg7[%dma_start3A_67] : memref<4096xf32, #tpu.memory_space<vmem>> -> memref<256xf32, #tpu.memory_space<vmem>>
        %dma_start3A_69 = tpu.memref_slice %arg2[%multiple_of3A_63] : memref<262144xf32, #tpu.memory_space<hbm>> -> memref<256xf32, #tpu.memory_space<hbm>>
        tpu.enqueue_dma source(%dma_start3A_69 : memref<256xf32, #tpu.memory_space<hbm>>) target(%dma_start3A_68 : memref<256xf32, #tpu.memory_space<vmem>>) target_semaphore(%arg11 : memref<!tpu.dma_semaphore, #tpu.memory_space<semaphore_mem>>)
        %slice3A_70 = vector.extract_strided_slice %mul3A_35 {offsets = [4], sizes = [1], strides = [1]} : vector<16xi32> to vector<1xi32>
        %squeeze3A_71 = vector.extract %slice3A_70[0] : i32 from vector<1xi32>
        %multiple_of3A_72 = tpu.assume_multiple %squeeze3A_71, 8 : i32
        %dma_start3A_73 = arith.constant 1024 : i32
        %dma_start3A_74 = tpu.memref_slice %arg7[%dma_start3A_73] : memref<4096xf32, #tpu.memory_space<vmem>> -> memref<256xf32, #tpu.memory_space<vmem>>
        %dma_start3A_75 = tpu.memref_slice %arg2[%multiple_of3A_72] : memref<262144xf32, #tpu.memory_space<hbm>> -> memref<256xf32, #tpu.memory_space<hbm>>
        %dma_start3A_76 = arith.constant 1024 : i32
        %dma_start3A_77 = tpu.memref_slice %arg7[%dma_start3A_76] : memref<4096xf32, #tpu.memory_space<vmem>> -> memref<256xf32, #tpu.memory_space<vmem>>
        %dma_start3A_78 = tpu.memref_slice %arg2[%multiple_of3A_72] : memref<262144xf32, #tpu.memory_space<hbm>> -> memref<256xf32, #tpu.memory_space<hbm>>
        tpu.enqueue_dma source(%dma_start3A_78 : memref<256xf32, #tpu.memory_space<hbm>>) target(%dma_start3A_77 : memref<256xf32, #tpu.memory_space<vmem>>) target_semaphore(%arg11 : memref<!tpu.dma_semaphore, #tpu.memory_space<semaphore_mem>>)
        %slice3A_79 = vector.extract_strided_slice %mul3A_35 {offsets = [5], sizes = [1], strides = [1]} : vector<16xi32> to vector<1xi32>
        %squeeze3A_80 = vector.extract %slice3A_79[0] : i32 from vector<1xi32>
        %multiple_of3A_81 = tpu.assume_multiple %squeeze3A_80, 8 : i32
        %dma_start3A_82 = arith.constant 1280 : i32
        %dma_start3A_83 = tpu.memref_slice %arg7[%dma_start3A_82] : memref<4096xf32, #tpu.memory_space<vmem>> -> memref<256xf32, #tpu.memory_space<vmem>>
        %dma_start3A_84 = tpu.memref_slice %arg2[%multiple_of3A_81] : memref<262144xf32, #tpu.memory_space<hbm>> -> memref<256xf32, #tpu.memory_space<hbm>>
        %dma_start3A_85 = arith.constant 1280 : i32
        %dma_start3A_86 = tpu.memref_slice %arg7[%dma_start3A_85] : memref<4096xf32, #tpu.memory_space<vmem>> -> memref<256xf32, #tpu.memory_space<vmem>>
        %dma_start3A_87 = tpu.memref_slice %arg2[%multiple_of3A_81] : memref<262144xf32, #tpu.memory_space<hbm>> -> memref<256xf32, #tpu.memory_space<hbm>>
        tpu.enqueue_dma source(%dma_start3A_87 : memref<256xf32, #tpu.memory_space<hbm>>) target(%dma_start3A_86 : memref<256xf32, #tpu.memory_space<vmem>>) target_semaphore(%arg11 : memref<!tpu.dma_semaphore, #tpu.memory_space<semaphore_mem>>)
        %slice3A_88 = vector.extract_strided_slice %mul3A_35 {offsets = [6], sizes = [1], strides = [1]} : vector<16xi32> to vector<1xi32>
        %squeeze3A_89 = vector.extract %slice3A_88[0] : i32 from vector<1xi32>
        %multiple_of3A_90 = tpu.assume_multiple %squeeze3A_89, 8 : i32
        %dma_start3A_91 = arith.constant 1536 : i32
        %dma_start3A_92 = tpu.memref_slice %arg7[%dma_start3A_91] : memref<4096xf32, #tpu.memory_space<vmem>> -> memref<256xf32, #tpu.memory_space<vmem>>
        %dma_start3A_93 = tpu.memref_slice %arg2[%multiple_of3A_90] : memref<262144xf32, #tpu.memory_space<hbm>> -> memref<256xf32, #tpu.memory_space<hbm>>
        %dma_start3A_94 = arith.constant 1536 : i32
        %dma_start3A_95 = tpu.memref_slice %arg7[%dma_start3A_94] : memref<4096xf32, #tpu.memory_space<vmem>> -> memref<256xf32, #tpu.memory_space<vmem>>
        %dma_start3A_96 = tpu.memref_slice %arg2[%multiple_of3A_90] : memref<262144xf32, #tpu.memory_space<hbm>> -> memref<256xf32, #tpu.memory_space<hbm>>
        tpu.enqueue_dma source(%dma_start3A_96 : memref<256xf32, #tpu.memory_space<hbm>>) target(%dma_start3A_95 : memref<256xf32, #tpu.memory_space<vmem>>) target_semaphore(%arg11 : memref<!tpu.dma_semaphore, #tpu.memory_space<semaphore_mem>>)
        %slice3A_97 = vector.extract_strided_slice %mul3A_35 {offsets = [7], sizes = [1], strides = [1]} : vector<16xi32> to vector<1xi32>
        %squeeze3A_98 = vector.extract %slice3A_97[0] : i32 from vector<1xi32>
        %multiple_of3A_99 = tpu.assume_multiple %squeeze3A_98, 8 : i32
        %dma_start3A_100 = arith.constant 1792 : i32
        %dma_start3A_101 = tpu.memref_slice %arg7[%dma_start3A_100] : memref<4096xf32, #tpu.memory_space<vmem>> -> memref<256xf32, #tpu.memory_space<vmem>>
        %dma_start3A_102 = tpu.memref_slice %arg2[%multiple_of3A_99] : memref<262144xf32, #tpu.memory_space<hbm>> -> memref<256xf32, #tpu.memory_space<hbm>>
        %dma_start3A_103 = arith.constant 1792 : i32
        %dma_start3A_104 = tpu.memref_slice %arg7[%dma_start3A_103] : memref<4096xf32, #tpu.memory_space<vmem>> -> memref<256xf32, #tpu.memory_space<vmem>>
        %dma_start3A_105 = tpu.memref_slice %arg2[%multiple_of3A_99] : memref<262144xf32, #tpu.memory_space<hbm>> -> memref<256xf32, #tpu.memory_space<hbm>>
        tpu.enqueue_dma source(%dma_start3A_105 : memref<256xf32, #tpu.memory_space<hbm>>) target(%dma_start3A_104 : memref<256xf32, #tpu.memory_space<vmem>>) target_semaphore(%arg11 : memref<!tpu.dma_semaphore, #tpu.memory_space<semaphore_mem>>)
        %slice3A_106 = vector.extract_strided_slice %mul3A_35 {offsets = [8], sizes = [1], strides = [1]} : vector<16xi32> to vector<1xi32>
        %squeeze3A_107 = vector.extract %slice3A_106[0] : i32 from vector<1xi32>
        %multiple_of3A_108 = tpu.assume_multiple %squeeze3A_107, 8 : i32
        %dma_start3A_109 = arith.constant 2048 : i32
        %dma_start3A_110 = tpu.memref_slice %arg7[%dma_start3A_109] : memref<4096xf32, #tpu.memory_space<vmem>> -> memref<256xf32, #tpu.memory_space<vmem>>
        %dma_start3A_111 = tpu.memref_slice %arg2[%multiple_of3A_108] : memref<262144xf32, #tpu.memory_space<hbm>> -> memref<256xf32, #tpu.memory_space<hbm>>
        %dma_start3A_112 = arith.constant 2048 : i32
        %dma_start3A_113 = tpu.memref_slice %arg7[%dma_start3A_112] : memref<4096xf32, #tpu.memory_space<vmem>> -> memref<256xf32, #tpu.memory_space<vmem>>
        %dma_start3A_114 = tpu.memref_slice %arg2[%multiple_of3A_108] : memref<262144xf32, #tpu.memory_space<hbm>> -> memref<256xf32, #tpu.memory_space<hbm>>
        tpu.enqueue_dma source(%dma_start3A_114 : memref<256xf32, #tpu.memory_space<hbm>>) target(%dma_start3A_113 : memref<256xf32, #tpu.memory_space<vmem>>) target_semaphore(%arg11 : memref<!tpu.dma_semaphore, #tpu.memory_space<semaphore_mem>>)
        %slice3A_115 = vector.extract_strided_slice %mul3A_35 {offsets = [9], sizes = [1], strides = [1]} : vector<16xi32> to vector<1xi32>
        %squeeze3A_116 = vector.extract %slice3A_115[0] : i32 from vector<1xi32>
        %multiple_of3A_117 = tpu.assume_multiple %squeeze3A_116, 8 : i32
        %dma_start3A_118 = arith.constant 2304 : i32
        %dma_start3A_119 = tpu.memref_slice %arg7[%dma_start3A_118] : memref<4096xf32, #tpu.memory_space<vmem>> -> memref<256xf32, #tpu.memory_space<vmem>>
        %dma_start3A_120 = tpu.memref_slice %arg2[%multiple_of3A_117] : memref<262144xf32, #tpu.memory_space<hbm>> -> memref<256xf32, #tpu.memory_space<hbm>>
        %dma_start3A_121 = arith.constant 2304 : i32
        %dma_start3A_122 = tpu.memref_slice %arg7[%dma_start3A_121] : memref<4096xf32, #tpu.memory_space<vmem>> -> memref<256xf32, #tpu.memory_space<vmem>>
        %dma_start3A_123 = tpu.memref_slice %arg2[%multiple_of3A_117] : memref<262144xf32, #tpu.memory_space<hbm>> -> memref<256xf32, #tpu.memory_space<hbm>>
        tpu.enqueue_dma source(%dma_start3A_123 : memref<256xf32, #tpu.memory_space<hbm>>) target(%dma_start3A_122 : memref<256xf32, #tpu.memory_space<vmem>>) target_semaphore(%arg11 : memref<!tpu.dma_semaphore, #tpu.memory_space<semaphore_mem>>)
        %slice3A_124 = vector.extract_strided_slice %mul3A_35 {offsets = [10], sizes = [1], strides = [1]} : vector<16xi32> to vector<1xi32>
        %squeeze3A_125 = vector.extract %slice3A_124[0] : i32 from vector<1xi32>
        %multiple_of3A_126 = tpu.assume_multiple %squeeze3A_125, 8 : i32
        %dma_start3A_127 = arith.constant 2560 : i32
        %dma_start3A_128 = tpu.memref_slice %arg7[%dma_start3A_127] : memref<4096xf32, #tpu.memory_space<vmem>> -> memref<256xf32, #tpu.memory_space<vmem>>
        %dma_start3A_129 = tpu.memref_slice %arg2[%multiple_of3A_126] : memref<262144xf32, #tpu.memory_space<hbm>> -> memref<256xf32, #tpu.memory_space<hbm>>
        %dma_start3A_130 = arith.constant 2560 : i32
        %dma_start3A_131 = tpu.memref_slice %arg7[%dma_start3A_130] : memref<4096xf32, #tpu.memory_space<vmem>> -> memref<256xf32, #tpu.memory_space<vmem>>
        %dma_start3A_132 = tpu.memref_slice %arg2[%multiple_of3A_126] : memref<262144xf32, #tpu.memory_space<hbm>> -> memref<256xf32, #tpu.memory_space<hbm>>
        tpu.enqueue_dma source(%dma_start3A_132 : memref<256xf32, #tpu.memory_space<hbm>>) target(%dma_start3A_131 : memref<256xf32, #tpu.memory_space<vmem>>) target_semaphore(%arg11 : memref<!tpu.dma_semaphore, #tpu.memory_space<semaphore_mem>>)
        %slice3A_133 = vector.extract_strided_slice %mul3A_35 {offsets = [11], sizes = [1], strides = [1]} : vector<16xi32> to vector<1xi32>
        %squeeze3A_134 = vector.extract %slice3A_133[0] : i32 from vector<1xi32>
        %multiple_of3A_135 = tpu.assume_multiple %squeeze3A_134, 8 : i32
        %dma_start3A_136 = arith.constant 2816 : i32
        %dma_start3A_137 = tpu.memref_slice %arg7[%dma_start3A_136] : memref<4096xf32, #tpu.memory_space<vmem>> -> memref<256xf32, #tpu.memory_space<vmem>>
        %dma_start3A_138 = tpu.memref_slice %arg2[%multiple_of3A_135] : memref<262144xf32, #tpu.memory_space<hbm>> -> memref<256xf32, #tpu.memory_space<hbm>>
        %dma_start3A_139 = arith.constant 2816 : i32
        %dma_start3A_140 = tpu.memref_slice %arg7[%dma_start3A_139] : memref<4096xf32, #tpu.memory_space<vmem>> -> memref<256xf32, #tpu.memory_space<vmem>>
        %dma_start3A_141 = tpu.memref_slice %arg2[%multiple_of3A_135] : memref<262144xf32, #tpu.memory_space<hbm>> -> memref<256xf32, #tpu.memory_space<hbm>>
        tpu.enqueue_dma source(%dma_start3A_141 : memref<256xf32, #tpu.memory_space<hbm>>) target(%dma_start3A_140 : memref<256xf32, #tpu.memory_space<vmem>>) target_semaphore(%arg11 : memref<!tpu.dma_semaphore, #tpu.memory_space<semaphore_mem>>)
        %slice3A_142 = vector.extract_strided_slice %mul3A_35 {offsets = [12], sizes = [1], strides = [1]} : vector<16xi32> to vector<1xi32>
        %squeeze3A_143 = vector.extract %slice3A_142[0] : i32 from vector<1xi32>
        %multiple_of3A_144 = tpu.assume_multiple %squeeze3A_143, 8 : i32
        %dma_start3A_145 = arith.constant 3072 : i32
        %dma_start3A_146 = tpu.memref_slice %arg7[%dma_start3A_145] : memref<4096xf32, #tpu.memory_space<vmem>> -> memref<256xf32, #tpu.memory_space<vmem>>
        %dma_start3A_147 = tpu.memref_slice %arg2[%multiple_of3A_144] : memref<262144xf32, #tpu.memory_space<hbm>> -> memref<256xf32, #tpu.memory_space<hbm>>
        %dma_start3A_148 = arith.constant 3072 : i32
        %dma_start3A_149 = tpu.memref_slice %arg7[%dma_start3A_148] : memref<4096xf32, #tpu.memory_space<vmem>> -> memref<256xf32, #tpu.memory_space<vmem>>
        %dma_start3A_150 = tpu.memref_slice %arg2[%multiple_of3A_144] : memref<262144xf32, #tpu.memory_space<hbm>> -> memref<256xf32, #tpu.memory_space<hbm>>
        tpu.enqueue_dma source(%dma_start3A_150 : memref<256xf32, #tpu.memory_space<hbm>>) target(%dma_start3A_149 : memref<256xf32, #tpu.memory_space<vmem>>) target_semaphore(%arg11 : memref<!tpu.dma_semaphore, #tpu.memory_space<semaphore_mem>>)
        %slice3A_151 = vector.extract_strided_slice %mul3A_35 {offsets = [13], sizes = [1], strides = [1]} : vector<16xi32> to vector<1xi32>
        %squeeze3A_152 = vector.extract %slice3A_151[0] : i32 from vector<1xi32>
        %multiple_of3A_153 = tpu.assume_multiple %squeeze3A_152, 8 : i32
        %dma_start3A_154 = arith.constant 3328 : i32
        %dma_start3A_155 = tpu.memref_slice %arg7[%dma_start3A_154] : memref<4096xf32, #tpu.memory_space<vmem>> -> memref<256xf32, #tpu.memory_space<vmem>>
        %dma_start3A_156 = tpu.memref_slice %arg2[%multiple_of3A_153] : memref<262144xf32, #tpu.memory_space<hbm>> -> memref<256xf32, #tpu.memory_space<hbm>>
        %dma_start3A_157 = arith.constant 3328 : i32
        %dma_start3A_158 = tpu.memref_slice %arg7[%dma_start3A_157] : memref<4096xf32, #tpu.memory_space<vmem>> -> memref<256xf32, #tpu.memory_space<vmem>>
        %dma_start3A_159 = tpu.memref_slice %arg2[%multiple_of3A_153] : memref<262144xf32, #tpu.memory_space<hbm>> -> memref<256xf32, #tpu.memory_space<hbm>>
        tpu.enqueue_dma source(%dma_start3A_159 : memref<256xf32, #tpu.memory_space<hbm>>) target(%dma_start3A_158 : memref<256xf32, #tpu.memory_space<vmem>>) target_semaphore(%arg11 : memref<!tpu.dma_semaphore, #tpu.memory_space<semaphore_mem>>)
        %slice3A_160 = vector.extract_strided_slice %mul3A_35 {offsets = [14], sizes = [1], strides = [1]} : vector<16xi32> to vector<1xi32>
        %squeeze3A_161 = vector.extract %slice3A_160[0] : i32 from vector<1xi32>
        %multiple_of3A_162 = tpu.assume_multiple %squeeze3A_161, 8 : i32
        %dma_start3A_163 = arith.constant 3584 : i32
        %dma_start3A_164 = tpu.memref_slice %arg7[%dma_start3A_163] : memref<4096xf32, #tpu.memory_space<vmem>> -> memref<256xf32, #tpu.memory_space<vmem>>
        %dma_start3A_165 = tpu.memref_slice %arg2[%multiple_of3A_162] : memref<262144xf32, #tpu.memory_space<hbm>> -> memref<256xf32, #tpu.memory_space<hbm>>
        %dma_start3A_166 = arith.constant 3584 : i32
        %dma_start3A_167 = tpu.memref_slice %arg7[%dma_start3A_166] : memref<4096xf32, #tpu.memory_space<vmem>> -> memref<256xf32, #tpu.memory_space<vmem>>
        %dma_start3A_168 = tpu.memref_slice %arg2[%multiple_of3A_162] : memref<262144xf32, #tpu.memory_space<hbm>> -> memref<256xf32, #tpu.memory_space<hbm>>
        tpu.enqueue_dma source(%dma_start3A_168 : memref<256xf32, #tpu.memory_space<hbm>>) target(%dma_start3A_167 : memref<256xf32, #tpu.memory_space<vmem>>) target_semaphore(%arg11 : memref<!tpu.dma_semaphore, #tpu.memory_space<semaphore_mem>>)
        %slice3A_169 = vector.extract_strided_slice %mul3A_35 {offsets = [15], sizes = [1], strides = [1]} : vector<16xi32> to vector<1xi32>
        %squeeze3A_170 = vector.extract %slice3A_169[0] : i32 from vector<1xi32>
        %multiple_of3A_171 = tpu.assume_multiple %squeeze3A_170, 8 : i32
        %dma_start3A_172 = arith.constant 3840 : i32
        %dma_start3A_173 = tpu.memref_slice %arg7[%dma_start3A_172] : memref<4096xf32, #tpu.memory_space<vmem>> -> memref<256xf32, #tpu.memory_space<vmem>>
        %dma_start3A_174 = tpu.memref_slice %arg2[%multiple_of3A_171] : memref<262144xf32, #tpu.memory_space<hbm>> -> memref<256xf32, #tpu.memory_space<hbm>>
        %dma_start3A_175 = arith.constant 3840 : i32
        %dma_start3A_176 = tpu.memref_slice %arg7[%dma_start3A_175] : memref<4096xf32, #tpu.memory_space<vmem>> -> memref<256xf32, #tpu.memory_space<vmem>>
        %dma_start3A_177 = tpu.memref_slice %arg2[%multiple_of3A_171] : memref<262144xf32, #tpu.memory_space<hbm>> -> memref<256xf32, #tpu.memory_space<hbm>>
        tpu.enqueue_dma source(%dma_start3A_177 : memref<256xf32, #tpu.memory_space<hbm>>) target(%dma_start3A_176 : memref<256xf32, #tpu.memory_space<vmem>>) target_semaphore(%arg11 : memref<!tpu.dma_semaphore, #tpu.memory_space<semaphore_mem>>)
        %dma_wait3A = arith.constant 0 : i32
        %dma_wait3A_178 = tpu.memref_slice %arg7[%dma_wait3A] : memref<4096xf32, #tpu.memory_space<vmem>> -> memref<256xf32, #tpu.memory_space<vmem>>
        %dma_wait3A_179 = arith.constant 0 : i32
        %dma_wait3A_180 = tpu.memref_slice %arg2[%dma_wait3A_179] : memref<262144xf32, #tpu.memory_space<hbm>> -> memref<256xf32, #tpu.memory_space<hbm>>
        %dma_wait3A_181 = arith.constant 0 : i32
        %dma_wait3A_182 = tpu.memref_slice %arg7[%dma_wait3A_181] : memref<4096xf32, #tpu.memory_space<vmem>> -> memref<256xf32, #tpu.memory_space<vmem>>
        %dma_wait3A_183 = arith.constant 0 : i32
        %dma_wait3A_184 = tpu.memref_slice %arg2[%dma_wait3A_183] : memref<262144xf32, #tpu.memory_space<hbm>> -> memref<256xf32, #tpu.memory_space<hbm>>
        tpu.wait_dma2 semaphore(%arg11 : memref<!tpu.dma_semaphore, #tpu.memory_space<semaphore_mem>>) src(%dma_wait3A_184 : memref<256xf32, #tpu.memory_space<hbm>>) dst(%dma_wait3A_182 : memref<256xf32, #tpu.memory_space<vmem>>)
        %dma_wait3A_185 = arith.constant 0 : i32
        %dma_wait3A_186 = tpu.memref_slice %arg7[%dma_wait3A_185] : memref<4096xf32, #tpu.memory_space<vmem>> -> memref<256xf32, #tpu.memory_space<vmem>>
        %dma_wait3A_187 = arith.constant 0 : i32
        %dma_wait3A_188 = tpu.memref_slice %arg2[%dma_wait3A_187] : memref<262144xf32, #tpu.memory_space<hbm>> -> memref<256xf32, #tpu.memory_space<hbm>>
        %dma_wait3A_189 = arith.constant 0 : i32
        %dma_wait3A_190 = tpu.memref_slice %arg7[%dma_wait3A_189] : memref<4096xf32, #tpu.memory_space<vmem>> -> memref<256xf32, #tpu.memory_space<vmem>>
        %dma_wait3A_191 = arith.constant 0 : i32
        %dma_wait3A_192 = tpu.memref_slice %arg2[%dma_wait3A_191] : memref<262144xf32, #tpu.memory_space<hbm>> -> memref<256xf32, #tpu.memory_space<hbm>>
        tpu.wait_dma2 semaphore(%arg11 : memref<!tpu.dma_semaphore, #tpu.memory_space<semaphore_mem>>) src(%dma_wait3A_192 : memref<256xf32, #tpu.memory_space<hbm>>) dst(%dma_wait3A_190 : memref<256xf32, #tpu.memory_space<vmem>>)
        %dma_wait3A_193 = arith.constant 0 : i32
        %dma_wait3A_194 = tpu.memref_slice %arg7[%dma_wait3A_193] : memref<4096xf32, #tpu.memory_space<vmem>> -> memref<256xf32, #tpu.memory_space<vmem>>
        %dma_wait3A_195 = arith.constant 0 : i32
        %dma_wait3A_196 = tpu.memref_slice %arg2[%dma_wait3A_195] : memref<262144xf32, #tpu.memory_space<hbm>> -> memref<256xf32, #tpu.memory_space<hbm>>
        %dma_wait3A_197 = arith.constant 0 : i32
        %dma_wait3A_198 = tpu.memref_slice %arg7[%dma_wait3A_197] : memref<4096xf32, #tpu.memory_space<vmem>> -> memref<256xf32, #tpu.memory_space<vmem>>
        %dma_wait3A_199 = arith.constant 0 : i32
        %dma_wait3A_200 = tpu.memref_slice %arg2[%dma_wait3A_199] : memref<262144xf32, #tpu.memory_space<hbm>> -> memref<256xf32, #tpu.memory_space<hbm>>
        tpu.wait_dma2 semaphore(%arg11 : memref<!tpu.dma_semaphore, #tpu.memory_space<semaphore_mem>>) src(%dma_wait3A_200 : memref<256xf32, #tpu.memory_space<hbm>>) dst(%dma_wait3A_198 : memref<256xf32, #tpu.memory_space<vmem>>)
        %dma_wait3A_201 = arith.constant 0 : i32
        %dma_wait3A_202 = tpu.memref_slice %arg7[%dma_wait3A_201] : memref<4096xf32, #tpu.memory_space<vmem>> -> memref<256xf32, #tpu.memory_space<vmem>>
        %dma_wait3A_203 = arith.constant 0 : i32
        %dma_wait3A_204 = tpu.memref_slice %arg2[%dma_wait3A_203] : memref<262144xf32, #tpu.memory_space<hbm>> -> memref<256xf32, #tpu.memory_space<hbm>>
        %dma_wait3A_205 = arith.constant 0 : i32
        %dma_wait3A_206 = tpu.memref_slice %arg7[%dma_wait3A_205] : memref<4096xf32, #tpu.memory_space<vmem>> -> memref<256xf32, #tpu.memory_space<vmem>>
        %dma_wait3A_207 = arith.constant 0 : i32
        %dma_wait3A_208 = tpu.memref_slice %arg2[%dma_wait3A_207] : memref<262144xf32, #tpu.memory_space<hbm>> -> memref<256xf32, #tpu.memory_space<hbm>>
        tpu.wait_dma2 semaphore(%arg11 : memref<!tpu.dma_semaphore, #tpu.memory_space<semaphore_mem>>) src(%dma_wait3A_208 : memref<256xf32, #tpu.memory_space<hbm>>) dst(%dma_wait3A_206 : memref<256xf32, #tpu.memory_space<vmem>>)
        %dma_wait3A_209 = arith.constant 0 : i32
        %dma_wait3A_210 = tpu.memref_slice %arg7[%dma_wait3A_209] : memref<4096xf32, #tpu.memory_space<vmem>> -> memref<256xf32, #tpu.memory_space<vmem>>
        %dma_wait3A_211 = arith.constant 0 : i32
        %dma_wait3A_212 = tpu.memref_slice %arg2[%dma_wait3A_211] : memref<262144xf32, #tpu.memory_space<hbm>> -> memref<256xf32, #tpu.memory_space<hbm>>
        %dma_wait3A_213 = arith.constant 0 : i32
        %dma_wait3A_214 = tpu.memref_slice %arg7[%dma_wait3A_213] : memref<4096xf32, #tpu.memory_space<vmem>> -> memref<256xf32, #tpu.memory_space<vmem>>
        %dma_wait3A_215 = arith.constant 0 : i32
        %dma_wait3A_216 = tpu.memref_slice %arg2[%dma_wait3A_215] : memref<262144xf32, #tpu.memory_space<hbm>> -> memref<256xf32, #tpu.memory_space<hbm>>
        tpu.wait_dma2 semaphore(%arg11 : memref<!tpu.dma_semaphore, #tpu.memory_space<semaphore_mem>>) src(%dma_wait3A_216 : memref<256xf32, #tpu.memory_space<hbm>>) dst(%dma_wait3A_214 : memref<256xf32, #tpu.memory_space<vmem>>)
        %dma_wait3A_217 = arith.constant 0 : i32
        %dma_wait3A_218 = tpu.memref_slice %arg7[%dma_wait3A_217] : memref<4096xf32, #tpu.memory_space<vmem>> -> memref<256xf32, #tpu.memory_space<vmem>>
        %dma_wait3A_219 = arith.constant 0 : i32
        %dma_wait3A_220 = tpu.memref_slice %arg2[%dma_wait3A_219] : memref<262144xf32, #tpu.memory_space<hbm>> -> memref<256xf32, #tpu.memory_space<hbm>>
        %dma_wait3A_221 = arith.constant 0 : i32
        %dma_wait3A_222 = tpu.memref_slice %arg7[%dma_wait3A_221] : memref<4096xf32, #tpu.memory_space<vmem>> -> memref<256xf32, #tpu.memory_space<vmem>>
        %dma_wait3A_223 = arith.constant 0 : i32
        %dma_wait3A_224 = tpu.memref_slice %arg2[%dma_wait3A_223] : memref<262144xf32, #tpu.memory_space<hbm>> -> memref<256xf32, #tpu.memory_space<hbm>>
        tpu.wait_dma2 semaphore(%arg11 : memref<!tpu.dma_semaphore, #tpu.memory_space<semaphore_mem>>) src(%dma_wait3A_224 : memref<256xf32, #tpu.memory_space<hbm>>) dst(%dma_wait3A_222 : memref<256xf32, #tpu.memory_space<vmem>>)
        %dma_wait3A_225 = arith.constant 0 : i32
        %dma_wait3A_226 = tpu.memref_slice %arg7[%dma_wait3A_225] : memref<4096xf32, #tpu.memory_space<vmem>> -> memref<256xf32, #tpu.memory_space<vmem>>
        %dma_wait3A_227 = arith.constant 0 : i32
        %dma_wait3A_228 = tpu.memref_slice %arg2[%dma_wait3A_227] : memref<262144xf32, #tpu.memory_space<hbm>> -> memref<256xf32, #tpu.memory_space<hbm>>
        %dma_wait3A_229 = arith.constant 0 : i32
        %dma_wait3A_230 = tpu.memref_slice %arg7[%dma_wait3A_229] : memref<4096xf32, #tpu.memory_space<vmem>> -> memref<256xf32, #tpu.memory_space<vmem>>
        %dma_wait3A_231 = arith.constant 0 : i32
        %dma_wait3A_232 = tpu.memref_slice %arg2[%dma_wait3A_231] : memref<262144xf32, #tpu.memory_space<hbm>> -> memref<256xf32, #tpu.memory_space<hbm>>
        tpu.wait_dma2 semaphore(%arg11 : memref<!tpu.dma_semaphore, #tpu.memory_space<semaphore_mem>>) src(%dma_wait3A_232 : memref<256xf32, #tpu.memory_space<hbm>>) dst(%dma_wait3A_230 : memref<256xf32, #tpu.memory_space<vmem>>)
        %dma_wait3A_233 = arith.constant 0 : i32
        %dma_wait3A_234 = tpu.memref_slice %arg7[%dma_wait3A_233] : memref<4096xf32, #tpu.memory_space<vmem>> -> memref<256xf32, #tpu.memory_space<vmem>>
        %dma_wait3A_235 = arith.constant 0 : i32
        %dma_wait3A_236 = tpu.memref_slice %arg2[%dma_wait3A_235] : memref<262144xf32, #tpu.memory_space<hbm>> -> memref<256xf32, #tpu.memory_space<hbm>>
        %dma_wait3A_237 = arith.constant 0 : i32
        %dma_wait3A_238 = tpu.memref_slice %arg7[%dma_wait3A_237] : memref<4096xf32, #tpu.memory_space<vmem>> -> memref<256xf32, #tpu.memory_space<vmem>>
        %dma_wait3A_239 = arith.constant 0 : i32
        %dma_wait3A_240 = tpu.memref_slice %arg2[%dma_wait3A_239] : memref<262144xf32, #tpu.memory_space<hbm>> -> memref<256xf32, #tpu.memory_space<hbm>>
        tpu.wait_dma2 semaphore(%arg11 : memref<!tpu.dma_semaphore, #tpu.memory_space<semaphore_mem>>) src(%dma_wait3A_240 : memref<256xf32, #tpu.memory_space<hbm>>) dst(%dma_wait3A_238 : memref<256xf32, #tpu.memory_space<vmem>>)
        %dma_wait3A_241 = arith.constant 0 : i32
        %dma_wait3A_242 = tpu.memref_slice %arg7[%dma_wait3A_241] : memref<4096xf32, #tpu.memory_space<vmem>> -> memref<256xf32, #tpu.memory_space<vmem>>
        %dma_wait3A_243 = arith.constant 0 : i32
        %dma_wait3A_244 = tpu.memref_slice %arg2[%dma_wait3A_243] : memref<262144xf32, #tpu.memory_space<hbm>> -> memref<256xf32, #tpu.memory_space<hbm>>
        %dma_wait3A_245 = arith.constant 0 : i32
        %dma_wait3A_246 = tpu.memref_slice %arg7[%dma_wait3A_245] : memref<4096xf32, #tpu.memory_space<vmem>> -> memref<256xf32, #tpu.memory_space<vmem>>
        %dma_wait3A_247 = arith.constant 0 : i32
        %dma_wait3A_248 = tpu.memref_slice %arg2[%dma_wait3A_247] : memref<262144xf32, #tpu.memory_space<hbm>> -> memref<256xf32, #tpu.memory_space<hbm>>
        tpu.wait_dma2 semaphore(%arg11 : memref<!tpu.dma_semaphore, #tpu.memory_space<semaphore_mem>>) src(%dma_wait3A_248 : memref<256xf32, #tpu.memory_space<hbm>>) dst(%dma_wait3A_246 : memref<256xf32, #tpu.memory_space<vmem>>)
        %dma_wait3A_249 = arith.constant 0 : i32
        %dma_wait3A_250 = tpu.memref_slice %arg7[%dma_wait3A_249] : memref<4096xf32, #tpu.memory_space<vmem>> -> memref<256xf32, #tpu.memory_space<vmem>>
        %dma_wait3A_251 = arith.constant 0 : i32
        %dma_wait3A_252 = tpu.memref_slice %arg2[%dma_wait3A_251] : memref<262144xf32, #tpu.memory_space<hbm>> -> memref<256xf32, #tpu.memory_space<hbm>>
        %dma_wait3A_253 = arith.constant 0 : i32
        %dma_wait3A_254 = tpu.memref_slice %arg7[%dma_wait3A_253] : memref<4096xf32, #tpu.memory_space<vmem>> -> memref<256xf32, #tpu.memory_space<vmem>>
        %dma_wait3A_255 = arith.constant 0 : i32
        %dma_wait3A_256 = tpu.memref_slice %arg2[%dma_wait3A_255] : memref<262144xf32, #tpu.memory_space<hbm>> -> memref<256xf32, #tpu.memory_space<hbm>>
        tpu.wait_dma2 semaphore(%arg11 : memref<!tpu.dma_semaphore, #tpu.memory_space<semaphore_mem>>) src(%dma_wait3A_256 : memref<256xf32, #tpu.memory_space<hbm>>) dst(%dma_wait3A_254 : memref<256xf32, #tpu.memory_space<vmem>>)
        %dma_wait3A_257 = arith.constant 0 : i32
        %dma_wait3A_258 = tpu.memref_slice %arg7[%dma_wait3A_257] : memref<4096xf32, #tpu.memory_space<vmem>> -> memref<256xf32, #tpu.memory_space<vmem>>
        %dma_wait3A_259 = arith.constant 0 : i32
        %dma_wait3A_260 = tpu.memref_slice %arg2[%dma_wait3A_259] : memref<262144xf32, #tpu.memory_space<hbm>> -> memref<256xf32, #tpu.memory_space<hbm>>
        %dma_wait3A_261 = arith.constant 0 : i32
        %dma_wait3A_262 = tpu.memref_slice %arg7[%dma_wait3A_261] : memref<4096xf32, #tpu.memory_space<vmem>> -> memref<256xf32, #tpu.memory_space<vmem>>
        %dma_wait3A_263 = arith.constant 0 : i32
        %dma_wait3A_264 = tpu.memref_slice %arg2[%dma_wait3A_263] : memref<262144xf32, #tpu.memory_space<hbm>> -> memref<256xf32, #tpu.memory_space<hbm>>
        tpu.wait_dma2 semaphore(%arg11 : memref<!tpu.dma_semaphore, #tpu.memory_space<semaphore_mem>>) src(%dma_wait3A_264 : memref<256xf32, #tpu.memory_space<hbm>>) dst(%dma_wait3A_262 : memref<256xf32, #tpu.memory_space<vmem>>)
        %dma_wait3A_265 = arith.constant 0 : i32
        %dma_wait3A_266 = tpu.memref_slice %arg7[%dma_wait3A_265] : memref<4096xf32, #tpu.memory_space<vmem>> -> memref<256xf32, #tpu.memory_space<vmem>>
        %dma_wait3A_267 = arith.constant 0 : i32
        %dma_wait3A_268 = tpu.memref_slice %arg2[%dma_wait3A_267] : memref<262144xf32, #tpu.memory_space<hbm>> -> memref<256xf32, #tpu.memory_space<hbm>>
        %dma_wait3A_269 = arith.constant 0 : i32
        %dma_wait3A_270 = tpu.memref_slice %arg7[%dma_wait3A_269] : memref<4096xf32, #tpu.memory_space<vmem>> -> memref<256xf32, #tpu.memory_space<vmem>>
        %dma_wait3A_271 = arith.constant 0 : i32
        %dma_wait3A_272 = tpu.memref_slice %arg2[%dma_wait3A_271] : memref<262144xf32, #tpu.memory_space<hbm>> -> memref<256xf32, #tpu.memory_space<hbm>>
        tpu.wait_dma2 semaphore(%arg11 : memref<!tpu.dma_semaphore, #tpu.memory_space<semaphore_mem>>) src(%dma_wait3A_272 : memref<256xf32, #tpu.memory_space<hbm>>) dst(%dma_wait3A_270 : memref<256xf32, #tpu.memory_space<vmem>>)
        %dma_wait3A_273 = arith.constant 0 : i32
        %dma_wait3A_274 = tpu.memref_slice %arg7[%dma_wait3A_273] : memref<4096xf32, #tpu.memory_space<vmem>> -> memref<256xf32, #tpu.memory_space<vmem>>
        %dma_wait3A_275 = arith.constant 0 : i32
        %dma_wait3A_276 = tpu.memref_slice %arg2[%dma_wait3A_275] : memref<262144xf32, #tpu.memory_space<hbm>> -> memref<256xf32, #tpu.memory_space<hbm>>
        %dma_wait3A_277 = arith.constant 0 : i32
        %dma_wait3A_278 = tpu.memref_slice %arg7[%dma_wait3A_277] : memref<4096xf32, #tpu.memory_space<vmem>> -> memref<256xf32, #tpu.memory_space<vmem>>
        %dma_wait3A_279 = arith.constant 0 : i32
        %dma_wait3A_280 = tpu.memref_slice %arg2[%dma_wait3A_279] : memref<262144xf32, #tpu.memory_space<hbm>> -> memref<256xf32, #tpu.memory_space<hbm>>
        tpu.wait_dma2 semaphore(%arg11 : memref<!tpu.dma_semaphore, #tpu.memory_space<semaphore_mem>>) src(%dma_wait3A_280 : memref<256xf32, #tpu.memory_space<hbm>>) dst(%dma_wait3A_278 : memref<256xf32, #tpu.memory_space<vmem>>)
        %dma_wait3A_281 = arith.constant 0 : i32
        %dma_wait3A_282 = tpu.memref_slice %arg7[%dma_wait3A_281] : memref<4096xf32, #tpu.memory_space<vmem>> -> memref<256xf32, #tpu.memory_space<vmem>>
        %dma_wait3A_283 = arith.constant 0 : i32
        %dma_wait3A_284 = tpu.memref_slice %arg2[%dma_wait3A_283] : memref<262144xf32, #tpu.memory_space<hbm>> -> memref<256xf32, #tpu.memory_space<hbm>>
        %dma_wait3A_285 = arith.constant 0 : i32
        %dma_wait3A_286 = tpu.memref_slice %arg7[%dma_wait3A_285] : memref<4096xf32, #tpu.memory_space<vmem>> -> memref<256xf32, #tpu.memory_space<vmem>>
        %dma_wait3A_287 = arith.constant 0 : i32
        %dma_wait3A_288 = tpu.memref_slice %arg2[%dma_wait3A_287] : memref<262144xf32, #tpu.memory_space<hbm>> -> memref<256xf32, #tpu.memory_space<hbm>>
        tpu.wait_dma2 semaphore(%arg11 : memref<!tpu.dma_semaphore, #tpu.memory_space<semaphore_mem>>) src(%dma_wait3A_288 : memref<256xf32, #tpu.memory_space<hbm>>) dst(%dma_wait3A_286 : memref<256xf32, #tpu.memory_space<vmem>>)
        %dma_wait3A_289 = arith.constant 0 : i32
        %dma_wait3A_290 = tpu.memref_slice %arg7[%dma_wait3A_289] : memref<4096xf32, #tpu.memory_space<vmem>> -> memref<256xf32, #tpu.memory_space<vmem>>
        %dma_wait3A_291 = arith.constant 0 : i32
        %dma_wait3A_292 = tpu.memref_slice %arg2[%dma_wait3A_291] : memref<262144xf32, #tpu.memory_space<hbm>> -> memref<256xf32, #tpu.memory_space<hbm>>
        %dma_wait3A_293 = arith.constant 0 : i32
        %dma_wait3A_294 = tpu.memref_slice %arg7[%dma_wait3A_293] : memref<4096xf32, #tpu.memory_space<vmem>> -> memref<256xf32, #tpu.memory_space<vmem>>
        %dma_wait3A_295 = arith.constant 0 : i32
        %dma_wait3A_296 = tpu.memref_slice %arg2[%dma_wait3A_295] : memref<262144xf32, #tpu.memory_space<hbm>> -> memref<256xf32, #tpu.memory_space<hbm>>
        tpu.wait_dma2 semaphore(%arg11 : memref<!tpu.dma_semaphore, #tpu.memory_space<semaphore_mem>>) src(%dma_wait3A_296 : memref<256xf32, #tpu.memory_space<hbm>>) dst(%dma_wait3A_294 : memref<256xf32, #tpu.memory_space<vmem>>)
        %dma_wait3A_297 = arith.constant 0 : i32
        %dma_wait3A_298 = tpu.memref_slice %arg7[%dma_wait3A_297] : memref<4096xf32, #tpu.memory_space<vmem>> -> memref<256xf32, #tpu.memory_space<vmem>>
        %dma_wait3A_299 = arith.constant 0 : i32
        %dma_wait3A_300 = tpu.memref_slice %arg2[%dma_wait3A_299] : memref<262144xf32, #tpu.memory_space<hbm>> -> memref<256xf32, #tpu.memory_space<hbm>>
        %dma_wait3A_301 = arith.constant 0 : i32
        %dma_wait3A_302 = tpu.memref_slice %arg7[%dma_wait3A_301] : memref<4096xf32, #tpu.memory_space<vmem>> -> memref<256xf32, #tpu.memory_space<vmem>>
        %dma_wait3A_303 = arith.constant 0 : i32
        %dma_wait3A_304 = tpu.memref_slice %arg2[%dma_wait3A_303] : memref<262144xf32, #tpu.memory_space<hbm>> -> memref<256xf32, #tpu.memory_space<hbm>>
        tpu.wait_dma2 semaphore(%arg11 : memref<!tpu.dma_semaphore, #tpu.memory_space<semaphore_mem>>) src(%dma_wait3A_304 : memref<256xf32, #tpu.memory_space<hbm>>) dst(%dma_wait3A_302 : memref<256xf32, #tpu.memory_space<vmem>>)
        %mul3A_305 = arith.constant 16 : i32
        %mul3A_306 = arith.muli %scan3A_28, %mul3A_305 : i32
        %add3A_307 = arith.addi %mul3A_2, %mul3A_306 : i32
        %mul3A_308 = arith.constant 256 : i32
        %mul3A_309 = arith.muli %add3A_307, %mul3A_308 : i32
        %multiple_of3A_310 = tpu.assume_multiple %mul3A_309, 8 : i32
        "tpu.region"() ({
          %run_scoped3A = tpu.sem_alloc : memref<!tpu.dma_semaphore, #tpu.memory_space<semaphore_mem>>
          %dma_start3A_311 = tpu.memref_slice %arg4[%multiple_of3A_310] : memref<16777216xf32, #tpu.memory_space<hbm>> -> memref<4096xf32, #tpu.memory_space<hbm>>
          %dma_start3A_312 = tpu.memref_slice %arg4[%multiple_of3A_310] : memref<16777216xf32, #tpu.memory_space<hbm>> -> memref<4096xf32, #tpu.memory_space<hbm>>
          tpu.enqueue_dma source(%arg7 : memref<4096xf32, #tpu.memory_space<vmem>>) target(%dma_start3A_312 : memref<4096xf32, #tpu.memory_space<hbm>>) target_semaphore(%run_scoped3A : memref<!tpu.dma_semaphore, #tpu.memory_space<semaphore_mem>>)
          %dma_wait3A_313 = tpu.memref_slice %arg4[%multiple_of3A_310] : memref<16777216xf32, #tpu.memory_space<hbm>> -> memref<4096xf32, #tpu.memory_space<hbm>>
          %dma_wait3A_314 = tpu.memref_slice %arg4[%multiple_of3A_310] : memref<16777216xf32, #tpu.memory_space<hbm>> -> memref<4096xf32, #tpu.memory_space<hbm>>
          tpu.wait_dma2 semaphore(%run_scoped3A : memref<!tpu.dma_semaphore, #tpu.memory_space<semaphore_mem>>) src(%arg7 : memref<4096xf32, #tpu.memory_space<vmem>>) dst(%dma_wait3A_314 : memref<4096xf32, #tpu.memory_space<hbm>>)
          tpu.yield
        }) : () -> ()
      }
      %scan3A_27 = arith.constant 128 : i32
    } else {
    }
    return
  }
}

</mosaic_0001>

<sc_bundles>
// kernel: kernel.3.cloned.1.call-start
scs
__scs_entry_jumppad:
0x0: {  	(pc) =	sbr.rel $0x88, $3  }
0x1: {  	(tag) =	ssettag $0x0;
	lr =	simm.s32 $0x1  }
0x2: {  	[smem:$0x3F9F] =	sst lr;
	_ =	strace $0xD0000000  }
0x3: {  	_ = 	snop  }
0x4: {  	_ = 	snop  }
0x5: {  	_ = 	snop  }
0x6: {  	_ = 	snop  }
0x7: {  	_ = 	snop  }
__scs_overlays_trampoline_lowered:
0x8: {  	[smem:$0x3FAE] =	sst s0  }
0x9: {  	[smem:$0x3FAF] =	sst s1  }
0xa: {  	[smem:$0x3FB0] =	sst s2  }
0xb: {  	[smem:$0x3FB1] =	sst s3  }
0xc: {  	[smem:$0x3FB2] =	sst s4  }
0xd: {  	[smem:$0x3FB3] =	sst s5  }
0xe: {  	[smem:$0x3FB4] =	sst s6  }
0xf: {  	[smem:$0x3FB5] =	sst s7  }
0x10: {  	[smem:$0x3FB6] =	sst s8  }
0x11: {  	[smem:$0x3FB7] =	sst s9;
	s0 =	simm.s32 @!p0 $0x0  }
0x12: {  	s1 =	sld [smem:$0x3F9D];
	s0 =	simm.s32 @p0 $0x1  }
0x13: {  	[smem:$0x3FB8] =	sst s0;
	s0 =	simm.s32 @!p1 $0x0  }
0x14: {  	s2 =	sld [smem:$0x3F9C];
	s0 =	simm.s32 @p1 $0x1  }
0x15: {  	[smem:$0x3FB9] =	sst s0;
	s0 =	simm.s32 @!p2 $0x0  }
0x16: {  	s3 =	sld [smem:$0x3FDB];
	s0 =	simm.s32 @p2 $0x1  }
0x17: {  	s4 =	simm.s32 $0x1BF5;
	[smem:$0x3FBB] =	sst s0  }
0x18: {  	s0 =	sld [smem:$0x3F9E];
	_ =	swait.ge [sflag:s4], $0x0  }
0x19: {  	s7 =	sld [smem:$0x3F9F]  }
0x1a: {  	s8 =	sadd.s32 $0xFFFFE003, lr  }
0x1b: {  	s9 =	sadd.s32 $0xFFFFFEF7, lr;
	s5 =	simm.s32 $0xFFFFFFFF;
	p2 =	slt.u32 s8, $0xFFFFF086  }
0x1c: {  	p1 =	slt.u32 s9, $0xF7A;
	s5 =	simm.s32 @!p2 $0x0  }
0x1d: {  	s5 =	simm.s32 @p1 $0x1;
	p0 =	seq.s32 s7, s2  }
0x1e: {  	s7 =	smul.u32 @!p0 $0xF7A, s2;
	p2 =	seq.s32 @!p0 s5, $0x0  }
0x1f: {  	s9 =	smul.u32 $0xF7A, s1;
	s8 =	simm.s32 @!p0 $0x1BF5;
	p2 =	por !p2, p0  }
0x20: {  	[sflag:s8] =	ssyncset.s32 @!p0 $0xFFFFF086;
	s6 =	sadd.s32 @!p0 s3, s7;
	s7 =	simm.s32 @!p0 $0x108  }
0x21: {  	s3 =	sadd.s32 s3, s9;
	s6 =	sadd.s32 @!p0 $0x88, s6;
	s7 =	simm.s32 @p2 $0x1082  }
0x22: {  	[simem:s7], [sflag:s8] =	dma.local @!p0 [hbm:s6], $0xF7A  }
0x23: {  	s9 =	sor.u32 $0xD0000000, s2;
	s6 =	simm.s32 $0x108;
	_ =	swait.ge @!p0 [sflag:s8], $0x0  }
0x24: {  	s3 =	sadd.s32 $0x88, s3;
	s6 =	simm.s32 @!p1 $0x1082;
	[sflag:s4] =	ssyncset.s32 $0xFFFFF086  }
0x25: {  	[simem:s6], [sflag:s4] =	dma.local [hbm:s3], $0xF7A  }
0x26: {  	[smem:$0x3F9F] =	sst s1;
	(tag) =	ssettag s2;
	_ =	strace s9  }
0x27: {  	s1 =	sld [smem:$0x3FAF]  }
0x28: {  	s2 =	sld [smem:$0x3FB0]  }
0x29: {  	s4 =	sld [smem:$0x3FB2]  }
0x2a: {  	p0 =	seq.s32 s5, $0x0;
	s5 =	sld [smem:$0x3FB3]  }
0x2b: {  	s6 =	sld [smem:$0x3FB4]  }
0x2c: {  	s7 =	sld [smem:$0x3FB5]  }
0x2d: {  	s3 =	simm.s32 $0x108;
	s8 =	sld [smem:$0x3FB6]  }
0x2e: {  	s3 =	simm.s32 @!p0 $0x1082;
	s9 =	sld [smem:$0x3FB7]  }
0x2f: {  	lr =	sadd.s32 s0, s3;
	s0 =	sld [smem:$0x3FAE]  }
0x30: {  	s3 =	sld [smem:$0x3FB1]  }
0x31: {  	[smem:$0x3FBA] =	sst s10  }
0x32: {  	s10 =	sld [smem:$0x3FB8];
	_ =	sdelay $0x3  }
0x33: {  	p0 =	seq.s32 s10, $0x1;
	s10 =	sld [smem:$0x3FBA];
	_ =	sdelay $0x3  }
0x34: {  	[smem:$0x3FBA] =	sst s10  }
0x35: {  	s10 =	sld [smem:$0x3FB9];
	_ =	sdelay $0x3  }
0x36: {  	p1 =	seq.s32 s10, $0x1;
	s10 =	sld [smem:$0x3FBA];
	_ =	sdelay $0x3  }
0x37: {  	[smem:$0x3FBA] =	sst s10  }
0x38: {  	s10 =	sld [smem:$0x3FBB]  }
0x39: {  	_ = 	snop;
	(pc) =	sbr.ind lr, $3  }
0x3a: {  	_ = 	snop  }
0x3b: {  	_ = 	snop  }
0x3c: {  	p2 =	seq.s32 s10, $0x1;
	s10 =	sld [smem:$0x3FBA]  }
0x3d: {  	_ =	shalt  }
0x3e: {  	_ =	shalt  }
0x3f: {  	_ =	shalt  }
0x40: {  	_ =	shalt  }
0x41: {  	_ =	shalt  }
0x42: {  	_ =	shalt  }
0x43: {  	_ =	shalt  }
0x44: {  	_ =	shalt  }
0x45: {  	_ =	shalt  }
0x46: {  	_ =	shalt  }
0x47: {  	_ =	shalt  }
0x48: {  	_ =	shalt  }
0x49: {  	_ =	shalt  }
0x4a: {  	_ =	shalt  }
0x4b: {  	_ =	shalt  }
0x4c: {  	_ =	shalt  }
0x4d: {  	_ =	shalt  }
0x4e: {  	_ =	shalt  }
0x4f: {  	_ =	shalt  }
0x50: {  	_ =	shalt  }
0x51: {  	_ =	shalt  }
0x52: {  	_ =	shalt  }
0x53: {  	_ =	shalt  }
0x54: {  	_ =	shalt  }
0x55: {  	_ =	shalt  }
0x56: {  	_ =	shalt  }
0x57: {  	_ =	shalt  }
0x58: {  	_ =	shalt  }
0x59: {  	_ =	shalt  }
0x5a: {  	_ =	shalt  }
0x5b: {  	_ =	shalt  }
0x5c: {  	_ =	shalt  }
0x5d: {  	_ =	shalt  }
0x5e: {  	_ =	shalt  }
0x5f: {  	_ =	shalt  }
0x60: {  	_ =	shalt  }
0x61: {  	_ =	shalt  }
0x62: {  	_ =	shalt  }
0x63: {  	_ =	shalt  }
0x64: {  	_ =	shalt  }
0x65: {  	_ =	shalt  }
0x66: {  	_ =	shalt  }
0x67: {  	_ =	shalt  }
0x68: {  	_ =	shalt  }
0x69: {  	_ =	shalt  }
0x6a: {  	_ =	shalt  }
0x6b: {  	_ =	shalt  }
0x6c: {  	_ =	shalt  }
0x6d: {  	_ =	shalt  }
0x6e: {  	_ =	shalt  }
0x6f: {  	_ =	shalt  }
0x70: {  	_ =	shalt  }
0x71: {  	_ =	shalt  }
0x72: {  	_ =	shalt  }
0x73: {  	_ =	shalt  }
0x74: {  	_ =	shalt  }
0x75: {  	_ =	shalt  }
0x76: {  	_ =	shalt  }
0x77: {  	_ =	shalt  }
0x78: {  	_ =	shalt  }
0x79: {  	_ =	shalt  }
0x7a: {  	_ =	shalt  }
0x7b: {  	_ =	shalt  }
0x7c: {  	_ =	shalt  }
0x7d: {  	_ =	shalt  }
0x7e: {  	_ =	shalt  }
0x7f: {  	_ =	shalt  }
0x80: {  	_ =	shalt  }
0x81: {  	_ =	shalt  }
0x82: {  	_ =	shalt  }
0x83: {  	_ =	shalt  }
0x84: {  	_ =	shalt  }
0x85: {  	_ =	shalt  }
0x86: {  	_ =	shalt  }
0x87: {  	_ =	shalt  }
.Lfunc_end0:
.L_simem_size_0:
called_computation_lowered:
.L_overlay_start_0:
0x88: {  	s2 =	sld [smem:$0x3FD9]  }
0x89: {  	s3 =	sld [smem:$0x3FFE];
	_ =	sdelay $0x1  }
0x8a: {  	s1 =	srdreg.scid  }
0x8b: {  	s0 =	sand.u32 $0x1, s1  }
0x8c: {  	s17 =	sshll.u32 s0, $0xA;
	s2 =	sadd.s32 s3, s2  }
0x8d: {  	s2 =	sadd.s32 s2, s17  }
0x8e: {  	[smem:$0x3FC6] =	sst s2  }
0x8f: {  	_ = 	snop  }
0x90: {  	s2 =	sld [smem:$0x3FD0];
	(tm) =	ssettm $0x1  }
0x91: {  	s18 =	sld [smem:$0x3FFB];
	_ =	sdelay $0x3  }
0x92: {  	_ =	strace s18  }
0x93: {  	s3 =	sld [smem:$0x3FFC];
	_ =	sdelay $0x3  }
0x94: {  	_ =	strace s3  }
0x95: {  	s3 =	sld [smem:$0x3FFD];
	_ =	sdelay $0x3  }
0x96: {  	_ =	strace s3  }
0x97: {  	_ =	strace $0x8FFFFFFF  }
0x98: {  	s19 =	sld [smem:$0x3FDB];
	_ =	sdelay $0x1  }
0x99: {  	s4 =	simm.s32 $_scs_section_size  }
0x9a: {  	s5 =	simm.s32 $_size__tile_overlayer_lowered;
	s6 =	simm.s32 $_tile_overlayer_lowered  }
0x9b: {  	s22 =	simm.s32 $0x1BFF;
	s21 =	sshll.u32 s6, $0x1;
	s3 =	sadd.s32 s4, s19  }
0x9c: {  	s7 =	simm.s32 $0x0;
	s20 =	sshll.u32 s5, $0x1;
	s5 =	sadd.s32 s21, s3  }
0x9d: {  	[timem:s7], [sflag:s22] =	dma.local [hbm:s5], s20  }
0x9e: {  	_ =	swait.ge [sflag:s22], s20  }
0x9f: {  	s4 =	ssub.s32 $0x0, s20;
	[sflag:s22] =	ssyncset.done $0x0  }
0xa0: {  	[sflag:s22] =	ssyncadd.s32 s4;
	_ =	sdelay $0x1  }
0xa1: {  	s23 =	simm.s32 $0x1B8B  }
0xa2: {  	_ =	swait.ge [sflag:s23], $0x1  }
0xa3: {  	[sflag:s23] =	ssyncset.done $0x0  }
0xa4: {  	s25 =	simm.s32 $0x1B8E;
	s24 =	sld [smem:$0x3FFE];
	[sflag:s23] =	ssyncadd.s32 $0xFFFFFFFF  }
0xa5: {  	s26 =	simm.s32 $execute0_lowered;
	[smem:$0x3FD2] =	sst s25  }
0xa6: {  	s5 =	sshll.u32 s26, $0x1;
	_ =	strace $0x80000046;
	[dreg:$0x1] =	wrdreg $0xFFFFFFFF  }
0xa7: {  	s28 =	simm.s32 $_size_execute0_lowered;
	s3 =	sadd.s32 s3, s5;
	[dreg:$0x0] =	wrdreg $0x0  }
0xa8: {  	s5 =	sshll.u32 s28, $0x1;
	[dreg:$0x2] =	wrdreg s3  }
0xa9: {  	[dreg:$0x3] =	wrdreg s5  }
0xaa: {  	[dreg:$0x4] =	wrdreg $0xC0  }
0xab: {  	_ =	task [dreg:s7], $0x5FFFF  }
0xac: {  	[dreg:$0x1] =	wrdreg $0xFFFFFFFF  }
0xad: {  	[dreg:$0x0] =	wrdreg $0x60  }
0xae: {  	[dreg:$0x2] =	wrdreg s24  }
0xaf: {  	[dreg:$0x3] =	wrdreg s2  }
0xb0: {  	[dreg:$0x4] =	wrdreg $0x9  }
0xb1: {  	_ =	task.clear_ibuf [dreg:s7], $0x5FFFF;
	_ =	strace $0x90000046  }
0xb2: {  	s29 =	simm.s32 $0x9;
	_ =	strace $0x80000048  }
0xb3: {  	_ =	swait.ge [sflag:s29], $0x1  }
0xb4: {  	[sflag:s29] =	ssyncadd.s32 $0xFFFFFFFF  }
0xb5: {  	_ =	strace $0x90000048  }
0xb6: {  	_ =	sfence  }
0xb7: {  	s30 =	sld [smem:$0x0];
	_ =	sdelay $0x2  }
0xb8: {  	s31 =	sshll.u32 s1, $0xD;
	s1 =	sshrl.u32 s1, $0x2  }
0xb9: {  	s3 =	sand.u32 $0x4000, s31;
	s1 =	sadd.s32 s1, s30  }
0xba: {  	s0 =	sor.u32 s3, s0;
	s1 =	sshll.u32 s1, $0x11  }
0xbb: {  	s0 =	sor.u32 s1, s0  }
0xbc: {  	s0 =	sadd.s32 $0x8F2B, s0  }
0xbd: {  	[sflag:s0] =	ssyncadd.remote.s32 $0x1  }
0xbe: {  	_ =	sfence.sel $0xFFFF  }
0xbf: {  	[dreg:$0x0] =	wrdreg $0xFFFFFFFF;
	(pc) =	sbr.abs _section_cstart, $3  }
0xc0: {  	[dreg:$0x1] =	wrdreg $0xFFFFFFFF  }
0xc1: {  	_ =	task.clear_ibuf [dreg:s7], $0x2FFFF;
	_ =	strace $0x9FFFFFFF  }
0xc2: {  	(tm) =	ssettm $0x7FFFFFFF  }
0xc3: {  	_ =	shalt  }
tec
execute0_lowered:
.L_overlay_start_1:
0x0: {  	(tag) =	ssettag $0x1  }
0x1: {  	s4 =	rddreg [dreg:$0x0]  }
0x2: {  	s5 =	rddreg [dreg:$0x1]  }
0x3: {  	s0 =	rddreg [dreg:$0x2]  }
0x4: {  	s1 =	simm.s32 $0x0;
	s2 =	srdreg.scid;
	s28 =	simm.s32 $0x14100  }
0x5: {  	s29 =	simm.s32 $0x14200;
	s30 =	simm.s32 $0x14300;
	s31 =	simm.s32 $0x14400  }
0x6: {  	s12 =	simm.s32 $0x14500;
	s13 =	simm.s32 $0x14600;
	s14 =	simm.s32 $0x14800  }
0x7: {  	[smem:$0x7FF] =	sst s1;
	s6 =	sand.u32 $0x1, s2;
	s3 =	sadd.s32 $0x400, s4  }
0x8: {  	s2 =	stileid.u32;
	_ =	strace $0x80000047;
	[dreg:$0x4] =	wrdreg s28  }
0x9: {  	s11 =	sadd.s32 $0x8400, s4;
	s7 =	ssub.s32 $0x2, s6;
	[dreg:$0x5] =	wrdreg s29  }
0xa: {  	s9 =	sshll.u32 s2, $0xC;
	s10 =	sshll.u32 s6, $0xB;
	[dreg:$0x6] =	wrdreg s30  }
0xb: {  	s16 =	sshll.u32 s2, $0x11;
	s17 =	sshll.u32 s2, $0x14;
	[dreg:$0x7] =	wrdreg s31  }
0xc: {  	s18 =	sshll.u32 s6, $0x13;
	s6 =	sshll.u32 s6, $0x10;
	[dreg:$0x8] =	wrdreg s12  }
0xd: {  	s12 =	simm.s32 $0x14000;
	[dreg:$0x9] =	wrdreg s13;
	s13 =	simm.s32 $0x14700  }
0xe: {  	s8 =	sshrl.u32 s7, $0x1;
	s15 =	sor.u32 s10, s9;
	s9 =	sor.u32 s18, s17  }
0xf: {  	s10 =	simm.s32 $0x3;
	s17 =	simm.s32 $0x14B00;
	s18 =	simm.s32 $0x14C00  }
0x10: {  	s7 =	ssub.s32 s7, s8;
	s8 =	sadd.s32 s16, s11;
	s4 =	sadd.s32 s5, s15  }
0x11: {  	s20 =	sshrl.u32 s9, $0x3;
	s22 =	sor.u32 $0x3000, s9;
	s24 =	sor.u32 $0x1000, s9  }
0x12: {  	s25 =	sor.u32 $0x2000, s9;
	s9 =	simm.s32 $0x2;
	s15 =	simm.s32 $0x14900  }
0x13: {  	s16 =	simm.s32 $0x14A00;
	s19 =	sadd.s32 s6, s8;
	s21 =	sadd.s32 s20, s11  }
0x14: {  	s23 =	sshrl.u32 s22, $0x3;
	s6 =	sshrl.u32 s24, $0x3;
	s8 =	sshrl.u32 s25, $0x3  }
0x15: {  	s20 =	simm.s32 $0x14E00;
	s22 =	simm.s32 $0x0;
	[dreg:$0x3] =	wrdreg s19  }
.Ltmp0:
0x16: {  	[dreg:$0xa] =	wrdreg s21;
	s5 =	sadd.s32 s23, s11;
	(pc) =	sbr.rel .LBB2_1-.Ltmp0, $4  }
0x17: {  	s6 =	sadd.s32 s6, s11;
	s26 =	sadd.s32 s8, s11;
	s8 =	simm.s32 $0x1  }
0x18: {  	s11 =	simm.s32 $0x4;
	s19 =	simm.s32 $0x14D00;
	[dreg:$0xd] =	wrdreg s5  }
0x19: {  	s21 =	simm.s32 $0x14F00;
	s5 =	smax.u32 s7, $0x1;
	[dreg:$0xb] =	wrdreg s6  }
0x1a: {  	[dreg:$0xc] =	wrdreg s26;
	s6 =	simm.s32 $0x5;
	s7 =	simm.s32 $0x4000  }
.LBB2_7:
0x1b: {  	s24 =	sshra.s32 s23, $0x2;
	[sflag:s6] =	ssyncadd.s32 $0xFFFFF000  }
0x1c: {  	v0 =	vld [tilespmem:s24+$0x0];
	_ =	sdelay $0x4  }
0x1d: {  	v0 =	vshll.u32 v0, $0x8  }
0x1e: {  	v0 =	vshrl.u32 v0, $0x3  }
0x1f: {  	v0 =	vadd.s32 s3, v0  }
0x20: {  	(v2sf) =	vpush v0, $0x0;
	_ =	sdelay $0x1  }
0x21: {  	(v2sf) =	vpush v0, $0x1;
	_ =	sdelay $0x1  }
0x22: {  	(v2sf) =	vpush v0, $0x2;
	_ =	sdelay $0x1  }
0x23: {  	(v2sf) =	vpush v0, $0x3;
	_ =	sdelay $0x1  }
0x24: {  	(v2sf) =	vpush v0, $0x4;
	_ =	sdelay $0x1  }
0x25: {  	(v2sf) =	vpush v0, $0x5;
	_ =	sdelay $0x1  }
0x26: {  	(v2sf) =	vpush v0, $0x6;
	_ =	sdelay $0x1  }
0x27: {  	(v2sf) =	vpush v0, $0x7  }
0x28: {  	s25 =	spop (v2sf)  }
0x29: {  	(v2sf) =	vpush v0, $0x8;
	[tilespmem:s12], [sflag:$0x1] =	stream.linear.gather [hbm4b:s25+s1], $0x100, $0x38;
	[tilespmem:$0x15000] =	vst v63  }
0x2a: {  	s29 =	rddreg [dreg:$0x4];
	s26 =	spop (v2sf)  }
0x2b: {  	(v2sf) =	vpush v0, $0x9;
	[tilespmem:s29], [sflag:$0x1] =	stream.linear.gather [hbm4b:s26+s1], $0x100, $0x38;
	[tilespmem:$0x15000] =	vst v63  }
0x2c: {  	s30 =	rddreg [dreg:$0x5];
	s28 =	spop (v2sf)  }
0x2d: {  	(v2sf) =	vpush v0, $0xA;
	[tilespmem:s30], [sflag:$0x1] =	stream.linear.gather [hbm4b:s28+s1], $0x100, $0x38;
	[tilespmem:$0x15000] =	vst v63  }
0x2e: {  	s31 =	rddreg [dreg:$0x6];
	s30 =	spop (v2sf)  }
0x2f: {  	(v2sf) =	vpush v0, $0xB;
	[tilespmem:s31], [sflag:$0x1] =	stream.linear.gather [hbm4b:s30+s1], $0x100, $0x38;
	[tilespmem:$0x15000] =	vst v63  }
0x30: {  	s29 =	rddreg [dreg:$0x7];
	s28 =	spop (v2sf)  }
0x31: {  	(v2sf) =	vpush v0, $0xC;
	[tilespmem:s29], [sflag:$0x1] =	stream.linear.gather [hbm4b:s28+s1], $0x100, $0x38;
	[tilespmem:$0x15000] =	vst v63  }
0x32: {  	s31 =	rddreg [dreg:$0x8];
	s30 =	spop (v2sf)  }
0x33: {  	(v2sf) =	vpush v0, $0xD;
	[tilespmem:s31], [sflag:$0x1] =	stream.linear.gather [hbm4b:s30+s1], $0x100, $0x38;
	[tilespmem:$0x15000] =	vst v63  }
0x34: {  	s29 =	rddreg [dreg:$0x9];
	s31 =	spop (v2sf)  }
0x35: {  	(v2sf) =	vpush v0, $0xE;
	[tilespmem:s29], [sflag:$0x1] =	stream.linear.gather [hbm4b:s31+s1], $0x100, $0x38;
	[tilespmem:$0x15000] =	vst v63  }
0x36: {  	s26 =	spop (v2sf)  }
0x37: {  	(v2sf) =	vpush v0, $0xF;
	[tilespmem:s13], [sflag:$0x1] =	stream.linear.gather [hbm4b:s26+s1], $0x100, $0x38;
	[tilespmem:$0x15000] =	vst v63  }
0x38: {  	s28 =	spop (v2sf)  }
0x39: {  	[tilespmem:s14], [sflag:$0x1] =	stream.linear.gather [hbm4b:s28+s1], $0x100, $0x38;
	[tilespmem:$0x15000] =	vst v63  }
0x3a: {  	s29 =	spop (v2sf)  }
0x3b: {  	[tilespmem:s15], [sflag:$0x1] =	stream.linear.gather [hbm4b:s29+s1], $0x100, $0x38;
	[tilespmem:$0x15000] =	vst v63  }
0x3c: {  	s30 =	spop (v2sf)  }
0x3d: {  	[tilespmem:s16], [sflag:$0x1] =	stream.linear.gather [hbm4b:s30+s1], $0x100, $0x38;
	[tilespmem:$0x15000] =	vst v63  }
0x3e: {  	s31 =	spop (v2sf)  }
0x3f: {  	[tilespmem:s17], [sflag:$0x1] =	stream.linear.gather [hbm4b:s31+s1], $0x100, $0x38;
	[tilespmem:$0x15000] =	vst v63  }
0x40: {  	s25 =	spop (v2sf)  }
0x41: {  	[tilespmem:s18], [sflag:$0x1] =	stream.linear.gather [hbm4b:s25+s1], $0x100, $0x38;
	[tilespmem:$0x15000] =	vst v63  }
0x42: {  	s26 =	spop (v2sf)  }
0x43: {  	[tilespmem:s19], [sflag:$0x1] =	stream.linear.gather [hbm4b:s26+s1], $0x100, $0x38;
	[tilespmem:$0x15000] =	vst v63  }
0x44: {  	s28 =	spop (v2sf)  }
0x45: {  	[tilespmem:s20], [sflag:$0x1] =	stream.linear.gather [hbm4b:s28+s1], $0x100, $0x38;
	[tilespmem:$0x15000] =	vst v63  }
0x46: {  	s29 =	spop (v2sf)  }
0x47: {  	[tilespmem:s21], [sflag:$0x1] =	stream.linear.gather [hbm4b:s29+s1], $0x100, $0x38;
	[tilespmem:$0x15000] =	vst v63  }
0x48: {  	_ =	swait.ge [sflag:s8], $0x100  }
0x49: {  	[sflag:s8] =	ssyncset.done $0x0  }
0x4a: {  	[sflag:s8] =	ssyncadd.s32 $0xFFFFFF00  }
0x4b: {  	_ =	swait.ge [sflag:s8], $0x100  }
0x4c: {  	[sflag:s8] =	ssyncset.done $0x0  }
0x4d: {  	[sflag:s8] =	ssyncadd.s32 $0xFFFFFF00  }
0x4e: {  	_ =	swait.ge [sflag:s8], $0x100  }
0x4f: {  	[sflag:s8] =	ssyncset.done $0x0  }
0x50: {  	[sflag:s8] =	ssyncadd.s32 $0xFFFFFF00  }
0x51: {  	_ =	swait.ge [sflag:s8], $0x100  }
0x52: {  	[sflag:s8] =	ssyncset.done $0x0  }
0x53: {  	[sflag:s8] =	ssyncadd.s32 $0xFFFFFF00  }
0x54: {  	_ =	swait.ge [sflag:s8], $0x100  }
0x55: {  	[sflag:s8] =	ssyncset.done $0x0  }
0x56: {  	[sflag:s8] =	ssyncadd.s32 $0xFFFFFF00  }
0x57: {  	_ =	swait.ge [sflag:s8], $0x100  }
0x58: {  	[sflag:s8] =	ssyncset.done $0x0  }
0x59: {  	[sflag:s8] =	ssyncadd.s32 $0xFFFFFF00  }
0x5a: {  	_ =	swait.ge [sflag:s8], $0x100  }
0x5b: {  	[sflag:s8] =	ssyncset.done $0x0  }
0x5c: {  	[sflag:s8] =	ssyncadd.s32 $0xFFFFFF00  }
0x5d: {  	_ =	swait.ge [sflag:s8], $0x100  }
0x5e: {  	[sflag:s8] =	ssyncset.done $0x0  }
0x5f: {  	[sflag:s8] =	ssyncadd.s32 $0xFFFFFF00  }
0x60: {  	_ =	swait.ge [sflag:s8], $0x100  }
0x61: {  	[sflag:s8] =	ssyncset.done $0x0  }
0x62: {  	[sflag:s8] =	ssyncadd.s32 $0xFFFFFF00  }
0x63: {  	_ =	swait.ge [sflag:s8], $0x100  }
0x64: {  	[sflag:s8] =	ssyncset.done $0x0  }
0x65: {  	[sflag:s8] =	ssyncadd.s32 $0xFFFFFF00  }
0x66: {  	_ =	swait.ge [sflag:s8], $0x100  }
0x67: {  	[sflag:s8] =	ssyncset.done $0x0  }
0x68: {  	[sflag:s8] =	ssyncadd.s32 $0xFFFFFF00  }
0x69: {  	_ =	swait.ge [sflag:s8], $0x100  }
0x6a: {  	[sflag:s8] =	ssyncset.done $0x0  }
0x6b: {  	[sflag:s8] =	ssyncadd.s32 $0xFFFFFF00  }
0x6c: {  	_ =	swait.ge [sflag:s8], $0x100  }
0x6d: {  	[sflag:s8] =	ssyncset.done $0x0  }
0x6e: {  	[sflag:s8] =	ssyncadd.s32 $0xFFFFFF00  }
0x6f: {  	_ =	swait.ge [sflag:s8], $0x100  }
0x70: {  	[sflag:s8] =	ssyncset.done $0x0  }
0x71: {  	[sflag:s8] =	ssyncadd.s32 $0xFFFFFF00  }
0x72: {  	_ =	swait.ge [sflag:s8], $0x100  }
0x73: {  	[sflag:s8] =	ssyncset.done $0x0  }
0x74: {  	[sflag:s8] =	ssyncadd.s32 $0xFFFFFF00  }
0x75: {  	_ =	swait.ge [sflag:s8], $0x100  }
0x76: {  	s30 =	rddreg [dreg:$0x3];
	[sflag:s8] =	ssyncset.done $0x0  }
0x77: {  	[sflag:s8] =	ssyncadd.s32 $0xFFFFFF00;
	s31 =	sadd.s32 s23, s30  }
0x78: {  	[hbm4b:s31+s1] =	stream.linear.scatter [tilespmem:s12], [sflag:$0x5], $0x1000, $0x38;
	[tilespmem:$0x15000] =	vst v63  }
0x79: {  	_ =	swait.ge [sflag:s6], $0x1000  }
0x7a: {  	[sflag:s6] =	ssyncset.done $0x0  }
0x7b: {  	[sflag:s6] =	ssyncadd.s32 $0xFFFFF000  }
.LBB2_8:
0x7c: {  	s22 =	sadd.s32 $0x1, s22  }
0x7d: {  	p0 =	sne.s32 s22, s5  }
.Ltmp1:
0x7e: {  	_ = 	snop;
	(pc) =	sbr.rel @!p0 .LBB2_9-.Ltmp1, $1  }
0x7f: {  	_ =	sdelay $0x3  }
.LBB2_1:
0x80: {  	[tilespmem:s1], [sflag:$0x5] =	stream.linear.gather [hbm4b:s4+s1], $0x4000, $0x38;
	[tilespmem:$0x15000] =	vst v63  }
0x81: {  	_ =	swait.ge [sflag:s6], $0x4000  }
0x82: {  	[sflag:s6] =	ssyncset.done $0x0  }
0x83: {  	[sflag:s6] =	ssyncadd.s32 $0xFFFFC000  }
0x84: {  	v0 =	vld [tilespmem:$0x0];
	_ =	sdelay $0x2  }
0x85: {  	v1 =	vld [tilespmem:$0x3F80];
	_ =	sdelay $0x1  }
0x86: {  	(v2sf) =	vpush v0, $0x0;
	_ =	sdelay $0x2  }
0x87: {  	(v2sf) =	vpush v1, $0xF;
	_ =	sdelay $0xb  }
0x88: {  	s23 =	spop (v2sf)  }
0x89: {  	p0 =	sgt.s32 s23, $0x0  }
0x8a: {  	s23 =	simm.s32 @!p0 $0x0  }
0x8b: {  	s25 =	spop (v2sf);
	s24 =	smin.u32 s23, $0x300  }
0x8c: {  	s23 =	ssub.s32 s25, s24  }
0x8d: {  	p0 =	sgt.s32 s23, $0xFF  }
.Ltmp2:
0x8e: {  	_ = 	snop;
	(pc) =	sbr.rel @p0 .LBB2_5-.Ltmp2, $1  }
0x8f: {  	_ =	sdelay $0x3  }
0x90: {  	s23 =	sshll.u32 s24, $0x5  }
0x91: {  	s25 =	simm.s32 $0x0;
	s23 =	sadd.s32 s3, s23  }
0x92: {  	[tilespmem:s7], [sflag:$0x5] =	stream.linear.gather [hbm4b:s23+s25], $0x10000, $0x38;
	[tilespmem:$0x15000] =	vst v63  }
0x93: {  	_ =	swait.ge [sflag:s6], $0x10000  }
0x94: {  	[sflag:s6] =	ssyncset.done $0x0  }
0x95: {  	s23 =	simm.s32 $0x0;
	[sflag:s6] =	ssyncadd.s32 $0xFFFF0000  }
0x96: {  	v1 =	vld [tilespmem:s23+$0x0];
	_ =	sdelay $0x3  }
0x97: {  	v0 =	vmov s24  }
0x98: {  	v1 =	vsub.s32 v1, v0  }
0x99: {  	v1 =	vshll.u32 v1, $0x8  }
0x9a: {  	(v2sf) =	vpush v1, $0x0  }
0x9b: {  	(v2sf) =	vpush v1, $0xF  }
0x9c: {  	v1 =	vadd.s32 $0x4000, v1  }
0x9d: {  	(v2sf) =	vpush v1, $0x1;
	_ =	sdelay $0x1  }
0x9e: {  	(v2sf) =	vpush v1, $0x2;
	_ =	sdelay $0x1  }
0x9f: {  	(v2sf) =	vpush v1, $0x3  }
0xa0: {  	p0 =	por $0x1, $0x1  }
0xa1: {  	s24 =	simm.s32 @!p0 $0x1;
	(v2sf) =	vpush v1, $0x4  }
0xa2: {  	_ =	swait.ge @!p0 [sflag:s24], $0x1000  }
0xa3: {  	(v2sf) =	vpush v1, $0x5;
	_ =	sdelay $0x1  }
0xa4: {  	(v2sf) =	vpush v1, $0x6  }
0xa5: {  	s29 =	rddreg [dreg:$0xa]  }
0xa6: {  	[sflag:s24] =	ssyncset.done @!p0 $0x0;
	s25 =	sadd.s32 $0x0, s29;
	s26 =	spop (v2sf);
	(v2sf) =	vpush v1, $0x7  }
0xa7: {  	[sflag:s24] =	ssyncadd.s32 @!p0 $0xFFFFF000;
	s26 =	sadd.s32 $0x4000, s26;
	s28 =	spop (v2sf)  }
0xa8: {  	(v2sf) =	vpush v1, $0x8;
	[hbm4b:s25+s1] =	stream.linear.scatter [tilespmem:s26], [sflag:$0x1], $0x100, $0x38;
	[tilespmem:$0x15000] =	vst v63  }
0xa9: {  	s30 =	sadd.s32 $0x20, s25;
	s31 =	spop (v2sf)  }
0xaa: {  	(v2sf) =	vpush v1, $0x9;
	[hbm4b:s30+s1] =	stream.linear.scatter [tilespmem:s31], [sflag:$0x1], $0x100, $0x38;
	[tilespmem:$0x15000] =	vst v63  }
0xab: {  	s26 =	sadd.s32 $0x40, s25;
	s29 =	spop (v2sf)  }
0xac: {  	(v2sf) =	vpush v1, $0xA;
	[hbm4b:s26+s1] =	stream.linear.scatter [tilespmem:s29], [sflag:$0x1], $0x100, $0x38;
	[tilespmem:$0x15000] =	vst v63  }
0xad: {  	s30 =	sadd.s32 $0x60, s25;
	s31 =	spop (v2sf)  }
0xae: {  	(v2sf) =	vpush v1, $0xB;
	[hbm4b:s30+s1] =	stream.linear.scatter [tilespmem:s31], [sflag:$0x1], $0x100, $0x38;
	[tilespmem:$0x15000] =	vst v63  }
0xaf: {  	s26 =	sadd.s32 $0x80, s25;
	s29 =	spop (v2sf)  }
0xb0: {  	(v2sf) =	vpush v1, $0xC;
	[hbm4b:s26+s1] =	stream.linear.scatter [tilespmem:s29], [sflag:$0x1], $0x100, $0x38;
	[tilespmem:$0x15000] =	vst v63  }
0xb1: {  	s30 =	sadd.s32 $0xA0, s25;
	s31 =	spop (v2sf)  }
0xb2: {  	(v2sf) =	vpush v1, $0xD;
	[hbm4b:s30+s1] =	stream.linear.scatter [tilespmem:s31], [sflag:$0x1], $0x100, $0x38;
	[tilespmem:$0x15000] =	vst v63  }
0xb3: {  	s26 =	sadd.s32 $0xC0, s25;
	s29 =	spop (v2sf)  }
0xb4: {  	(v2sf) =	vpush v1, $0xE;
	[hbm4b:s26+s1] =	stream.linear.scatter [tilespmem:s29], [sflag:$0x1], $0x100, $0x38;
	[tilespmem:$0x15000] =	vst v63  }
0xb5: {  	s30 =	sadd.s32 $0xE0, s25;
	s31 =	spop (v2sf)  }
0xb6: {  	[hbm4b:s30+s1] =	stream.linear.scatter [tilespmem:s31], [sflag:$0x1], $0x100, $0x38;
	[tilespmem:$0x15000] =	vst v63  }
0xb7: {  	s26 =	sadd.s32 $0x100, s25;
	s29 =	spop (v2sf)  }
0xb8: {  	[hbm4b:s26+s1] =	stream.linear.scatter [tilespmem:s29], [sflag:$0x1], $0x100, $0x38;
	[tilespmem:$0x15000] =	vst v63  }
0xb9: {  	s30 =	sadd.s32 $0x120, s25;
	s31 =	spop (v2sf)  }
0xba: {  	[hbm4b:s30+s1] =	stream.linear.scatter [tilespmem:s31], [sflag:$0x1], $0x100, $0x38;
	[tilespmem:$0x15000] =	vst v63  }
0xbb: {  	s26 =	sadd.s32 $0x140, s25;
	s29 =	spop (v2sf)  }
0xbc: {  	[hbm4b:s26+s1] =	stream.linear.scatter [tilespmem:s29], [sflag:$0x1], $0x100, $0x38;
	[tilespmem:$0x15000] =	vst v63  }
0xbd: {  	s30 =	sadd.s32 $0x160, s25;
	s31 =	spop (v2sf)  }
0xbe: {  	[hbm4b:s30+s1] =	stream.linear.scatter [tilespmem:s31], [sflag:$0x1], $0x100, $0x38;
	[tilespmem:$0x15000] =	vst v63  }
0xbf: {  	s26 =	sadd.s32 $0x180, s25;
	s29 =	spop (v2sf)  }
0xc0: {  	[hbm4b:s26+s1] =	stream.linear.scatter [tilespmem:s29], [sflag:$0x1], $0x100, $0x38;
	[tilespmem:$0x15000] =	vst v63  }
0xc1: {  	s30 =	sadd.s32 $0x1A0, s25;
	s31 =	spop (v2sf)  }
0xc2: {  	[hbm4b:s30+s1] =	stream.linear.scatter [tilespmem:s31], [sflag:$0x1], $0x100, $0x38;
	[tilespmem:$0x15000] =	vst v63  }
0xc3: {  	s29 =	sadd.s32 $0x1C0, s25;
	s30 =	spop (v2sf)  }
0xc4: {  	[hbm4b:s29+s1] =	stream.linear.scatter [tilespmem:s30], [sflag:$0x1], $0x100, $0x38;
	[tilespmem:$0x15000] =	vst v63  }
0xc5: {  	s25 =	sadd.s32 $0x1E0, s25;
	s31 =	sadd.s32 $0x4000, s28  }
0xc6: {  	[hbm4b:s25+s1] =	stream.linear.scatter [tilespmem:s31], [sflag:$0x1], $0x100, $0x38;
	[tilespmem:$0x15000] =	vst v63  }
0xc7: {  	v1 =	vld [tilespmem:s23+$0x80];
	_ =	sdelay $0x4  }
0xc8: {  	v1 =	vsub.s32 v1, v0  }
0xc9: {  	v1 =	vshll.u32 v1, $0x8  }
0xca: {  	v2 =	vadd.s32 $0x4000, v1;
	(v2sf) =	vpush v1, $0x0  }
0xcb: {  	(v2sf) =	vpush v2, $0x1;
	_ =	sdelay $0x1  }
0xcc: {  	(v2sf) =	vpush v2, $0x2;
	_ =	sdelay $0x1  }
0xcd: {  	(v2sf) =	vpush v2, $0x3;
	_ =	sdelay $0x1  }
0xce: {  	(v2sf) =	vpush v2, $0x4;
	_ =	sdelay $0x1  }
0xcf: {  	s24 =	simm.s32 @!p0 $0x2;
	(v2sf) =	vpush v2, $0x5  }
0xd0: {  	_ =	swait.ge @!p0 [sflag:s24], $0x1000  }
0xd1: {  	(v2sf) =	vpush v2, $0x6;
	_ =	sdelay $0x1  }
0xd2: {  	(v2sf) =	vpush v2, $0x7  }
0xd3: {  	[sflag:s24] =	ssyncset.done @!p0 $0x0  }
0xd4: {  	s26 =	rddreg [dreg:$0xb];
	[sflag:s24] =	ssyncadd.s32 @!p0 $0xFFFFF000;
	s28 =	spop (v2sf);
	(v2sf) =	vpush v2, $0x8  }
0xd5: {  	s25 =	sadd.s32 $0x0, s26;
	s24 =	sadd.s32 $0x4000, s28;
	s29 =	spop (v2sf)  }
0xd6: {  	(v2sf) =	vpush v2, $0x9;
	[hbm4b:s25+s1] =	stream.linear.scatter [tilespmem:s24], [sflag:$0x2], $0x100, $0x38;
	[tilespmem:$0x15000] =	vst v63  }
0xd7: {  	s30 =	sadd.s32 $0x20, s25;
	s31 =	spop (v2sf)  }
0xd8: {  	(v2sf) =	vpush v2, $0xA;
	[hbm4b:s30+s1] =	stream.linear.scatter [tilespmem:s29], [sflag:$0x2], $0x100, $0x38;
	[tilespmem:$0x15000] =	vst v63  }
0xd9: {  	s26 =	sadd.s32 $0x40, s25;
	s29 =	spop (v2sf)  }
0xda: {  	(v2sf) =	vpush v2, $0xB;
	[hbm4b:s26+s1] =	stream.linear.scatter [tilespmem:s31], [sflag:$0x2], $0x100, $0x38;
	[tilespmem:$0x15000] =	vst v63  }
0xdb: {  	s30 =	sadd.s32 $0x60, s25;
	s31 =	spop (v2sf)  }
0xdc: {  	(v2sf) =	vpush v2, $0xC;
	[hbm4b:s30+s1] =	stream.linear.scatter [tilespmem:s29], [sflag:$0x2], $0x100, $0x38;
	[tilespmem:$0x15000] =	vst v63  }
0xdd: {  	s26 =	sadd.s32 $0x80, s25;
	s29 =	spop (v2sf)  }
0xde: {  	(v2sf) =	vpush v2, $0xD;
	[hbm4b:s26+s1] =	stream.linear.scatter [tilespmem:s31], [sflag:$0x2], $0x100, $0x38;
	[tilespmem:$0x15000] =	vst v63  }
0xdf: {  	s30 =	sadd.s32 $0xA0, s25;
	s31 =	spop (v2sf)  }
0xe0: {  	(v2sf) =	vpush v2, $0xE;
	[hbm4b:s30+s1] =	stream.linear.scatter [tilespmem:s29], [sflag:$0x2], $0x100, $0x38;
	[tilespmem:$0x15000] =	vst v63  }
0xe1: {  	s26 =	sadd.s32 $0xC0, s25;
	s29 =	spop (v2sf)  }
0xe2: {  	(v2sf) =	vpush v1, $0xF;
	[hbm4b:s26+s1] =	stream.linear.scatter [tilespmem:s31], [sflag:$0x2], $0x100, $0x38;
	[tilespmem:$0x15000] =	vst v63  }
0xe3: {  	s30 =	sadd.s32 $0xE0, s25;
	s31 =	spop (v2sf)  }
0xe4: {  	[hbm4b:s30+s1] =	stream.linear.scatter [tilespmem:s29], [sflag:$0x2], $0x100, $0x38;
	[tilespmem:$0x15000] =	vst v63  }
0xe5: {  	s26 =	sadd.s32 $0x100, s25;
	s29 =	spop (v2sf)  }
0xe6: {  	[hbm4b:s26+s1] =	stream.linear.scatter [tilespmem:s31], [sflag:$0x2], $0x100, $0x38;
	[tilespmem:$0x15000] =	vst v63  }
0xe7: {  	s30 =	sadd.s32 $0x120, s25;
	s31 =	spop (v2sf)  }
0xe8: {  	[hbm4b:s30+s1] =	stream.linear.scatter [tilespmem:s29], [sflag:$0x2], $0x100, $0x38;
	[tilespmem:$0x15000] =	vst v63  }
0xe9: {  	s26 =	sadd.s32 $0x140, s25;
	s29 =	spop (v2sf)  }
0xea: {  	[hbm4b:s26+s1] =	stream.linear.scatter [tilespmem:s31], [sflag:$0x2], $0x100, $0x38;
	[tilespmem:$0x15000] =	vst v63  }
0xeb: {  	s30 =	sadd.s32 $0x160, s25;
	s31 =	spop (v2sf)  }
0xec: {  	[hbm4b:s30+s1] =	stream.linear.scatter [tilespmem:s29], [sflag:$0x2], $0x100, $0x38;
	[tilespmem:$0x15000] =	vst v63  }
0xed: {  	s26 =	sadd.s32 $0x180, s25;
	s29 =	spop (v2sf)  }
0xee: {  	[hbm4b:s26+s1] =	stream.linear.scatter [tilespmem:s31], [sflag:$0x2], $0x100, $0x38;
	[tilespmem:$0x15000] =	vst v63  }
0xef: {  	s30 =	sadd.s32 $0x1A0, s25;
	s31 =	spop (v2sf)  }
0xf0: {  	[hbm4b:s30+s1] =	stream.linear.scatter [tilespmem:s29], [sflag:$0x2], $0x100, $0x38;
	[tilespmem:$0x15000] =	vst v63  }
0xf1: {  	s26 =	sadd.s32 $0x1C0, s25;
	s29 =	spop (v2sf)  }
0xf2: {  	[hbm4b:s26+s1] =	stream.linear.scatter [tilespmem:s31], [sflag:$0x2], $0x100, $0x38;
	[tilespmem:$0x15000] =	vst v63  }
0xf3: {  	s30 =	sadd.s32 $0x1E0, s25;
	s31 =	sadd.s32 $0x4000, s29  }
0xf4: {  	[hbm4b:s30+s1] =	stream.linear.scatter [tilespmem:s31], [sflag:$0x2], $0x100, $0x38;
	[tilespmem:$0x15000] =	vst v63  }
0xf5: {  	v1 =	vld [tilespmem:s23+$0x100];
	_ =	sdelay $0x4  }
0xf6: {  	v1 =	vsub.s32 v1, v0  }
0xf7: {  	v1 =	vshll.u32 v1, $0x8  }
0xf8: {  	v2 =	vadd.s32 $0x4000, v1;
	(v2sf) =	vpush v1, $0x0  }
0xf9: {  	(v2sf) =	vpush v2, $0x1;
	_ =	sdelay $0x1  }
0xfa: {  	(v2sf) =	vpush v2, $0x2;
	_ =	sdelay $0x1  }
0xfb: {  	(v2sf) =	vpush v2, $0x3;
	_ =	sdelay $0x1  }
0xfc: {  	(v2sf) =	vpush v2, $0x4;
	_ =	sdelay $0x1  }
0xfd: {  	s24 =	simm.s32 @!p0 $0x3;
	(v2sf) =	vpush v2, $0x5  }
0xfe: {  	_ =	swait.ge @!p0 [sflag:s24], $0x1000  }
0xff: {  	(v2sf) =	vpush v2, $0x6;
	_ =	sdelay $0x1  }
0x100: {  	(v2sf) =	vpush v2, $0x7  }
0x101: {  	[sflag:s24] =	ssyncset.done @!p0 $0x0  }
0x102: {  	s26 =	rddreg [dreg:$0xc];
	[sflag:s24] =	ssyncadd.s32 @!p0 $0xFFFFF000;
	s28 =	spop (v2sf);
	(v2sf) =	vpush v2, $0x8  }
0x103: {  	s25 =	sadd.s32 $0x0, s26;
	s24 =	sadd.s32 $0x4000, s28;
	s29 =	spop (v2sf)  }
0x104: {  	(v2sf) =	vpush v2, $0x9;
	[hbm4b:s25+s1] =	stream.linear.scatter [tilespmem:s24], [sflag:$0x3], $0x100, $0x38;
	[tilespmem:$0x15000] =	vst v63  }
0x105: {  	s30 =	sadd.s32 $0x20, s25;
	s31 =	spop (v2sf)  }
0x106: {  	(v2sf) =	vpush v2, $0xA;
	[hbm4b:s30+s1] =	stream.linear.scatter [tilespmem:s29], [sflag:$0x3], $0x100, $0x38;
	[tilespmem:$0x15000] =	vst v63  }
0x107: {  	s26 =	sadd.s32 $0x40, s25;
	s29 =	spop (v2sf)  }
0x108: {  	(v2sf) =	vpush v2, $0xB;
	[hbm4b:s26+s1] =	stream.linear.scatter [tilespmem:s31], [sflag:$0x3], $0x100, $0x38;
	[tilespmem:$0x15000] =	vst v63  }
0x109: {  	s30 =	sadd.s32 $0x60, s25;
	s31 =	spop (v2sf)  }
0x10a: {  	(v2sf) =	vpush v2, $0xC;
	[hbm4b:s30+s1] =	stream.linear.scatter [tilespmem:s29], [sflag:$0x3], $0x100, $0x38;
	[tilespmem:$0x15000] =	vst v63  }
0x10b: {  	s26 =	sadd.s32 $0x80, s25;
	s29 =	spop (v2sf)  }
0x10c: {  	(v2sf) =	vpush v2, $0xD;
	[hbm4b:s26+s1] =	stream.linear.scatter [tilespmem:s31], [sflag:$0x3], $0x100, $0x38;
	[tilespmem:$0x15000] =	vst v63  }
0x10d: {  	s30 =	sadd.s32 $0xA0, s25;
	s31 =	spop (v2sf)  }
0x10e: {  	(v2sf) =	vpush v2, $0xE;
	[hbm4b:s30+s1] =	stream.linear.scatter [tilespmem:s29], [sflag:$0x3], $0x100, $0x38;
	[tilespmem:$0x15000] =	vst v63  }
0x10f: {  	s26 =	sadd.s32 $0xC0, s25;
	s29 =	spop (v2sf)  }
0x110: {  	(v2sf) =	vpush v1, $0xF;
	[hbm4b:s26+s1] =	stream.linear.scatter [tilespmem:s31], [sflag:$0x3], $0x100, $0x38;
	[tilespmem:$0x15000] =	vst v63  }
0x111: {  	s30 =	sadd.s32 $0xE0, s25;
	s31 =	spop (v2sf)  }
0x112: {  	[hbm4b:s30+s1] =	stream.linear.scatter [tilespmem:s29], [sflag:$0x3], $0x100, $0x38;
	[tilespmem:$0x15000] =	vst v63  }
0x113: {  	s26 =	sadd.s32 $0x100, s25;
	s29 =	spop (v2sf)  }
0x114: {  	[hbm4b:s26+s1] =	stream.linear.scatter [tilespmem:s31], [sflag:$0x3], $0x100, $0x38;
	[tilespmem:$0x15000] =	vst v63  }
0x115: {  	s30 =	sadd.s32 $0x120, s25;
	s31 =	spop (v2sf)  }
0x116: {  	[hbm4b:s30+s1] =	stream.linear.scatter [tilespmem:s29], [sflag:$0x3], $0x100, $0x38;
	[tilespmem:$0x15000] =	vst v63  }
0x117: {  	s26 =	sadd.s32 $0x140, s25;
	s29 =	spop (v2sf)  }
0x118: {  	[hbm4b:s26+s1] =	stream.linear.scatter [tilespmem:s31], [sflag:$0x3], $0x100, $0x38;
	[tilespmem:$0x15000] =	vst v63  }
0x119: {  	s30 =	sadd.s32 $0x160, s25;
	s31 =	spop (v2sf)  }
0x11a: {  	[hbm4b:s30+s1] =	stream.linear.scatter [tilespmem:s29], [sflag:$0x3], $0x100, $0x38;
	[tilespmem:$0x15000] =	vst v63  }
0x11b: {  	s29 =	sadd.s32 $0x180, s25;
	s30 =	spop (v2sf)  }
0x11c: {  	[hbm4b:s29+s1] =	stream.linear.scatter [tilespmem:s31], [sflag:$0x3], $0x100, $0x38;
	[tilespmem:$0x15000] =	vst v63  }
0x11d: {  	s31 =	sadd.s32 $0x1A0, s25;
	s29 =	spop (v2sf)  }
0x11e: {  	[hbm4b:s31+s1] =	stream.linear.scatter [tilespmem:s30], [sflag:$0x3], $0x100, $0x38;
	[tilespmem:$0x15000] =	vst v63  }
0x11f: {  	s30 =	sadd.s32 $0x1C0, s25;
	s31 =	spop (v2sf)  }
0x120: {  	[hbm4b:s30+s1] =	stream.linear.scatter [tilespmem:s29], [sflag:$0x3], $0x100, $0x38;
	[tilespmem:$0x15000] =	vst v63  }
0x121: {  	s28 =	sadd.s32 $0x1E0, s25;
	s29 =	sadd.s32 $0x4000, s31  }
0x122: {  	[hbm4b:s28+s1] =	stream.linear.scatter [tilespmem:s29], [sflag:$0x3], $0x100, $0x38;
	[tilespmem:$0x15000] =	vst v63  }
0x123: {  	v1 =	vld [tilespmem:s23+$0x180];
	_ =	sdelay $0x4  }
0x124: {  	v1 =	vsub.s32 v1, v0  }
0x125: {  	v1 =	vshll.u32 v1, $0x8  }
0x126: {  	(v2sf) =	vpush v1, $0x0;
	v2 =	vadd.s32 $0x4000, v1  }
0x127: {  	(v2sf) =	vpush v2, $0x1;
	_ =	sdelay $0x1  }
0x128: {  	(v2sf) =	vpush v2, $0x2;
	_ =	sdelay $0x1  }
0x129: {  	(v2sf) =	vpush v2, $0x3;
	_ =	sdelay $0x1  }
0x12a: {  	(v2sf) =	vpush v2, $0x4;
	_ =	sdelay $0x1  }
0x12b: {  	s23 =	simm.s32 @!p0 $0x4;
	(v2sf) =	vpush v2, $0x5  }
0x12c: {  	_ =	swait.ge @!p0 [sflag:s23], $0x1000  }
0x12d: {  	(v2sf) =	vpush v2, $0x6;
	_ =	sdelay $0x1  }
0x12e: {  	(v2sf) =	vpush v2, $0x7  }
0x12f: {  	[sflag:s23] =	ssyncset.done @!p0 $0x0  }
0x130: {  	s30 =	rddreg [dreg:$0xd];
	[sflag:s23] =	ssyncadd.s32 @!p0 $0xFFFFF000;
	s31 =	spop (v2sf);
	(v2sf) =	vpush v2, $0x8  }
0x131: {  	s24 =	sadd.s32 $0x0, s30;
	s26 =	sadd.s32 $0x4000, s31;
	s29 =	spop (v2sf)  }
0x132: {  	(v2sf) =	vpush v2, $0x9;
	[hbm4b:s24+s1] =	stream.linear.scatter [tilespmem:s26], [sflag:$0x4], $0x100, $0x38;
	[tilespmem:$0x15000] =	vst v63  }
0x133: {  	s28 =	sadd.s32 $0x20, s24;
	s31 =	spop (v2sf)  }
0x134: {  	(v2sf) =	vpush v2, $0xA;
	[hbm4b:s28+s1] =	stream.linear.scatter [tilespmem:s29], [sflag:$0x4], $0x100, $0x38;
	[tilespmem:$0x15000] =	vst v63  }
0x135: {  	s30 =	sadd.s32 $0x40, s24;
	s26 =	spop (v2sf)  }
0x136: {  	(v2sf) =	vpush v2, $0xB;
	[hbm4b:s30+s1] =	stream.linear.scatter [tilespmem:s31], [sflag:$0x4], $0x100, $0x38;
	[tilespmem:$0x15000] =	vst v63  }
0x137: {  	s25 =	sadd.s32 $0x60, s24;
	s29 =	spop (v2sf)  }
0x138: {  	(v2sf) =	vpush v2, $0xC;
	[hbm4b:s25+s1] =	stream.linear.scatter [tilespmem:s26], [sflag:$0x4], $0x100, $0x38;
	[tilespmem:$0x15000] =	vst v63  }
0x139: {  	s28 =	sadd.s32 $0x80, s24;
	s31 =	spop (v2sf)  }
0x13a: {  	(v2sf) =	vpush v2, $0xD;
	[hbm4b:s28+s1] =	stream.linear.scatter [tilespmem:s29], [sflag:$0x4], $0x100, $0x38;
	[tilespmem:$0x15000] =	vst v63  }
0x13b: {  	s30 =	sadd.s32 $0xA0, s24;
	s26 =	spop (v2sf)  }
0x13c: {  	(v2sf) =	vpush v2, $0xE;
	[hbm4b:s30+s1] =	stream.linear.scatter [tilespmem:s31], [sflag:$0x4], $0x100, $0x38;
	[tilespmem:$0x15000] =	vst v63  }
0x13d: {  	s25 =	sadd.s32 $0xC0, s24;
	s29 =	spop (v2sf)  }
0x13e: {  	(v2sf) =	vpush v1, $0xF;
	[hbm4b:s25+s1] =	stream.linear.scatter [tilespmem:s26], [sflag:$0x4], $0x100, $0x38;
	[tilespmem:$0x15000] =	vst v63  }
0x13f: {  	s28 =	sadd.s32 $0xE0, s24;
	s31 =	spop (v2sf)  }
0x140: {  	[hbm4b:s28+s1] =	stream.linear.scatter [tilespmem:s29], [sflag:$0x4], $0x100, $0x38;
	[tilespmem:$0x15000] =	vst v63  }
0x141: {  	s30 =	sadd.s32 $0x100, s24;
	s26 =	spop (v2sf)  }
0x142: {  	[hbm4b:s30+s1] =	stream.linear.scatter [tilespmem:s31], [sflag:$0x4], $0x100, $0x38;
	[tilespmem:$0x15000] =	vst v63  }
0x143: {  	s25 =	sadd.s32 $0x120, s24;
	s29 =	spop (v2sf)  }
0x144: {  	[hbm4b:s25+s1] =	stream.linear.scatter [tilespmem:s26], [sflag:$0x4], $0x100, $0x38;
	[tilespmem:$0x15000] =	vst v63  }
0x145: {  	s28 =	sadd.s32 $0x140, s24;
	s31 =	spop (v2sf)  }
0x146: {  	[hbm4b:s28+s1] =	stream.linear.scatter [tilespmem:s29], [sflag:$0x4], $0x100, $0x38;
	[tilespmem:$0x15000] =	vst v63  }
0x147: {  	s30 =	sadd.s32 $0x160, s24;
	s26 =	spop (v2sf)  }
0x148: {  	[hbm4b:s30+s1] =	stream.linear.scatter [tilespmem:s31], [sflag:$0x4], $0x100, $0x38;
	[tilespmem:$0x15000] =	vst v63  }
0x149: {  	s25 =	sadd.s32 $0x180, s24;
	s29 =	spop (v2sf)  }
0x14a: {  	[hbm4b:s25+s1] =	stream.linear.scatter [tilespmem:s26], [sflag:$0x4], $0x100, $0x38;
	[tilespmem:$0x15000] =	vst v63  }
0x14b: {  	s23 =	simm.s32 $0x800;
	s28 =	sadd.s32 $0x1A0, s24;
	s31 =	spop (v2sf)  }
0x14c: {  	[hbm4b:s28+s1] =	stream.linear.scatter [tilespmem:s29], [sflag:$0x4], $0x100, $0x38;
	[tilespmem:$0x15000] =	vst v63  }
0x14d: {  	s30 =	sadd.s32 $0x1C0, s24;
	s26 =	sadd.s32 $0x1E0, s24;
	s24 =	spop (v2sf)  }
0x14e: {  	[hbm4b:s30+s1] =	stream.linear.scatter [tilespmem:s31], [sflag:$0x4], $0x100, $0x38;
	[tilespmem:$0x15000] =	vst v63  }
.LBB2_3:
0x14f: {  	s25 =	sshra.s32 s23, $0x2;
	s28 =	sadd.s32 $0x4000, s24  }
0x150: {  	[hbm4b:s26+s1] =	stream.linear.scatter [tilespmem:s28], [sflag:$0x4], $0x100, $0x38;
	[tilespmem:$0x15000] =	vst v63  }
0x151: {  	v1 =	vld [tilespmem:s25+$0x0];
	_ =	sdelay $0x4  }
0x152: {  	v1 =	vsub.s32 v1, v0  }
0x153: {  	v1 =	vshll.u32 v1, $0x8  }
0x154: {  	(v2sf) =	vpush v1, $0x0  }
0x155: {  	(v2sf) =	vpush v1, $0xF;
	_ =	sdelay $0x1  }
0x156: {  	v2 =	vadd.s32 $0x4000, v1  }
0x157: {  	(v2sf) =	vpush v2, $0x1;
	_ =	sdelay $0x1  }
0x158: {  	(v2sf) =	vpush v2, $0x2;
	_ =	sdelay $0x1  }
0x159: {  	s24 =	smov.u32 s23;
	(v2sf) =	vpush v2, $0x3  }
0x15a: {  	p1 =	seq.s32 s24, $0x0  }
0x15b: {  	s29 =	simm.s32 @!p1 $0x1;
	(v2sf) =	vpush v2, $0x4  }
0x15c: {  	_ =	swait.ge @!p1 [sflag:s29], $0x1000  }
0x15d: {  	(v2sf) =	vpush v2, $0x5;
	_ =	sdelay $0x1  }
0x15e: {  	(v2sf) =	vpush v2, $0x6  }
0x15f: {  	s30 =	spop (v2sf)  }
0x160: {  	s31 =	rddreg [dreg:$0xa];
	[sflag:s29] =	ssyncset.done @!p1 $0x0;
	s28 =	spop (v2sf);
	(v2sf) =	vpush v2, $0x7  }
0x161: {  	s26 =	sadd.s32 s24, s31;
	[sflag:s29] =	ssyncadd.s32 @!p1 $0xFFFFF000;
	s30 =	sadd.s32 $0x4000, s30  }
0x162: {  	[hbm4b:s26+s1] =	stream.linear.scatter [tilespmem:s30], [sflag:$0x1], $0x100, $0x38;
	(v2sf) =	vpush v2, $0x8;
	[tilespmem:$0x15000] =	vst v63  }
0x163: {  	s29 =	sadd.s32 $0x20, s26;
	s31 =	spop (v2sf)  }
0x164: {  	(v2sf) =	vpush v2, $0x9;
	[hbm4b:s29+s1] =	stream.linear.scatter [tilespmem:s31], [sflag:$0x1], $0x100, $0x38;
	[tilespmem:$0x15000] =	vst v63  }
0x165: {  	s29 =	sadd.s32 $0x40, s26;
	s31 =	spop (v2sf)  }
0x166: {  	(v2sf) =	vpush v2, $0xA;
	[hbm4b:s29+s1] =	stream.linear.scatter [tilespmem:s31], [sflag:$0x1], $0x100, $0x38;
	[tilespmem:$0x15000] =	vst v63  }
0x167: {  	s29 =	sadd.s32 $0x60, s26;
	s31 =	spop (v2sf)  }
0x168: {  	(v2sf) =	vpush v2, $0xB;
	[hbm4b:s29+s1] =	stream.linear.scatter [tilespmem:s31], [sflag:$0x1], $0x100, $0x38;
	[tilespmem:$0x15000] =	vst v63  }
0x169: {  	s29 =	sadd.s32 $0x80, s26;
	s31 =	spop (v2sf)  }
0x16a: {  	(v2sf) =	vpush v2, $0xC;
	[hbm4b:s29+s1] =	stream.linear.scatter [tilespmem:s31], [sflag:$0x1], $0x100, $0x38;
	[tilespmem:$0x15000] =	vst v63  }
0x16b: {  	s29 =	sadd.s32 $0xA0, s26;
	s31 =	spop (v2sf)  }
0x16c: {  	(v2sf) =	vpush v2, $0xD;
	[hbm4b:s29+s1] =	stream.linear.scatter [tilespmem:s31], [sflag:$0x1], $0x100, $0x38;
	[tilespmem:$0x15000] =	vst v63  }
0x16d: {  	s29 =	sadd.s32 $0xC0, s26;
	s31 =	spop (v2sf)  }
0x16e: {  	(v2sf) =	vpush v2, $0xE;
	[hbm4b:s29+s1] =	stream.linear.scatter [tilespmem:s31], [sflag:$0x1], $0x100, $0x38;
	[tilespmem:$0x15000] =	vst v63  }
0x16f: {  	s29 =	sadd.s32 $0xE0, s26;
	s31 =	spop (v2sf)  }
0x170: {  	[hbm4b:s29+s1] =	stream.linear.scatter [tilespmem:s31], [sflag:$0x1], $0x100, $0x38;
	[tilespmem:$0x15000] =	vst v63  }
0x171: {  	s29 =	sadd.s32 $0x100, s26;
	s31 =	spop (v2sf)  }
0x172: {  	[hbm4b:s29+s1] =	stream.linear.scatter [tilespmem:s31], [sflag:$0x1], $0x100, $0x38;
	[tilespmem:$0x15000] =	vst v63  }
0x173: {  	s29 =	sadd.s32 $0x120, s26;
	s31 =	spop (v2sf)  }
0x174: {  	[hbm4b:s29+s1] =	stream.linear.scatter [tilespmem:s31], [sflag:$0x1], $0x100, $0x38;
	[tilespmem:$0x15000] =	vst v63  }
0x175: {  	s29 =	sadd.s32 $0x140, s26;
	s31 =	spop (v2sf)  }
0x176: {  	[hbm4b:s29+s1] =	stream.linear.scatter [tilespmem:s31], [sflag:$0x1], $0x100, $0x38;
	[tilespmem:$0x15000] =	vst v63  }
0x177: {  	s29 =	sadd.s32 $0x160, s26;
	s31 =	spop (v2sf)  }
0x178: {  	[hbm4b:s29+s1] =	stream.linear.scatter [tilespmem:s31], [sflag:$0x1], $0x100, $0x38;
	[tilespmem:$0x15000] =	vst v63  }
0x179: {  	s29 =	sadd.s32 $0x180, s26;
	s31 =	spop (v2sf)  }
0x17a: {  	[hbm4b:s29+s1] =	stream.linear.scatter [tilespmem:s31], [sflag:$0x1], $0x100, $0x38;
	[tilespmem:$0x15000] =	vst v63  }
0x17b: {  	s29 =	sadd.s32 $0x1A0, s26;
	s31 =	spop (v2sf)  }
0x17c: {  	[hbm4b:s29+s1] =	stream.linear.scatter [tilespmem:s31], [sflag:$0x1], $0x100, $0x38;
	[tilespmem:$0x15000] =	vst v63  }
0x17d: {  	s29 =	sadd.s32 $0x1C0, s26;
	s31 =	spop (v2sf)  }
0x17e: {  	[hbm4b:s29+s1] =	stream.linear.scatter [tilespmem:s31], [sflag:$0x1], $0x100, $0x38;
	[tilespmem:$0x15000] =	vst v63  }
0x17f: {  	s28 =	sadd.s32 $0x4000, s28;
	s26 =	sadd.s32 $0x1E0, s26  }
0x180: {  	[hbm4b:s26+s1] =	stream.linear.scatter [tilespmem:s28], [sflag:$0x1], $0x100, $0x38;
	[tilespmem:$0x15000] =	vst v63  }
0x181: {  	v1 =	vld [tilespmem:s25+$0x80];
	_ =	sdelay $0x4  }
0x182: {  	v1 =	vsub.s32 v1, v0  }
0x183: {  	v1 =	vshll.u32 v1, $0x8  }
0x184: {  	v2 =	vadd.s32 $0x4000, v1;
	(v2sf) =	vpush v1, $0x0  }
0x185: {  	(v2sf) =	vpush v2, $0x1;
	_ =	sdelay $0x1  }
0x186: {  	(v2sf) =	vpush v2, $0x2;
	_ =	sdelay $0x1  }
0x187: {  	(v2sf) =	vpush v2, $0x3;
	_ =	sdelay $0x1  }
0x188: {  	(v2sf) =	vpush v2, $0x4;
	_ =	sdelay $0x1  }
0x189: {  	s26 =	simm.s32 @!p1 $0x2;
	(v2sf) =	vpush v2, $0x5  }
0x18a: {  	_ =	swait.ge @!p1 [sflag:s26], $0x1000  }
0x18b: {  	(v2sf) =	vpush v2, $0x6;
	_ =	sdelay $0x1  }
0x18c: {  	(v2sf) =	vpush v2, $0x7  }
0x18d: {  	[sflag:s26] =	ssyncset.done @!p1 $0x0  }
0x18e: {  	s31 =	rddreg [dreg:$0xb];
	[sflag:s26] =	ssyncadd.s32 @!p1 $0xFFFFF000;
	s29 =	spop (v2sf);
	(v2sf) =	vpush v2, $0x8  }
0x18f: {  	s26 =	sadd.s32 s24, s31;
	s28 =	sadd.s32 $0x4000, s29;
	s30 =	spop (v2sf)  }
0x190: {  	(v2sf) =	vpush v2, $0x9;
	[hbm4b:s26+s1] =	stream.linear.scatter [tilespmem:s28], [sflag:$0x2], $0x100, $0x38;
	[tilespmem:$0x15000] =	vst v63  }
0x191: {  	s29 =	sadd.s32 $0x20, s26;
	s31 =	spop (v2sf)  }
0x192: {  	(v2sf) =	vpush v2, $0xA;
	[hbm4b:s29+s1] =	stream.linear.scatter [tilespmem:s30], [sflag:$0x2], $0x100, $0x38;
	[tilespmem:$0x15000] =	vst v63  }
0x193: {  	s28 =	sadd.s32 $0x40, s26;
	s30 =	spop (v2sf)  }
0x194: {  	(v2sf) =	vpush v2, $0xB;
	[hbm4b:s28+s1] =	stream.linear.scatter [tilespmem:s31], [sflag:$0x2], $0x100, $0x38;
	[tilespmem:$0x15000] =	vst v63  }
0x195: {  	s29 =	sadd.s32 $0x60, s26;
	s31 =	spop (v2sf)  }
0x196: {  	(v2sf) =	vpush v2, $0xC;
	[hbm4b:s29+s1] =	stream.linear.scatter [tilespmem:s30], [sflag:$0x2], $0x100, $0x38;
	[tilespmem:$0x15000] =	vst v63  }
0x197: {  	s28 =	sadd.s32 $0x80, s26;
	s30 =	spop (v2sf)  }
0x198: {  	(v2sf) =	vpush v2, $0xD;
	[hbm4b:s28+s1] =	stream.linear.scatter [tilespmem:s31], [sflag:$0x2], $0x100, $0x38;
	[tilespmem:$0x15000] =	vst v63  }
0x199: {  	s29 =	sadd.s32 $0xA0, s26;
	s31 =	spop (v2sf)  }
0x19a: {  	(v2sf) =	vpush v2, $0xE;
	[hbm4b:s29+s1] =	stream.linear.scatter [tilespmem:s30], [sflag:$0x2], $0x100, $0x38;
	[tilespmem:$0x15000] =	vst v63  }
0x19b: {  	s28 =	sadd.s32 $0xC0, s26;
	s30 =	spop (v2sf)  }
0x19c: {  	(v2sf) =	vpush v1, $0xF;
	[hbm4b:s28+s1] =	stream.linear.scatter [tilespmem:s31], [sflag:$0x2], $0x100, $0x38;
	[tilespmem:$0x15000] =	vst v63  }
0x19d: {  	s29 =	sadd.s32 $0xE0, s26;
	s31 =	spop (v2sf)  }
0x19e: {  	[hbm4b:s29+s1] =	stream.linear.scatter [tilespmem:s30], [sflag:$0x2], $0x100, $0x38;
	[tilespmem:$0x15000] =	vst v63  }
0x19f: {  	s28 =	sadd.s32 $0x100, s26;
	s30 =	spop (v2sf)  }
0x1a0: {  	[hbm4b:s28+s1] =	stream.linear.scatter [tilespmem:s31], [sflag:$0x2], $0x100, $0x38;
	[tilespmem:$0x15000] =	vst v63  }
0x1a1: {  	s29 =	sadd.s32 $0x120, s26;
	s31 =	spop (v2sf)  }
0x1a2: {  	[hbm4b:s29+s1] =	stream.linear.scatter [tilespmem:s30], [sflag:$0x2], $0x100, $0x38;
	[tilespmem:$0x15000] =	vst v63  }
0x1a3: {  	s28 =	sadd.s32 $0x140, s26;
	s30 =	spop (v2sf)  }
0x1a4: {  	[hbm4b:s28+s1] =	stream.linear.scatter [tilespmem:s31], [sflag:$0x2], $0x100, $0x38;
	[tilespmem:$0x15000] =	vst v63  }
0x1a5: {  	s29 =	sadd.s32 $0x160, s26;
	s31 =	spop (v2sf)  }
0x1a6: {  	[hbm4b:s29+s1] =	stream.linear.scatter [tilespmem:s30], [sflag:$0x2], $0x100, $0x38;
	[tilespmem:$0x15000] =	vst v63  }
0x1a7: {  	s28 =	sadd.s32 $0x180, s26;
	s30 =	spop (v2sf)  }
0x1a8: {  	[hbm4b:s28+s1] =	stream.linear.scatter [tilespmem:s31], [sflag:$0x2], $0x100, $0x38;
	[tilespmem:$0x15000] =	vst v63  }
0x1a9: {  	s29 =	sadd.s32 $0x1A0, s26;
	s31 =	spop (v2sf)  }
0x1aa: {  	[hbm4b:s29+s1] =	stream.linear.scatter [tilespmem:s30], [sflag:$0x2], $0x100, $0x38;
	[tilespmem:$0x15000] =	vst v63  }
0x1ab: {  	s28 =	sadd.s32 $0x1C0, s26;
	s30 =	spop (v2sf)  }
0x1ac: {  	[hbm4b:s28+s1] =	stream.linear.scatter [tilespmem:s31], [sflag:$0x2], $0x100, $0x38;
	[tilespmem:$0x15000] =	vst v63  }
0x1ad: {  	s26 =	sadd.s32 $0x1E0, s26;
	s30 =	sadd.s32 $0x4000, s30  }
0x1ae: {  	[hbm4b:s26+s1] =	stream.linear.scatter [tilespmem:s30], [sflag:$0x2], $0x100, $0x38;
	[tilespmem:$0x15000] =	vst v63  }
0x1af: {  	v1 =	vld [tilespmem:s25+$0x100];
	_ =	sdelay $0x4  }
0x1b0: {  	v1 =	vsub.s32 v1, v0  }
0x1b1: {  	v1 =	vshll.u32 v1, $0x8  }
0x1b2: {  	v2 =	vadd.s32 $0x4000, v1;
	(v2sf) =	vpush v1, $0x0  }
0x1b3: {  	(v2sf) =	vpush v2, $0x1;
	_ =	sdelay $0x1  }
0x1b4: {  	(v2sf) =	vpush v2, $0x2;
	_ =	sdelay $0x1  }
0x1b5: {  	(v2sf) =	vpush v2, $0x3;
	_ =	sdelay $0x1  }
0x1b6: {  	(v2sf) =	vpush v2, $0x4;
	_ =	sdelay $0x1  }
0x1b7: {  	s26 =	simm.s32 @!p1 $0x3;
	(v2sf) =	vpush v2, $0x5  }
0x1b8: {  	_ =	swait.ge @!p1 [sflag:s26], $0x1000  }
0x1b9: {  	(v2sf) =	vpush v2, $0x6;
	_ =	sdelay $0x1  }
0x1ba: {  	(v2sf) =	vpush v2, $0x7  }
0x1bb: {  	[sflag:s26] =	ssyncset.done @!p1 $0x0  }
0x1bc: {  	s31 =	rddreg [dreg:$0xc];
	[sflag:s26] =	ssyncadd.s32 @!p1 $0xFFFFF000;
	s29 =	spop (v2sf);
	(v2sf) =	vpush v2, $0x8  }
0x1bd: {  	s26 =	sadd.s32 s24, s31;
	s28 =	sadd.s32 $0x4000, s29;
	s30 =	spop (v2sf)  }
0x1be: {  	(v2sf) =	vpush v2, $0x9;
	[hbm4b:s26+s1] =	stream.linear.scatter [tilespmem:s28], [sflag:$0x3], $0x100, $0x38;
	[tilespmem:$0x15000] =	vst v63  }
0x1bf: {  	s29 =	sadd.s32 $0x20, s26;
	s31 =	spop (v2sf)  }
0x1c0: {  	(v2sf) =	vpush v2, $0xA;
	[hbm4b:s29+s1] =	stream.linear.scatter [tilespmem:s30], [sflag:$0x3], $0x100, $0x38;
	[tilespmem:$0x15000] =	vst v63  }
0x1c1: {  	s28 =	sadd.s32 $0x40, s26;
	s30 =	spop (v2sf)  }
0x1c2: {  	(v2sf) =	vpush v2, $0xB;
	[hbm4b:s28+s1] =	stream.linear.scatter [tilespmem:s31], [sflag:$0x3], $0x100, $0x38;
	[tilespmem:$0x15000] =	vst v63  }
0x1c3: {  	s29 =	sadd.s32 $0x60, s26;
	s31 =	spop (v2sf)  }
0x1c4: {  	(v2sf) =	vpush v2, $0xC;
	[hbm4b:s29+s1] =	stream.linear.scatter [tilespmem:s30], [sflag:$0x3], $0x100, $0x38;
	[tilespmem:$0x15000] =	vst v63  }
0x1c5: {  	s28 =	sadd.s32 $0x80, s26;
	s30 =	spop (v2sf)  }
0x1c6: {  	(v2sf) =	vpush v2, $0xD;
	[hbm4b:s28+s1] =	stream.linear.scatter [tilespmem:s31], [sflag:$0x3], $0x100, $0x38;
	[tilespmem:$0x15000] =	vst v63  }
0x1c7: {  	s29 =	sadd.s32 $0xA0, s26;
	s31 =	spop (v2sf)  }
0x1c8: {  	(v2sf) =	vpush v2, $0xE;
	[hbm4b:s29+s1] =	stream.linear.scatter [tilespmem:s30], [sflag:$0x3], $0x100, $0x38;
	[tilespmem:$0x15000] =	vst v63  }
0x1c9: {  	s28 =	sadd.s32 $0xC0, s26;
	s30 =	spop (v2sf)  }
0x1ca: {  	(v2sf) =	vpush v1, $0xF;
	[hbm4b:s28+s1] =	stream.linear.scatter [tilespmem:s31], [sflag:$0x3], $0x100, $0x38;
	[tilespmem:$0x15000] =	vst v63  }
0x1cb: {  	s29 =	sadd.s32 $0xE0, s26;
	s31 =	spop (v2sf)  }
0x1cc: {  	[hbm4b:s29+s1] =	stream.linear.scatter [tilespmem:s30], [sflag:$0x3], $0x100, $0x38;
	[tilespmem:$0x15000] =	vst v63  }
0x1cd: {  	s28 =	sadd.s32 $0x100, s26;
	s30 =	spop (v2sf)  }
0x1ce: {  	[hbm4b:s28+s1] =	stream.linear.scatter [tilespmem:s31], [sflag:$0x3], $0x100, $0x38;
	[tilespmem:$0x15000] =	vst v63  }
0x1cf: {  	s29 =	sadd.s32 $0x120, s26;
	s31 =	spop (v2sf)  }
0x1d0: {  	[hbm4b:s29+s1] =	stream.linear.scatter [tilespmem:s30], [sflag:$0x3], $0x100, $0x38;
	[tilespmem:$0x15000] =	vst v63  }
0x1d1: {  	s28 =	sadd.s32 $0x140, s26;
	s30 =	spop (v2sf)  }
0x1d2: {  	[hbm4b:s28+s1] =	stream.linear.scatter [tilespmem:s31], [sflag:$0x3], $0x100, $0x38;
	[tilespmem:$0x15000] =	vst v63  }
0x1d3: {  	s29 =	sadd.s32 $0x160, s26;
	s31 =	spop (v2sf)  }
0x1d4: {  	[hbm4b:s29+s1] =	stream.linear.scatter [tilespmem:s30], [sflag:$0x3], $0x100, $0x38;
	[tilespmem:$0x15000] =	vst v63  }
0x1d5: {  	s28 =	sadd.s32 $0x180, s26;
	s30 =	spop (v2sf)  }
0x1d6: {  	[hbm4b:s28+s1] =	stream.linear.scatter [tilespmem:s31], [sflag:$0x3], $0x100, $0x38;
	[tilespmem:$0x15000] =	vst v63  }
0x1d7: {  	s29 =	sadd.s32 $0x1A0, s26;
	s31 =	spop (v2sf)  }
0x1d8: {  	[hbm4b:s29+s1] =	stream.linear.scatter [tilespmem:s30], [sflag:$0x3], $0x100, $0x38;
	[tilespmem:$0x15000] =	vst v63  }
0x1d9: {  	s28 =	sadd.s32 $0x1C0, s26;
	s30 =	spop (v2sf)  }
0x1da: {  	[hbm4b:s28+s1] =	stream.linear.scatter [tilespmem:s31], [sflag:$0x3], $0x100, $0x38;
	[tilespmem:$0x15000] =	vst v63  }
0x1db: {  	s26 =	sadd.s32 $0x1E0, s26;
	s31 =	sadd.s32 $0x4000, s30  }
0x1dc: {  	[hbm4b:s26+s1] =	stream.linear.scatter [tilespmem:s31], [sflag:$0x3], $0x100, $0x38;
	[tilespmem:$0x15000] =	vst v63  }
0x1dd: {  	v1 =	vld [tilespmem:s25+$0x180];
	_ =	sdelay $0x4  }
0x1de: {  	v1 =	vsub.s32 v1, v0  }
0x1df: {  	v1 =	vshll.u32 v1, $0x8  }
0x1e0: {  	(v2sf) =	vpush v1, $0x0;
	_ =	sdelay $0x1  }
0x1e1: {  	v2 =	vadd.s32 $0x4000, v1  }
0x1e2: {  	(v2sf) =	vpush v2, $0x1;
	_ =	sdelay $0x1  }
0x1e3: {  	(v2sf) =	vpush v2, $0x2;
	_ =	sdelay $0x1  }
0x1e4: {  	(v2sf) =	vpush v2, $0x3;
	_ =	sdelay $0x1  }
0x1e5: {  	(v2sf) =	vpush v2, $0x4;
	_ =	sdelay $0x1  }
0x1e6: {  	s25 =	simm.s32 @!p1 $0x4;
	(v2sf) =	vpush v2, $0x5  }
0x1e7: {  	_ =	swait.ge @!p1 [sflag:s25], $0x1000  }
0x1e8: {  	(v2sf) =	vpush v2, $0x6;
	_ =	sdelay $0x1  }
0x1e9: {  	s28 =	rddreg [dreg:$0xd];
	[sflag:s25] =	ssyncset.done @!p1 $0x0;
	(v2sf) =	vpush v2, $0x7;
	s29 =	spop (v2sf)  }
0x1ea: {  	[sflag:s25] =	ssyncadd.s32 @!p1 $0xFFFFF000;
	s24 =	sadd.s32 s24, s28;
	s25 =	sadd.s32 $0x4000, s29  }
0x1eb: {  	(v2sf) =	vpush v2, $0x8;
	[hbm4b:s24+s1] =	stream.linear.scatter [tilespmem:s25], [sflag:$0x4], $0x100, $0x38;
	[tilespmem:$0x15000] =	vst v63  }
0x1ec: {  	s26 =	sadd.s32 $0x20, s24;
	s28 =	spop (v2sf)  }
0x1ed: {  	(v2sf) =	vpush v2, $0x9;
	[hbm4b:s26+s1] =	stream.linear.scatter [tilespmem:s28], [sflag:$0x4], $0x100, $0x38;
	[tilespmem:$0x15000] =	vst v63  }
0x1ee: {  	s30 =	sadd.s32 $0x40, s24;
	s31 =	spop (v2sf)  }
0x1ef: {  	(v2sf) =	vpush v2, $0xA;
	[hbm4b:s30+s1] =	stream.linear.scatter [tilespmem:s31], [sflag:$0x4], $0x100, $0x38;
	[tilespmem:$0x15000] =	vst v63  }
0x1f0: {  	s26 =	sadd.s32 $0x60, s24;
	s28 =	spop (v2sf)  }
0x1f1: {  	(v2sf) =	vpush v2, $0xB;
	[hbm4b:s26+s1] =	stream.linear.scatter [tilespmem:s28], [sflag:$0x4], $0x100, $0x38;
	[tilespmem:$0x15000] =	vst v63  }
0x1f2: {  	s30 =	sadd.s32 $0x80, s24;
	s31 =	spop (v2sf)  }
0x1f3: {  	(v2sf) =	vpush v2, $0xC;
	[hbm4b:s30+s1] =	stream.linear.scatter [tilespmem:s31], [sflag:$0x4], $0x100, $0x38;
	[tilespmem:$0x15000] =	vst v63  }
0x1f4: {  	s26 =	sadd.s32 $0xA0, s24;
	s28 =	spop (v2sf)  }
0x1f5: {  	(v2sf) =	vpush v2, $0xD;
	[hbm4b:s26+s1] =	stream.linear.scatter [tilespmem:s28], [sflag:$0x4], $0x100, $0x38;
	[tilespmem:$0x15000] =	vst v63  }
0x1f6: {  	s30 =	sadd.s32 $0xC0, s24;
	s31 =	spop (v2sf);
	(v2sf) =	vpush v2, $0xE  }
0x1f7: {  	[hbm4b:s30+s1] =	stream.linear.scatter [tilespmem:s31], [sflag:$0x4], $0x100, $0x38;
	[tilespmem:$0x15000] =	vst v63  }
0x1f8: {  	s26 =	sadd.s32 $0xE0, s24;
	s28 =	spop (v2sf);
	(v2sf) =	vpush v1, $0xF  }
0x1f9: {  	[hbm4b:s26+s1] =	stream.linear.scatter [tilespmem:s28], [sflag:$0x4], $0x100, $0x38;
	[tilespmem:$0x15000] =	vst v63  }
0x1fa: {  	s30 =	sadd.s32 $0x100, s24;
	s31 =	spop (v2sf)  }
0x1fb: {  	[hbm4b:s30+s1] =	stream.linear.scatter [tilespmem:s31], [sflag:$0x4], $0x100, $0x38;
	[tilespmem:$0x15000] =	vst v63  }
0x1fc: {  	s26 =	sadd.s32 $0x120, s24;
	s28 =	spop (v2sf)  }
0x1fd: {  	[hbm4b:s26+s1] =	stream.linear.scatter [tilespmem:s28], [sflag:$0x4], $0x100, $0x38;
	[tilespmem:$0x15000] =	vst v63  }
0x1fe: {  	s30 =	sadd.s32 $0x140, s24;
	s31 =	spop (v2sf)  }
0x1ff: {  	[hbm4b:s30+s1] =	stream.linear.scatter [tilespmem:s31], [sflag:$0x4], $0x100, $0x38;
	[tilespmem:$0x15000] =	vst v63  }
0x200: {  	s23 =	sadd.s32 $0x800, s23;
	s26 =	sadd.s32 $0x160, s24;
	s28 =	spop (v2sf)  }
0x201: {  	[hbm4b:s26+s1] =	stream.linear.scatter [tilespmem:s28], [sflag:$0x4], $0x100, $0x38;
	[tilespmem:$0x15000] =	vst v63  }
0x202: {  	p0 =	sne.s32 s23, $0x10000;
	s30 =	sadd.s32 $0x180, s24;
	s31 =	spop (v2sf)  }
0x203: {  	[hbm4b:s30+s1] =	stream.linear.scatter [tilespmem:s31], [sflag:$0x4], $0x100, $0x38;
	[tilespmem:$0x15000] =	vst v63  }
.Ltmp3:
0x204: {  	s28 =	spop (v2sf);
	(pc) =	sbr.rel @p0 .LBB2_3-.Ltmp3, $4  }
0x205: {  	s26 =	sadd.s32 $0x1A0, s24;
	s31 =	spop (v2sf)  }
0x206: {  	[hbm4b:s26+s1] =	stream.linear.scatter [tilespmem:s28], [sflag:$0x4], $0x100, $0x38;
	[tilespmem:$0x15000] =	vst v63  }
0x207: {  	s30 =	sadd.s32 $0x1C0, s24;
	s26 =	sadd.s32 $0x1E0, s24;
	s24 =	spop (v2sf)  }
0x208: {  	[hbm4b:s30+s1] =	stream.linear.scatter [tilespmem:s31], [sflag:$0x4], $0x100, $0x38;
	[tilespmem:$0x15000] =	vst v63  }
0x209: {  	s23 =	sadd.s32 $0x4000, s24  }
0x20a: {  	[hbm4b:s26+s1] =	stream.linear.scatter [tilespmem:s23], [sflag:$0x4], $0x100, $0x38;
	[tilespmem:$0x15000] =	vst v63  }
0x20b: {  	_ =	swait.ge [sflag:s8], $0x1000  }
0x20c: {  	[sflag:s8] =	ssyncset.done $0x0  }
0x20d: {  	[sflag:s8] =	ssyncadd.s32 $0xFFFFF000  }
0x20e: {  	_ =	swait.ge [sflag:s9], $0x1000  }
0x20f: {  	[sflag:s9] =	ssyncset.done $0x0  }
0x210: {  	[sflag:s9] =	ssyncadd.s32 $0xFFFFF000  }
0x211: {  	_ =	swait.ge [sflag:s10], $0x1000  }
.Ltmp4:
0x212: {  	[sflag:s10] =	ssyncset.done $0x0;
	(pc) =	sbr.rel .LBB2_8-.Ltmp4, $4  }
0x213: {  	[sflag:s10] =	ssyncadd.s32 $0xFFFFF000  }
0x214: {  	_ =	swait.ge [sflag:s11], $0x1000  }
0x215: {  	[sflag:s11] =	ssyncset.done $0x0  }
0x216: {  	[sflag:s11] =	ssyncadd.s32 $0xFFFFF000  }
.LBB2_5:
0x217: {  	s23 =	simm.s32 $0x0  }
0x218: {  	v0 =	vld [tilespmem:s23+$0x0];
	_ =	sdelay $0x4  }
0x219: {  	v0 =	vshll.u32 v0, $0x8  }
0x21a: {  	v0 =	vshrl.u32 v0, $0x3  }
0x21b: {  	v0 =	vadd.s32 s3, v0  }
0x21c: {  	(v2sf) =	vpush v0, $0x0;
	_ =	sdelay $0x1  }
0x21d: {  	(v2sf) =	vpush v0, $0x1;
	_ =	sdelay $0x1  }
0x21e: {  	(v2sf) =	vpush v0, $0x2;
	_ =	sdelay $0x1  }
0x21f: {  	(v2sf) =	vpush v0, $0x3;
	_ =	sdelay $0x1  }
0x220: {  	(v2sf) =	vpush v0, $0x4;
	_ =	sdelay $0x1  }
0x221: {  	(v2sf) =	vpush v0, $0x5;
	_ =	sdelay $0x1  }
0x222: {  	(v2sf) =	vpush v0, $0x6;
	_ =	sdelay $0x1  }
0x223: {  	(v2sf) =	vpush v0, $0x7  }
0x224: {  	s24 =	spop (v2sf)  }
0x225: {  	(v2sf) =	vpush v0, $0x8;
	[tilespmem:s12], [sflag:$0x1] =	stream.linear.gather [hbm4b:s24+s1], $0x100, $0x38;
	[tilespmem:$0x15000] =	vst v63  }
0x226: {  	s28 =	rddreg [dreg:$0x4];
	s25 =	spop (v2sf)  }
0x227: {  	(v2sf) =	vpush v0, $0x9;
	[tilespmem:s28], [sflag:$0x1] =	stream.linear.gather [hbm4b:s25+s1], $0x100, $0x38;
	[tilespmem:$0x15000] =	vst v63  }
0x228: {  	s29 =	rddreg [dreg:$0x5];
	s31 =	spop (v2sf)  }
0x229: {  	(v2sf) =	vpush v0, $0xA;
	[tilespmem:s29], [sflag:$0x1] =	stream.linear.gather [hbm4b:s31+s1], $0x100, $0x38;
	[tilespmem:$0x15000] =	vst v63  }
0x22a: {  	s30 =	rddreg [dreg:$0x6];
	s28 =	spop (v2sf)  }
0x22b: {  	(v2sf) =	vpush v0, $0xB;
	[tilespmem:s30], [sflag:$0x1] =	stream.linear.gather [hbm4b:s28+s1], $0x100, $0x38;
	[tilespmem:$0x15000] =	vst v63  }
0x22c: {  	s26 =	rddreg [dreg:$0x7];
	s30 =	spop (v2sf)  }
0x22d: {  	(v2sf) =	vpush v0, $0xC;
	[tilespmem:s26], [sflag:$0x1] =	stream.linear.gather [hbm4b:s30+s1], $0x100, $0x38;
	[tilespmem:$0x15000] =	vst v63  }
0x22e: {  	s29 =	rddreg [dreg:$0x8];
	s26 =	spop (v2sf)  }
0x22f: {  	(v2sf) =	vpush v0, $0xD;
	[tilespmem:s29], [sflag:$0x1] =	stream.linear.gather [hbm4b:s26+s1], $0x100, $0x38;
	[tilespmem:$0x15000] =	vst v63  }
0x230: {  	s31 =	rddreg [dreg:$0x9];
	s28 =	spop (v2sf)  }
0x231: {  	(v2sf) =	vpush v0, $0xE;
	[tilespmem:s31], [sflag:$0x1] =	stream.linear.gather [hbm4b:s28+s1], $0x100, $0x38;
	[tilespmem:$0x15000] =	vst v63  }
0x232: {  	s29 =	spop (v2sf)  }
0x233: {  	(v2sf) =	vpush v0, $0xF;
	[tilespmem:s13], [sflag:$0x1] =	stream.linear.gather [hbm4b:s29+s1], $0x100, $0x38;
	[tilespmem:$0x15000] =	vst v63  }
0x234: {  	s30 =	spop (v2sf)  }
0x235: {  	[tilespmem:s14], [sflag:$0x1] =	stream.linear.gather [hbm4b:s30+s1], $0x100, $0x38;
	[tilespmem:$0x15000] =	vst v63  }
0x236: {  	s31 =	spop (v2sf)  }
0x237: {  	[tilespmem:s15], [sflag:$0x1] =	stream.linear.gather [hbm4b:s31+s1], $0x100, $0x38;
	[tilespmem:$0x15000] =	vst v63  }
0x238: {  	s24 =	spop (v2sf)  }
0x239: {  	[tilespmem:s16], [sflag:$0x1] =	stream.linear.gather [hbm4b:s24+s1], $0x100, $0x38;
	[tilespmem:$0x15000] =	vst v63  }
0x23a: {  	s25 =	spop (v2sf)  }
0x23b: {  	[tilespmem:s17], [sflag:$0x1] =	stream.linear.gather [hbm4b:s25+s1], $0x100, $0x38;
	[tilespmem:$0x15000] =	vst v63  }
0x23c: {  	s26 =	spop (v2sf)  }
0x23d: {  	[tilespmem:s18], [sflag:$0x1] =	stream.linear.gather [hbm4b:s26+s1], $0x100, $0x38;
	[tilespmem:$0x15000] =	vst v63  }
0x23e: {  	s28 =	spop (v2sf)  }
0x23f: {  	[tilespmem:s19], [sflag:$0x1] =	stream.linear.gather [hbm4b:s28+s1], $0x100, $0x38;
	[tilespmem:$0x15000] =	vst v63  }
0x240: {  	s29 =	spop (v2sf)  }
0x241: {  	[tilespmem:s20], [sflag:$0x1] =	stream.linear.gather [hbm4b:s29+s1], $0x100, $0x38;
	[tilespmem:$0x15000] =	vst v63  }
0x242: {  	s30 =	spop (v2sf)  }
0x243: {  	[tilespmem:s21], [sflag:$0x1] =	stream.linear.gather [hbm4b:s30+s1], $0x100, $0x38;
	[tilespmem:$0x15000] =	vst v63  }
0x244: {  	_ =	swait.ge [sflag:s8], $0x100  }
0x245: {  	[sflag:s8] =	ssyncset.done $0x0  }
0x246: {  	[sflag:s8] =	ssyncadd.s32 $0xFFFFFF00  }
0x247: {  	_ =	swait.ge [sflag:s8], $0x100  }
0x248: {  	[sflag:s8] =	ssyncset.done $0x0  }
0x249: {  	[sflag:s8] =	ssyncadd.s32 $0xFFFFFF00  }
0x24a: {  	_ =	swait.ge [sflag:s8], $0x100  }
0x24b: {  	[sflag:s8] =	ssyncset.done $0x0  }
0x24c: {  	[sflag:s8] =	ssyncadd.s32 $0xFFFFFF00  }
0x24d: {  	_ =	swait.ge [sflag:s8], $0x100  }
0x24e: {  	[sflag:s8] =	ssyncset.done $0x0  }
0x24f: {  	[sflag:s8] =	ssyncadd.s32 $0xFFFFFF00  }
0x250: {  	_ =	swait.ge [sflag:s8], $0x100  }
0x251: {  	[sflag:s8] =	ssyncset.done $0x0  }
0x252: {  	[sflag:s8] =	ssyncadd.s32 $0xFFFFFF00  }
0x253: {  	_ =	swait.ge [sflag:s8], $0x100  }
0x254: {  	[sflag:s8] =	ssyncset.done $0x0  }
0x255: {  	[sflag:s8] =	ssyncadd.s32 $0xFFFFFF00  }
0x256: {  	_ =	swait.ge [sflag:s8], $0x100  }
0x257: {  	[sflag:s8] =	ssyncset.done $0x0  }
0x258: {  	[sflag:s8] =	ssyncadd.s32 $0xFFFFFF00  }
0x259: {  	_ =	swait.ge [sflag:s8], $0x100  }
0x25a: {  	[sflag:s8] =	ssyncset.done $0x0  }
0x25b: {  	[sflag:s8] =	ssyncadd.s32 $0xFFFFFF00  }
0x25c: {  	_ =	swait.ge [sflag:s8], $0x100  }
0x25d: {  	[sflag:s8] =	ssyncset.done $0x0  }
0x25e: {  	[sflag:s8] =	ssyncadd.s32 $0xFFFFFF00  }
0x25f: {  	_ =	swait.ge [sflag:s8], $0x100  }
0x260: {  	[sflag:s8] =	ssyncset.done $0x0  }
0x261: {  	[sflag:s8] =	ssyncadd.s32 $0xFFFFFF00  }
0x262: {  	_ =	swait.ge [sflag:s8], $0x100  }
0x263: {  	[sflag:s8] =	ssyncset.done $0x0  }
0x264: {  	[sflag:s8] =	ssyncadd.s32 $0xFFFFFF00  }
0x265: {  	_ =	swait.ge [sflag:s8], $0x100  }
0x266: {  	[sflag:s8] =	ssyncset.done $0x0  }
0x267: {  	[sflag:s8] =	ssyncadd.s32 $0xFFFFFF00  }
0x268: {  	_ =	swait.ge [sflag:s8], $0x100  }
0x269: {  	[sflag:s8] =	ssyncset.done $0x0  }
0x26a: {  	[sflag:s8] =	ssyncadd.s32 $0xFFFFFF00  }
0x26b: {  	_ =	swait.ge [sflag:s8], $0x100  }
0x26c: {  	[sflag:s8] =	ssyncset.done $0x0  }
0x26d: {  	[sflag:s8] =	ssyncadd.s32 $0xFFFFFF00  }
0x26e: {  	_ =	swait.ge [sflag:s8], $0x100  }
0x26f: {  	[sflag:s8] =	ssyncset.done $0x0  }
0x270: {  	[sflag:s8] =	ssyncadd.s32 $0xFFFFFF00  }
0x271: {  	_ =	swait.ge [sflag:s8], $0x100  }
0x272: {  	s31 =	rddreg [dreg:$0x3];
	[sflag:s8] =	ssyncset.done $0x0  }
0x273: {  	[sflag:s8] =	ssyncadd.s32 $0xFFFFFF00;
	s23 =	sadd.s32 $0x0, s31  }
0x274: {  	[hbm4b:s23+s1] =	stream.linear.scatter [tilespmem:s12], [sflag:$0x5], $0x1000, $0x38;
	[tilespmem:$0x15000] =	vst v63  }
0x275: {  	_ =	swait.ge [sflag:s6], $0x1000  }
0x276: {  	s26 =	simm.s32 $0x400;
	s23 =	simm.s32 $0x200;
	[sflag:s6] =	ssyncset.done $0x0  }
.LBB2_6:
0x277: {  	s28 =	sshra.s32 s23, $0x2;
	[sflag:s6] =	ssyncadd.s32 $0xFFFFF000  }
0x278: {  	v0 =	vld [tilespmem:s28+$0x0];
	_ =	sdelay $0x4  }
0x279: {  	v0 =	vshll.u32 v0, $0x8  }
0x27a: {  	v0 =	vshrl.u32 v0, $0x3  }
0x27b: {  	v0 =	vadd.s32 s3, v0  }
0x27c: {  	(v2sf) =	vpush v0, $0x0;
	_ =	sdelay $0x1  }
0x27d: {  	(v2sf) =	vpush v0, $0x1;
	_ =	sdelay $0x1  }
0x27e: {  	(v2sf) =	vpush v0, $0x2;
	_ =	sdelay $0x1  }
0x27f: {  	(v2sf) =	vpush v0, $0x3;
	_ =	sdelay $0x1  }
0x280: {  	(v2sf) =	vpush v0, $0x4;
	_ =	sdelay $0x1  }
0x281: {  	(v2sf) =	vpush v0, $0x5;
	_ =	sdelay $0x1  }
0x282: {  	(v2sf) =	vpush v0, $0x6;
	_ =	sdelay $0x1  }
0x283: {  	(v2sf) =	vpush v0, $0x7  }
0x284: {  	s29 =	spop (v2sf)  }
0x285: {  	(v2sf) =	vpush v0, $0x8;
	[tilespmem:s12], [sflag:$0x1] =	stream.linear.gather [hbm4b:s29+s1], $0x100, $0x38;
	[tilespmem:$0x15000] =	vst v63  }
0x286: {  	s25 =	smov.u32 s26;
	s31 =	rddreg [dreg:$0x4];
	s29 =	spop (v2sf)  }
0x287: {  	(v2sf) =	vpush v0, $0x9;
	[tilespmem:s31], [sflag:$0x1] =	stream.linear.gather [hbm4b:s29+s1], $0x100, $0x38;
	[tilespmem:$0x15000] =	vst v63  }
0x288: {  	s24 =	sadd.s32 $0x200, s26;
	s30 =	rddreg [dreg:$0x5];
	s31 =	spop (v2sf)  }
0x289: {  	(v2sf) =	vpush v0, $0xA;
	[tilespmem:s30], [sflag:$0x1] =	stream.linear.gather [hbm4b:s31+s1], $0x100, $0x38;
	[tilespmem:$0x15000] =	vst v63  }
0x28a: {  	p0 =	sne.s32 s26, $0xFE00;
	s26 =	rddreg [dreg:$0x6];
	s30 =	spop (v2sf)  }
0x28b: {  	(v2sf) =	vpush v0, $0xB;
	[tilespmem:s26], [sflag:$0x1] =	stream.linear.gather [hbm4b:s30+s1], $0x100, $0x38;
	[tilespmem:$0x15000] =	vst v63  }
0x28c: {  	s28 =	rddreg [dreg:$0x7];
	s31 =	spop (v2sf)  }
0x28d: {  	(v2sf) =	vpush v0, $0xC;
	[tilespmem:s28], [sflag:$0x1] =	stream.linear.gather [hbm4b:s31+s1], $0x100, $0x38;
	[tilespmem:$0x15000] =	vst v63  }
0x28e: {  	s26 =	rddreg [dreg:$0x8];
	s31 =	spop (v2sf)  }
0x28f: {  	(v2sf) =	vpush v0, $0xD;
	[tilespmem:s26], [sflag:$0x1] =	stream.linear.gather [hbm4b:s31+s1], $0x100, $0x38;
	[tilespmem:$0x15000] =	vst v63  }
0x290: {  	s30 =	rddreg [dreg:$0x9];
	s29 =	spop (v2sf)  }
0x291: {  	(v2sf) =	vpush v0, $0xE;
	[tilespmem:s30], [sflag:$0x1] =	stream.linear.gather [hbm4b:s29+s1], $0x100, $0x38;
	[tilespmem:$0x15000] =	vst v63  }
0x292: {  	s30 =	spop (v2sf)  }
0x293: {  	(v2sf) =	vpush v0, $0xF;
	[tilespmem:s13], [sflag:$0x1] =	stream.linear.gather [hbm4b:s30+s1], $0x100, $0x38;
	[tilespmem:$0x15000] =	vst v63  }
0x294: {  	s31 =	spop (v2sf)  }
0x295: {  	[tilespmem:s14], [sflag:$0x1] =	stream.linear.gather [hbm4b:s31+s1], $0x100, $0x38;
	[tilespmem:$0x15000] =	vst v63  }
0x296: {  	s28 =	spop (v2sf)  }
0x297: {  	[tilespmem:s15], [sflag:$0x1] =	stream.linear.gather [hbm4b:s28+s1], $0x100, $0x38;
	[tilespmem:$0x15000] =	vst v63  }
0x298: {  	s29 =	spop (v2sf)  }
0x299: {  	[tilespmem:s16], [sflag:$0x1] =	stream.linear.gather [hbm4b:s29+s1], $0x100, $0x38;
	[tilespmem:$0x15000] =	vst v63  }
0x29a: {  	s30 =	spop (v2sf)  }
0x29b: {  	[tilespmem:s17], [sflag:$0x1] =	stream.linear.gather [hbm4b:s30+s1], $0x100, $0x38;
	[tilespmem:$0x15000] =	vst v63  }
0x29c: {  	s31 =	spop (v2sf)  }
0x29d: {  	[tilespmem:s18], [sflag:$0x1] =	stream.linear.gather [hbm4b:s31+s1], $0x100, $0x38;
	[tilespmem:$0x15000] =	vst v63  }
0x29e: {  	s28 =	spop (v2sf)  }
0x29f: {  	[tilespmem:s19], [sflag:$0x1] =	stream.linear.gather [hbm4b:s28+s1], $0x100, $0x38;
	[tilespmem:$0x15000] =	vst v63  }
0x2a0: {  	s29 =	spop (v2sf)  }
0x2a1: {  	[tilespmem:s20], [sflag:$0x1] =	stream.linear.gather [hbm4b:s29+s1], $0x100, $0x38;
	[tilespmem:$0x15000] =	vst v63  }
0x2a2: {  	s30 =	spop (v2sf)  }
0x2a3: {  	[tilespmem:s21], [sflag:$0x1] =	stream.linear.gather [hbm4b:s30+s1], $0x100, $0x38;
	[tilespmem:$0x15000] =	vst v63  }
0x2a4: {  	_ =	swait.ge [sflag:s8], $0x100  }
0x2a5: {  	[sflag:s8] =	ssyncset.done $0x0  }
0x2a6: {  	[sflag:s8] =	ssyncadd.s32 $0xFFFFFF00  }
0x2a7: {  	_ =	swait.ge [sflag:s8], $0x100  }
0x2a8: {  	[sflag:s8] =	ssyncset.done $0x0  }
0x2a9: {  	[sflag:s8] =	ssyncadd.s32 $0xFFFFFF00  }
0x2aa: {  	_ =	swait.ge [sflag:s8], $0x100  }
0x2ab: {  	[sflag:s8] =	ssyncset.done $0x0  }
0x2ac: {  	[sflag:s8] =	ssyncadd.s32 $0xFFFFFF00  }
0x2ad: {  	_ =	swait.ge [sflag:s8], $0x100  }
0x2ae: {  	[sflag:s8] =	ssyncset.done $0x0  }
0x2af: {  	[sflag:s8] =	ssyncadd.s32 $0xFFFFFF00  }
0x2b0: {  	_ =	swait.ge [sflag:s8], $0x100  }
0x2b1: {  	[sflag:s8] =	ssyncset.done $0x0  }
0x2b2: {  	[sflag:s8] =	ssyncadd.s32 $0xFFFFFF00  }
0x2b3: {  	_ =	swait.ge [sflag:s8], $0x100  }
0x2b4: {  	[sflag:s8] =	ssyncset.done $0x0  }
0x2b5: {  	[sflag:s8] =	ssyncadd.s32 $0xFFFFFF00  }
0x2b6: {  	_ =	swait.ge [sflag:s8], $0x100  }
0x2b7: {  	[sflag:s8] =	ssyncset.done $0x0  }
0x2b8: {  	[sflag:s8] =	ssyncadd.s32 $0xFFFFFF00  }
0x2b9: {  	_ =	swait.ge [sflag:s8], $0x100  }
0x2ba: {  	[sflag:s8] =	ssyncset.done $0x0  }
0x2bb: {  	[sflag:s8] =	ssyncadd.s32 $0xFFFFFF00  }
0x2bc: {  	_ =	swait.ge [sflag:s8], $0x100  }
0x2bd: {  	[sflag:s8] =	ssyncset.done $0x0  }
0x2be: {  	[sflag:s8] =	ssyncadd.s32 $0xFFFFFF00  }
0x2bf: {  	_ =	swait.ge [sflag:s8], $0x100  }
0x2c0: {  	[sflag:s8] =	ssyncset.done $0x0  }
0x2c1: {  	[sflag:s8] =	ssyncadd.s32 $0xFFFFFF00  }
0x2c2: {  	_ =	swait.ge [sflag:s8], $0x100  }
0x2c3: {  	[sflag:s8] =	ssyncset.done $0x0  }
0x2c4: {  	[sflag:s8] =	ssyncadd.s32 $0xFFFFFF00  }
0x2c5: {  	_ =	swait.ge [sflag:s8], $0x100  }
0x2c6: {  	[sflag:s8] =	ssyncset.done $0x0  }
0x2c7: {  	[sflag:s8] =	ssyncadd.s32 $0xFFFFFF00  }
0x2c8: {  	_ =	swait.ge [sflag:s8], $0x100  }
0x2c9: {  	[sflag:s8] =	ssyncset.done $0x0  }
0x2ca: {  	[sflag:s8] =	ssyncadd.s32 $0xFFFFFF00  }
0x2cb: {  	_ =	swait.ge [sflag:s8], $0x100  }
0x2cc: {  	[sflag:s8] =	ssyncset.done $0x0  }
0x2cd: {  	[sflag:s8] =	ssyncadd.s32 $0xFFFFFF00  }
0x2ce: {  	_ =	swait.ge [sflag:s8], $0x100  }
0x2cf: {  	[sflag:s8] =	ssyncset.done $0x0  }
0x2d0: {  	[sflag:s8] =	ssyncadd.s32 $0xFFFFFF00  }
0x2d1: {  	_ =	swait.ge [sflag:s8], $0x100  }
.Ltmp5:
0x2d2: {  	s31 =	rddreg [dreg:$0x3];
	[sflag:s8] =	ssyncset.done $0x0;
	(pc) =	sbr.rel @p0 .LBB2_6-.Ltmp5, $4  }
0x2d3: {  	[sflag:s8] =	ssyncadd.s32 $0xFFFFFF00;
	s26 =	sadd.s32 s23, s31  }
0x2d4: {  	[hbm4b:s26+s1] =	stream.linear.scatter [tilespmem:s12], [sflag:$0x5], $0x1000, $0x38;
	[tilespmem:$0x15000] =	vst v63  }
0x2d5: {  	_ =	swait.ge [sflag:s6], $0x1000  }
0x2d6: {  	s23 =	smov.u32 s25;
	s26 =	smov.u32 s24;
	[sflag:s6] =	ssyncset.done $0x0  }
.Ltmp6:
0x2d7: {  	_ = 	snop;
	(pc) =	sbr.rel .LBB2_7-.Ltmp6, $1  }
0x2d8: {  	_ =	sdelay $0x3  }
.LBB2_9:
0x2d9: {  	_ =	sfence.sel $0x180000  }
0x2da: {  	[bflag:$0x0] =	sbarrier.arrive $0xFFFF  }
0x2db: {  	p0 =	sne.s32 s2, $0x0;
	_ =	strace $0x90000047  }
0x2dc: {  	s0 =	sadd.s32 @!p0 $0x100000, s0;
	[bflag:$0x2] =	sbarrier.arrive $0xFFFF  }
0x2dd: {  	[sflag:s0] =	ssyncadd.tile.s32 @!p0 $0x1;
	_ =	shalt  }
.Lfunc_end2:
_tile_overlayer_lowered:
.L_overlay_start_2:
0x2de: {  	(tag) =	ssettag $0x2  }
0x2df: {  	s0 =	rddreg [dreg:$0x0];
	s2 =	stileid.u32  }
0x2e0: {  	s1 =	rddreg [dreg:$0x1];
	p0 =	sne.s32 s2, $0x0  }
0x2e1: {  	s3 =	rddreg [dreg:$0x2];
	[bflag:$0x3] =	sbarrier.arrive $0xFFFF;
	s2 =	simm.s32 @!p0 $0x1C05  }
0x2e2: {  	[timem:s3], [sflag:s2] =	dma.local @!p0 [hbm:s0], s1  }
0x2e3: {  	s0 =	simm.s32 @!p0 $0x5  }
0x2e4: {  	_ =	swait.ge @!p0 [sflag:s0], s1  }
0x2e5: {  	s1 =	ssub.s32 @!p0 $0x0, s1;
	[sflag:s0] =	ssyncset.done @!p0 $0x0  }
0x2e6: {  	[sflag:s0] =	ssyncadd.s32 @!p0 s1  }
0x2e7: {  	[bflag:$0x3] =	sbarrier.arrive $0xFFFF  }
0x2e8: {  	_ =	shalt  }

</sc_bundles>
